<compile_context>
chip_gen: v7x
topology: tpu7x:2x2x1
jax: 0.10.2.dev20260603
libtpu: 0.0.44.dev20260713+nightly
codegen_flags: <defaults>
</compile_context>

<pallas_src>
import functools

import jax
import jax.numpy as jnp
from jax import lax
from jax.experimental import pallas as pl
from jax.experimental.pallas import tpu as pltpu
from jax.experimental.pallas import tpu_sc as plsc

B, L = 4096, 200
N = B * L
POI_DIM = 128
HOUR_DIM = 16
WKND_DIM = 8
USER_DIM = 64
HW_DIM = HOUR_DIM + WKND_DIM
TAIL_DIM = HW_DIM + USER_DIM
OUT_DIM = POI_DIM + TAIL_DIM

NUM_CORES = 2
NUM_SUBCORES = 16
NW = NUM_CORES * NUM_SUBCORES
ROWS_PER_W = B // NW
CHUNK = L
NCHUNK = ROWS_PER_W
IDX_GROUPS = ((0, 128), (128, 72))
HW_OFFS = tuple([k * 16 for k in range(L // 16)] + [L - 16])


def _emb_body(poi_hbm, hour_hbm, wknd_hbm, user_hbm,
              hw_tbl, u_tbl, out_hbm,
              h_idx, w_idx, u_idx, hw_idx, hw_rows, t_rows, p_rows,
              sem_i0, sem_i1, sem_g0, sem_g1, sem_w0, sem_w1):
    wid = lax.axis_index("s") * NUM_CORES + lax.axis_index("c")
    w_base = wid * ROWS_PER_W
    sem_i = (sem_i0, sem_i1)
    sem_g = (sem_g0, sem_g1)
    sem_w = (sem_w0, sem_w1)

    def fire_idx(i, p):
        tsl = pl.ds((w_base + i) * CHUNK, CHUNK)
        pltpu.async_copy(hour_hbm.at[tsl], h_idx.at[p], sem_i[p])
        pltpu.async_copy(wknd_hbm.at[tsl], w_idx.at[p], sem_i[p])
        pltpu.async_copy(user_hbm.at[tsl], u_idx.at[p], sem_i[p])

    def wait_idx(p):
        for dst in (h_idx, w_idx, u_idx):
            pltpu.make_async_copy(hour_hbm.at[pl.ds(0, CHUNK)],
                                  dst.at[p], sem_i[p]).wait()

    def compute_hw(p):
        for off in HW_OFFS:
            sl = pl.ds(off, 16)
            hw_idx[p, sl] = h_idx[p, sl] * 3 + w_idx[p, sl]

    def fire_pg(i, p):
        for (off, ln) in IDX_GROUPS:
            d = pl.ds(off, ln)
            pltpu.async_copy(u_tbl.at[u_idx.at[p, d]], t_rows.at[p, d],
                             sem_g[p])
            pltpu.async_copy(hw_tbl.at[hw_idx.at[p, d]], hw_rows.at[p, d],
                             sem_g[p])
        pltpu.async_copy(poi_hbm.at[w_base + i], p_rows.at[p], sem_g[p])

    def wait_pg(p):
        for (off, ln) in IDX_GROUPS:
            d = pl.ds(off, ln)
            pltpu.make_async_copy(u_tbl.at[pl.ds(0, ln)],
                                  t_rows.at[p, d], sem_g[p]).wait()
            pltpu.make_async_copy(u_tbl.at[pl.ds(0, ln), pl.ds(0, HW_DIM)],
                                  hw_rows.at[p, d], sem_g[p]).wait()
        pltpu.make_async_copy(poi_hbm.at[0], p_rows.at[p], sem_g[p]).wait()

    def overlay(p):
        def tok_body(t):
            t_rows[p, t, pl.ds(0, 16)] = hw_rows[p, t, pl.ds(0, 16)]
            t_rows[p, t, pl.ds(8, 16)] = hw_rows[p, t, pl.ds(8, 16)]
        pl.loop(0, CHUNK, unroll=8)(tok_body)

    def fire_write(i, p):
        out = out_hbm.at[pl.ds((w_base + i) * CHUNK, CHUNK)]
        pltpu.async_copy(p_rows.at[p], out.at[:, pl.ds(0, POI_DIM)],
                         sem_w[p])
        pltpu.async_copy(t_rows.at[p], out.at[:, pl.ds(POI_DIM, TAIL_DIM)],
                         sem_w[p])

    def drain_write(p):
        out = out_hbm.at[pl.ds(0, CHUNK)]
        pltpu.make_async_copy(p_rows.at[p], out.at[:, pl.ds(0, POI_DIM)],
                              sem_w[p]).wait()
        pltpu.make_async_copy(t_rows.at[p],
                              out.at[:, pl.ds(POI_DIM, TAIL_DIM)],
                              sem_w[p]).wait()

    fire_idx(0, 0)
    wait_idx(0)
    compute_hw(0)
    fire_pg(0, 0)
    fire_idx(1, 1)

    def step(i, p):
        @pl.when(i + 1 < NCHUNK)
        def _():
            wait_idx(1 - p)
            compute_hw(1 - p)
        wait_pg(p)
        @pl.when(i + 1 < NCHUNK)
        def _():
            fire_pg(i + 1, 1 - p)
        @pl.when(i + 2 < NCHUNK)
        def _():
            fire_idx(i + 2, p)
        @pl.when(i >= 2)
        def _():
            drain_write(p)
        overlay(p)
        fire_write(i, p)

    def pair_body(j):
        step(2 * j, 0)
        step(2 * j + 1, 1)
    pl.loop(0, NCHUNK // 2)(pair_body)
    drain_write(0)
    drain_write(1)


_mesh = plsc.VectorSubcoreMesh(core_axis_name="c", subcore_axis_name="s")

_emb_kernel = functools.partial(
    pl.kernel,
    out_type=jax.ShapeDtypeStruct((N, OUT_DIM), jnp.float32),
    mesh=_mesh,
    compiler_params=pltpu.CompilerParams(use_tc_tiling_on_sc=False),
    scratch_types=[
        pltpu.VMEM((2, CHUNK), jnp.int32),
        pltpu.VMEM((2, CHUNK), jnp.int32),
        pltpu.VMEM((2, CHUNK), jnp.int32),
        pltpu.VMEM((2, CHUNK), jnp.int32),
        pltpu.VMEM((2, CHUNK, HW_DIM), jnp.float32),
        pltpu.VMEM((2, CHUNK, TAIL_DIM), jnp.float32),
        pltpu.VMEM((2, CHUNK, POI_DIM), jnp.float32),
        pltpu.SemaphoreType.DMA,
        pltpu.SemaphoreType.DMA,
        pltpu.SemaphoreType.DMA,
        pltpu.SemaphoreType.DMA,
        pltpu.SemaphoreType.DMA,
        pltpu.SemaphoreType.DMA,
    ],
)(_emb_body)


@jax.jit
def kernel(seq_poi_embeddings, hour_set, isweekend_set, user_set,
           hour_table, isweekend_table, user_table):
    hour = hour_set.reshape(N)
    wknd = isweekend_set.reshape(N)
    user = user_set.reshape(N)
    h_tbl = hour_table.at[0].set(0.0)
    w_tbl = isweekend_table.at[0].set(0.0)
    hw_tbl = jnp.concatenate(
        [jnp.broadcast_to(h_tbl[:, None, :], (25, 3, HOUR_DIM)),
         jnp.broadcast_to(w_tbl[None, :, :], (25, 3, WKND_DIM))],
        axis=2).reshape(75, HW_DIM)
    u_tbl = jnp.concatenate(
        [jnp.zeros((100001, HW_DIM), jnp.float32),
         user_table.at[0].set(0.0)], axis=1)
    out = _emb_kernel(seq_poi_embeddings, hour, wknd, user, hw_tbl, u_tbl)
    return out.reshape(B, L, OUT_DIM)

# --- scband reference (transcript-rebuilt; emitter-appended) ---
"""Pipeline reference for scband-embedding-layer-74990128988633 (READ-ONLY COPY).

The authoritative reference and input builder live on the scoring server;
editing this copy changes nothing except your own understanding.
"""

import jax, jax.numpy as jnp
import numpy as np

B, L = 4096, 200
POI_DIM = 128
HOUR_NUM, HOUR_DIM = 24, 16
WKND_NUM, WKND_DIM = 2, 8
USER_NUM, USER_DIM = 100000, 64


def setup_inputs(seed: int = 0) -> dict:
    key = jax.random.key(seed)
    ks = jax.random.split(key, 7)
    seq_poi_embeddings = jax.random.normal(ks[0], (B, L, POI_DIM), dtype=jnp.float32)
    hour_set = jax.random.randint(ks[1], (B, L), 0, HOUR_NUM + 1, dtype=jnp.int64) if jax.config.jax_enable_x64 else jax.random.randint(ks[1], (B, L), 0, HOUR_NUM + 1).astype(jnp.int32)
    isweekend_set = jax.random.randint(ks[2], (B, L), 0, WKND_NUM + 1).astype(jnp.int32)
    user_set = jax.random.randint(ks[3], (B, L), 0, USER_NUM + 1).astype(jnp.int32)
    hour_table = jax.random.normal(ks[4], (HOUR_NUM + 1, HOUR_DIM), dtype=jnp.float32) * 0.02
    isweekend_table = jax.random.normal(ks[5], (WKND_NUM + 1, WKND_DIM), dtype=jnp.float32) * 0.02
    user_table = jax.random.normal(ks[6], (USER_NUM + 1, USER_DIM), dtype=jnp.float32) * 0.02
    return {
        "seq_poi_embeddings": seq_poi_embeddings,
        "hour_set": hour_set if hour_set.dtype == jnp.int32 else hour_set.astype(jnp.int32),
        "isweekend_set": isweekend_set,
        "user_set": user_set,
        "hour_table": hour_table,
        "isweekend_table": isweekend_table,
        "user_table": user_table,
    }


def reference(seq_poi_embeddings, hour_set, isweekend_set, user_set, hour_table, isweekend_table, user_table):
    # Emulate nn.Embedding(padding_idx=0): row 0 contributes zeros.
    hour_tbl = hour_table.at[0].set(0.0)
    wknd_tbl = isweekend_table.at[0].set(0.0)
    user_tbl = user_table.at[0].set(0.0)
    hour_embeddings = jnp.take(hour_tbl, hour_set, axis=0)
    isweekend_embeddings = jnp.take(wknd_tbl, isweekend_set, axis=0)
    user_embeddings = jnp.take(user_tbl, user_set, axis=0)
    seq_embeddings = jnp.concatenate(
        (seq_poi_embeddings, hour_embeddings, isweekend_embeddings, user_embeddings), axis=2
    )
    return seq_embeddings

if __name__ == "__main__":
    import jax
    _d = setup_inputs()
    print(jax.jit(kernel)(*tuple(_d.values())))

</pallas_src>

<mosaic_0001>
#map = affine_map<(d0, d1) -> (0, 0, 0)>
#map1 = affine_map<(d0, d1) -> (0)>
#map2 = affine_map<(d0, d1) -> (0, 0)>
module attributes {stable_mosaic.version = 14 : i64} {
  func.func @_emb_body(%arg0: i32, %arg1: i32, %arg2: memref<4096x200x128xf32, #tpu.memory_space<hbm>>, %arg3: memref<819200xi32, #tpu.memory_space<hbm>>, %arg4: memref<819200xi32, #tpu.memory_space<hbm>>, %arg5: memref<819200xi32, #tpu.memory_space<hbm>>, %arg6: memref<75x24xf32, #tpu.memory_space<hbm>>, %arg7: memref<100001x88xf32, #tpu.memory_space<hbm>>, %arg8: memref<819200x216xf32, #tpu.memory_space<hbm>>, %arg9: memref<2x200xi32, #tpu.memory_space<vmem>>, %arg10: memref<2x200xi32, #tpu.memory_space<vmem>>, %arg11: memref<2x200xi32, #tpu.memory_space<vmem>>, %arg12: memref<2x200xi32, #tpu.memory_space<vmem>>, %arg13: memref<2x200x24xf32, #tpu.memory_space<vmem>>, %arg14: memref<2x200x88xf32, #tpu.memory_space<vmem>>, %arg15: memref<2x200x128xf32, #tpu.memory_space<vmem>>, %arg16: memref<!tpu.dma_semaphore, #tpu.memory_space<semaphore_mem>>, %arg17: memref<!tpu.dma_semaphore, #tpu.memory_space<semaphore_mem>>, %arg18: memref<!tpu.dma_semaphore, #tpu.memory_space<semaphore_mem>>, %arg19: memref<!tpu.dma_semaphore, #tpu.memory_space<semaphore_mem>>, %arg20: memref<!tpu.dma_semaphore, #tpu.memory_space<semaphore_mem>>, %arg21: memref<!tpu.dma_semaphore, #tpu.memory_space<semaphore_mem>>) attributes {dimension_semantics = [#tpu.dimension_semantics<core_parallel>, #tpu.dimension_semantics<subcore_parallel>], iteration_bounds = array<i64: 2, 16>, scalar_prefetch = 0 : i64, scratch_operands = 13 : i64, tpu.core_type = #tpu.core_type<sc_vector_subcore>, window_params = [{transform_indices = #map}, {transform_indices = #map1}, {transform_indices = #map1}, {transform_indices = #map1}, {transform_indices = #map2}, {transform_indices = #map2}, {transform_indices = #map2}]} {
    %mul3A = arith.constant 2 : i32
    %mul3A_0 = arith.muli %arg1, %mul3A : i32
    %add3A = arith.addi %mul3A_0, %arg0 : i32
    %mul3A_1 = arith.constant 128 : i32
    %mul3A_2 = arith.muli %add3A, %mul3A_1 : i32
    %add3A_3 = arith.constant 0 : i32
    %add3A_4 = arith.addi %mul3A_2, %add3A_3 : i32
    %mul3A_5 = arith.constant 200 : i32
    %mul3A_6 = arith.muli %add3A_4, %mul3A_5 : i32
    %dma_start3A = arith.constant 0 : i32
    %dma_start3A_7 = arith.constant 0 : i32
    %dma_start3A_8 = tpu.memref_slice %arg9[%dma_start3A, %dma_start3A_7] : memref<2x200xi32, #tpu.memory_space<vmem>> -> memref<1x200xi32, #tpu.memory_space<vmem>>
    %dma_start3A_9 = tpu.memref_squeeze %dma_start3A_8 : memref<1x200xi32, #tpu.memory_space<vmem>> -> memref<200xi32, #tpu.memory_space<vmem>>
    %dma_start3A_10 = tpu.memref_slice %arg3[%mul3A_6] : memref<819200xi32, #tpu.memory_space<hbm>> -> memref<200xi32, #tpu.memory_space<hbm>>
    %dma_start3A_11 = arith.constant 0 : i32
    %dma_start3A_12 = tpu.memref_slice %arg9[%dma_start3A, %dma_start3A_11] : memref<2x200xi32, #tpu.memory_space<vmem>> -> memref<1x200xi32, #tpu.memory_space<vmem>>
    %dma_start3A_13 = tpu.memref_squeeze %dma_start3A_12 : memref<1x200xi32, #tpu.memory_space<vmem>> -> memref<200xi32, #tpu.memory_space<vmem>>
    %dma_start3A_14 = tpu.memref_slice %arg3[%mul3A_6] : memref<819200xi32, #tpu.memory_space<hbm>> -> memref<200xi32, #tpu.memory_space<hbm>>
    tpu.enqueue_dma source(%dma_start3A_14 : memref<200xi32, #tpu.memory_space<hbm>>) target(%dma_start3A_13 : memref<200xi32, #tpu.memory_space<vmem>>) target_semaphore(%arg16 : memref<!tpu.dma_semaphore, #tpu.memory_space<semaphore_mem>>)
    %dma_start3A_15 = arith.constant 0 : i32
    %dma_start3A_16 = arith.constant 0 : i32
    %dma_start3A_17 = tpu.memref_slice %arg10[%dma_start3A_15, %dma_start3A_16] : memref<2x200xi32, #tpu.memory_space<vmem>> -> memref<1x200xi32, #tpu.memory_space<vmem>>
    %dma_start3A_18 = tpu.memref_squeeze %dma_start3A_17 : memref<1x200xi32, #tpu.memory_space<vmem>> -> memref<200xi32, #tpu.memory_space<vmem>>
    %dma_start3A_19 = tpu.memref_slice %arg4[%mul3A_6] : memref<819200xi32, #tpu.memory_space<hbm>> -> memref<200xi32, #tpu.memory_space<hbm>>
    %dma_start3A_20 = arith.constant 0 : i32
    %dma_start3A_21 = tpu.memref_slice %arg10[%dma_start3A_15, %dma_start3A_20] : memref<2x200xi32, #tpu.memory_space<vmem>> -> memref<1x200xi32, #tpu.memory_space<vmem>>
    %dma_start3A_22 = tpu.memref_squeeze %dma_start3A_21 : memref<1x200xi32, #tpu.memory_space<vmem>> -> memref<200xi32, #tpu.memory_space<vmem>>
    %dma_start3A_23 = tpu.memref_slice %arg4[%mul3A_6] : memref<819200xi32, #tpu.memory_space<hbm>> -> memref<200xi32, #tpu.memory_space<hbm>>
    tpu.enqueue_dma source(%dma_start3A_23 : memref<200xi32, #tpu.memory_space<hbm>>) target(%dma_start3A_22 : memref<200xi32, #tpu.memory_space<vmem>>) target_semaphore(%arg16 : memref<!tpu.dma_semaphore, #tpu.memory_space<semaphore_mem>>)
    %dma_start3A_24 = arith.constant 0 : i32
    %dma_start3A_25 = arith.constant 0 : i32
    %dma_start3A_26 = tpu.memref_slice %arg11[%dma_start3A_24, %dma_start3A_25] : memref<2x200xi32, #tpu.memory_space<vmem>> -> memref<1x200xi32, #tpu.memory_space<vmem>>
    %dma_start3A_27 = tpu.memref_squeeze %dma_start3A_26 : memref<1x200xi32, #tpu.memory_space<vmem>> -> memref<200xi32, #tpu.memory_space<vmem>>
    %dma_start3A_28 = tpu.memref_slice %arg5[%mul3A_6] : memref<819200xi32, #tpu.memory_space<hbm>> -> memref<200xi32, #tpu.memory_space<hbm>>
    %dma_start3A_29 = arith.constant 0 : i32
    %dma_start3A_30 = tpu.memref_slice %arg11[%dma_start3A_24, %dma_start3A_29] : memref<2x200xi32, #tpu.memory_space<vmem>> -> memref<1x200xi32, #tpu.memory_space<vmem>>
    %dma_start3A_31 = tpu.memref_squeeze %dma_start3A_30 : memref<1x200xi32, #tpu.memory_space<vmem>> -> memref<200xi32, #tpu.memory_space<vmem>>
    %dma_start3A_32 = tpu.memref_slice %arg5[%mul3A_6] : memref<819200xi32, #tpu.memory_space<hbm>> -> memref<200xi32, #tpu.memory_space<hbm>>
    tpu.enqueue_dma source(%dma_start3A_32 : memref<200xi32, #tpu.memory_space<hbm>>) target(%dma_start3A_31 : memref<200xi32, #tpu.memory_space<vmem>>) target_semaphore(%arg16 : memref<!tpu.dma_semaphore, #tpu.memory_space<semaphore_mem>>)
    %dma_wait3A = arith.constant 0 : i32
    %dma_wait3A_33 = arith.constant 0 : i32
    %dma_wait3A_34 = tpu.memref_slice %arg9[%dma_wait3A, %dma_wait3A_33] : memref<2x200xi32, #tpu.memory_space<vmem>> -> memref<1x200xi32, #tpu.memory_space<vmem>>
    %dma_wait3A_35 = tpu.memref_squeeze %dma_wait3A_34 : memref<1x200xi32, #tpu.memory_space<vmem>> -> memref<200xi32, #tpu.memory_space<vmem>>
    %dma_wait3A_36 = arith.constant 0 : i32
    %dma_wait3A_37 = tpu.memref_slice %arg3[%dma_wait3A_36] : memref<819200xi32, #tpu.memory_space<hbm>> -> memref<200xi32, #tpu.memory_space<hbm>>
    %dma_wait3A_38 = arith.constant 0 : i32
    %dma_wait3A_39 = tpu.memref_slice %arg9[%dma_wait3A, %dma_wait3A_38] : memref<2x200xi32, #tpu.memory_space<vmem>> -> memref<1x200xi32, #tpu.memory_space<vmem>>
    %dma_wait3A_40 = tpu.memref_squeeze %dma_wait3A_39 : memref<1x200xi32, #tpu.memory_space<vmem>> -> memref<200xi32, #tpu.memory_space<vmem>>
    %dma_wait3A_41 = arith.constant 0 : i32
    %dma_wait3A_42 = tpu.memref_slice %arg3[%dma_wait3A_41] : memref<819200xi32, #tpu.memory_space<hbm>> -> memref<200xi32, #tpu.memory_space<hbm>>
    tpu.wait_dma2 semaphore(%arg16 : memref<!tpu.dma_semaphore, #tpu.memory_space<semaphore_mem>>) src(%dma_wait3A_42 : memref<200xi32, #tpu.memory_space<hbm>>) dst(%dma_wait3A_40 : memref<200xi32, #tpu.memory_space<vmem>>)
    %dma_wait3A_43 = arith.constant 0 : i32
    %dma_wait3A_44 = arith.constant 0 : i32
    %dma_wait3A_45 = tpu.memref_slice %arg10[%dma_wait3A_43, %dma_wait3A_44] : memref<2x200xi32, #tpu.memory_space<vmem>> -> memref<1x200xi32, #tpu.memory_space<vmem>>
    %dma_wait3A_46 = tpu.memref_squeeze %dma_wait3A_45 : memref<1x200xi32, #tpu.memory_space<vmem>> -> memref<200xi32, #tpu.memory_space<vmem>>
    %dma_wait3A_47 = arith.constant 0 : i32
    %dma_wait3A_48 = tpu.memref_slice %arg3[%dma_wait3A_47] : memref<819200xi32, #tpu.memory_space<hbm>> -> memref<200xi32, #tpu.memory_space<hbm>>
    %dma_wait3A_49 = arith.constant 0 : i32
    %dma_wait3A_50 = tpu.memref_slice %arg10[%dma_wait3A_43, %dma_wait3A_49] : memref<2x200xi32, #tpu.memory_space<vmem>> -> memref<1x200xi32, #tpu.memory_space<vmem>>
    %dma_wait3A_51 = tpu.memref_squeeze %dma_wait3A_50 : memref<1x200xi32, #tpu.memory_space<vmem>> -> memref<200xi32, #tpu.memory_space<vmem>>
    %dma_wait3A_52 = arith.constant 0 : i32
    %dma_wait3A_53 = tpu.memref_slice %arg3[%dma_wait3A_52] : memref<819200xi32, #tpu.memory_space<hbm>> -> memref<200xi32, #tpu.memory_space<hbm>>
    tpu.wait_dma2 semaphore(%arg16 : memref<!tpu.dma_semaphore, #tpu.memory_space<semaphore_mem>>) src(%dma_wait3A_53 : memref<200xi32, #tpu.memory_space<hbm>>) dst(%dma_wait3A_51 : memref<200xi32, #tpu.memory_space<vmem>>)
    %dma_wait3A_54 = arith.constant 0 : i32
    %dma_wait3A_55 = arith.constant 0 : i32
    %dma_wait3A_56 = tpu.memref_slice %arg11[%dma_wait3A_54, %dma_wait3A_55] : memref<2x200xi32, #tpu.memory_space<vmem>> -> memref<1x200xi32, #tpu.memory_space<vmem>>
    %dma_wait3A_57 = tpu.memref_squeeze %dma_wait3A_56 : memref<1x200xi32, #tpu.memory_space<vmem>> -> memref<200xi32, #tpu.memory_space<vmem>>
    %dma_wait3A_58 = arith.constant 0 : i32
    %dma_wait3A_59 = tpu.memref_slice %arg3[%dma_wait3A_58] : memref<819200xi32, #tpu.memory_space<hbm>> -> memref<200xi32, #tpu.memory_space<hbm>>
    %dma_wait3A_60 = arith.constant 0 : i32
    %dma_wait3A_61 = tpu.memref_slice %arg11[%dma_wait3A_54, %dma_wait3A_60] : memref<2x200xi32, #tpu.memory_space<vmem>> -> memref<1x200xi32, #tpu.memory_space<vmem>>
    %dma_wait3A_62 = tpu.memref_squeeze %dma_wait3A_61 : memref<1x200xi32, #tpu.memory_space<vmem>> -> memref<200xi32, #tpu.memory_space<vmem>>
    %dma_wait3A_63 = arith.constant 0 : i32
    %dma_wait3A_64 = tpu.memref_slice %arg3[%dma_wait3A_63] : memref<819200xi32, #tpu.memory_space<hbm>> -> memref<200xi32, #tpu.memory_space<hbm>>
    tpu.wait_dma2 semaphore(%arg16 : memref<!tpu.dma_semaphore, #tpu.memory_space<semaphore_mem>>) src(%dma_wait3A_64 : memref<200xi32, #tpu.memory_space<hbm>>) dst(%dma_wait3A_62 : memref<200xi32, #tpu.memory_space<vmem>>)
    %get3A = arith.constant 0 : i32
    %get3A_65 = arith.index_cast %get3A : i32 to index
    %get3A_66 = arith.constant 0 : index
    %get3A_67 = tpu.vector_load %arg9[%get3A_65, %get3A_66] {strides = array<i32>} : memref<2x200xi32, #tpu.memory_space<vmem>>, vector<1x16xi32>,
    %get3A_68 = vector.shape_cast %get3A_67 : vector<1x16xi32> to vector<16xi32>
    %mul3A_69 = arith.constant 3 : i32
    %mul3A_70 = vector.broadcast %mul3A_69 : i32 to vector<16xi32>
    %mul3A_71 = arith.muli %get3A_68, %mul3A_70 : vector<16xi32>
    %get3A_72 = arith.constant 0 : i32
    %get3A_73 = arith.index_cast %get3A_72 : i32 to index
    %get3A_74 = arith.constant 0 : index
    %get3A_75 = tpu.vector_load %arg10[%get3A_73, %get3A_74] {strides = array<i32>} : memref<2x200xi32, #tpu.memory_space<vmem>>, vector<1x16xi32>,
    %get3A_76 = vector.shape_cast %get3A_75 : vector<1x16xi32> to vector<16xi32>
    %add3A_77 = arith.addi %mul3A_71, %get3A_76 : vector<16xi32>
    %swap3A = arith.constant 0 : i32
    %swap3A_78 = arith.index_cast %swap3A : i32 to index
    %swap3A_79 = arith.constant 0 : index
    %swap3A_80 = tpu.vector_load %arg12[%swap3A_78, %swap3A_79] {strides = array<i32>} : memref<2x200xi32, #tpu.memory_space<vmem>>, vector<1x16xi32>,
    %swap3A_81 = vector.shape_cast %swap3A_80 : vector<1x16xi32> to vector<16xi32>
    %swap3A_82 = vector.shape_cast %add3A_77 : vector<16xi32> to vector<1x16xi32>
    tpu.vector_store %arg12[%swap3A_78, %swap3A_79], %swap3A_82 {strides = array<i32>} : memref<2x200xi32, #tpu.memory_space<vmem>>, vector<1x16xi32>,
    %get3A_83 = arith.constant 0 : i32
    %get3A_84 = arith.index_cast %get3A_83 : i32 to index
    %get3A_85 = arith.constant 16 : index
    %get3A_86 = tpu.vector_load %arg9[%get3A_84, %get3A_85] {strides = array<i32>} : memref<2x200xi32, #tpu.memory_space<vmem>>, vector<1x16xi32>,
    %get3A_87 = vector.shape_cast %get3A_86 : vector<1x16xi32> to vector<16xi32>
    %mul3A_88 = arith.constant 3 : i32
    %mul3A_89 = vector.broadcast %mul3A_88 : i32 to vector<16xi32>
    %mul3A_90 = arith.muli %get3A_87, %mul3A_89 : vector<16xi32>
    %get3A_91 = arith.constant 0 : i32
    %get3A_92 = arith.index_cast %get3A_91 : i32 to index
    %get3A_93 = arith.constant 16 : index
    %get3A_94 = tpu.vector_load %arg10[%get3A_92, %get3A_93] {strides = array<i32>} : memref<2x200xi32, #tpu.memory_space<vmem>>, vector<1x16xi32>,
    %get3A_95 = vector.shape_cast %get3A_94 : vector<1x16xi32> to vector<16xi32>
    %add3A_96 = arith.addi %mul3A_90, %get3A_95 : vector<16xi32>
    %swap3A_97 = arith.constant 0 : i32
    %swap3A_98 = arith.index_cast %swap3A_97 : i32 to index
    %swap3A_99 = arith.constant 16 : index
    %swap3A_100 = tpu.vector_load %arg12[%swap3A_98, %swap3A_99] {strides = array<i32>} : memref<2x200xi32, #tpu.memory_space<vmem>>, vector<1x16xi32>,
    %swap3A_101 = vector.shape_cast %swap3A_100 : vector<1x16xi32> to vector<16xi32>
    %swap3A_102 = vector.shape_cast %add3A_96 : vector<16xi32> to vector<1x16xi32>
    tpu.vector_store %arg12[%swap3A_98, %swap3A_99], %swap3A_102 {strides = array<i32>} : memref<2x200xi32, #tpu.memory_space<vmem>>, vector<1x16xi32>,
    %get3A_103 = arith.constant 0 : i32
    %get3A_104 = arith.index_cast %get3A_103 : i32 to index
    %get3A_105 = arith.constant 32 : index
    %get3A_106 = tpu.vector_load %arg9[%get3A_104, %get3A_105] {strides = array<i32>} : memref<2x200xi32, #tpu.memory_space<vmem>>, vector<1x16xi32>,
    %get3A_107 = vector.shape_cast %get3A_106 : vector<1x16xi32> to vector<16xi32>
    %mul3A_108 = arith.constant 3 : i32
    %mul3A_109 = vector.broadcast %mul3A_108 : i32 to vector<16xi32>
    %mul3A_110 = arith.muli %get3A_107, %mul3A_109 : vector<16xi32>
    %get3A_111 = arith.constant 0 : i32
    %get3A_112 = arith.index_cast %get3A_111 : i32 to index
    %get3A_113 = arith.constant 32 : index
    %get3A_114 = tpu.vector_load %arg10[%get3A_112, %get3A_113] {strides = array<i32>} : memref<2x200xi32, #tpu.memory_space<vmem>>, vector<1x16xi32>,
    %get3A_115 = vector.shape_cast %get3A_114 : vector<1x16xi32> to vector<16xi32>
    %add3A_116 = arith.addi %mul3A_110, %get3A_115 : vector<16xi32>
    %swap3A_117 = arith.constant 0 : i32
    %swap3A_118 = arith.index_cast %swap3A_117 : i32 to index
    %swap3A_119 = arith.constant 32 : index
    %swap3A_120 = tpu.vector_load %arg12[%swap3A_118, %swap3A_119] {strides = array<i32>} : memref<2x200xi32, #tpu.memory_space<vmem>>, vector<1x16xi32>,
    %swap3A_121 = vector.shape_cast %swap3A_120 : vector<1x16xi32> to vector<16xi32>
    %swap3A_122 = vector.shape_cast %add3A_116 : vector<16xi32> to vector<1x16xi32>
    tpu.vector_store %arg12[%swap3A_118, %swap3A_119], %swap3A_122 {strides = array<i32>} : memref<2x200xi32, #tpu.memory_space<vmem>>, vector<1x16xi32>,
    %get3A_123 = arith.constant 0 : i32
    %get3A_124 = arith.index_cast %get3A_123 : i32 to index
    %get3A_125 = arith.constant 48 : index
    %get3A_126 = tpu.vector_load %arg9[%get3A_124, %get3A_125] {strides = array<i32>} : memref<2x200xi32, #tpu.memory_space<vmem>>, vector<1x16xi32>,
    %get3A_127 = vector.shape_cast %get3A_126 : vector<1x16xi32> to vector<16xi32>
    %mul3A_128 = arith.constant 3 : i32
    %mul3A_129 = vector.broadcast %mul3A_128 : i32 to vector<16xi32>
    %mul3A_130 = arith.muli %get3A_127, %mul3A_129 : vector<16xi32>
    %get3A_131 = arith.constant 0 : i32
    %get3A_132 = arith.index_cast %get3A_131 : i32 to index
    %get3A_133 = arith.constant 48 : index
    %get3A_134 = tpu.vector_load %arg10[%get3A_132, %get3A_133] {strides = array<i32>} : memref<2x200xi32, #tpu.memory_space<vmem>>, vector<1x16xi32>,
    %get3A_135 = vector.shape_cast %get3A_134 : vector<1x16xi32> to vector<16xi32>
    %add3A_136 = arith.addi %mul3A_130, %get3A_135 : vector<16xi32>
    %swap3A_137 = arith.constant 0 : i32
    %swap3A_138 = arith.index_cast %swap3A_137 : i32 to index
    %swap3A_139 = arith.constant 48 : index
    %swap3A_140 = tpu.vector_load %arg12[%swap3A_138, %swap3A_139] {strides = array<i32>} : memref<2x200xi32, #tpu.memory_space<vmem>>, vector<1x16xi32>,
    %swap3A_141 = vector.shape_cast %swap3A_140 : vector<1x16xi32> to vector<16xi32>
    %swap3A_142 = vector.shape_cast %add3A_136 : vector<16xi32> to vector<1x16xi32>
    tpu.vector_store %arg12[%swap3A_138, %swap3A_139], %swap3A_142 {strides = array<i32>} : memref<2x200xi32, #tpu.memory_space<vmem>>, vector<1x16xi32>,
    %get3A_143 = arith.constant 0 : i32
    %get3A_144 = arith.index_cast %get3A_143 : i32 to index
    %get3A_145 = arith.constant 64 : index
    %get3A_146 = tpu.vector_load %arg9[%get3A_144, %get3A_145] {strides = array<i32>} : memref<2x200xi32, #tpu.memory_space<vmem>>, vector<1x16xi32>,
    %get3A_147 = vector.shape_cast %get3A_146 : vector<1x16xi32> to vector<16xi32>
    %mul3A_148 = arith.constant 3 : i32
    %mul3A_149 = vector.broadcast %mul3A_148 : i32 to vector<16xi32>
    %mul3A_150 = arith.muli %get3A_147, %mul3A_149 : vector<16xi32>
    %get3A_151 = arith.constant 0 : i32
    %get3A_152 = arith.index_cast %get3A_151 : i32 to index
    %get3A_153 = arith.constant 64 : index
    %get3A_154 = tpu.vector_load %arg10[%get3A_152, %get3A_153] {strides = array<i32>} : memref<2x200xi32, #tpu.memory_space<vmem>>, vector<1x16xi32>,
    %get3A_155 = vector.shape_cast %get3A_154 : vector<1x16xi32> to vector<16xi32>
    %add3A_156 = arith.addi %mul3A_150, %get3A_155 : vector<16xi32>
    %swap3A_157 = arith.constant 0 : i32
    %swap3A_158 = arith.index_cast %swap3A_157 : i32 to index
    %swap3A_159 = arith.constant 64 : index
    %swap3A_160 = tpu.vector_load %arg12[%swap3A_158, %swap3A_159] {strides = array<i32>} : memref<2x200xi32, #tpu.memory_space<vmem>>, vector<1x16xi32>,
    %swap3A_161 = vector.shape_cast %swap3A_160 : vector<1x16xi32> to vector<16xi32>
    %swap3A_162 = vector.shape_cast %add3A_156 : vector<16xi32> to vector<1x16xi32>
    tpu.vector_store %arg12[%swap3A_158, %swap3A_159], %swap3A_162 {strides = array<i32>} : memref<2x200xi32, #tpu.memory_space<vmem>>, vector<1x16xi32>,
    %get3A_163 = arith.constant 0 : i32
    %get3A_164 = arith.index_cast %get3A_163 : i32 to index
    %get3A_165 = arith.constant 80 : index
    %get3A_166 = tpu.vector_load %arg9[%get3A_164, %get3A_165] {strides = array<i32>} : memref<2x200xi32, #tpu.memory_space<vmem>>, vector<1x16xi32>,
    %get3A_167 = vector.shape_cast %get3A_166 : vector<1x16xi32> to vector<16xi32>
    %mul3A_168 = arith.constant 3 : i32
    %mul3A_169 = vector.broadcast %mul3A_168 : i32 to vector<16xi32>
    %mul3A_170 = arith.muli %get3A_167, %mul3A_169 : vector<16xi32>
    %get3A_171 = arith.constant 0 : i32
    %get3A_172 = arith.index_cast %get3A_171 : i32 to index
    %get3A_173 = arith.constant 80 : index
    %get3A_174 = tpu.vector_load %arg10[%get3A_172, %get3A_173] {strides = array<i32>} : memref<2x200xi32, #tpu.memory_space<vmem>>, vector<1x16xi32>,
    %get3A_175 = vector.shape_cast %get3A_174 : vector<1x16xi32> to vector<16xi32>
    %add3A_176 = arith.addi %mul3A_170, %get3A_175 : vector<16xi32>
    %swap3A_177 = arith.constant 0 : i32
    %swap3A_178 = arith.index_cast %swap3A_177 : i32 to index
    %swap3A_179 = arith.constant 80 : index
    %swap3A_180 = tpu.vector_load %arg12[%swap3A_178, %swap3A_179] {strides = array<i32>} : memref<2x200xi32, #tpu.memory_space<vmem>>, vector<1x16xi32>,
    %swap3A_181 = vector.shape_cast %swap3A_180 : vector<1x16xi32> to vector<16xi32>
    %swap3A_182 = vector.shape_cast %add3A_176 : vector<16xi32> to vector<1x16xi32>
    tpu.vector_store %arg12[%swap3A_178, %swap3A_179], %swap3A_182 {strides = array<i32>} : memref<2x200xi32, #tpu.memory_space<vmem>>, vector<1x16xi32>,
    %get3A_183 = arith.constant 0 : i32
    %get3A_184 = arith.index_cast %get3A_183 : i32 to index
    %get3A_185 = arith.constant 96 : index
    %get3A_186 = tpu.vector_load %arg9[%get3A_184, %get3A_185] {strides = array<i32>} : memref<2x200xi32, #tpu.memory_space<vmem>>, vector<1x16xi32>,
    %get3A_187 = vector.shape_cast %get3A_186 : vector<1x16xi32> to vector<16xi32>
    %mul3A_188 = arith.constant 3 : i32
    %mul3A_189 = vector.broadcast %mul3A_188 : i32 to vector<16xi32>
    %mul3A_190 = arith.muli %get3A_187, %mul3A_189 : vector<16xi32>
    %get3A_191 = arith.constant 0 : i32
    %get3A_192 = arith.index_cast %get3A_191 : i32 to index
    %get3A_193 = arith.constant 96 : index
    %get3A_194 = tpu.vector_load %arg10[%get3A_192, %get3A_193] {strides = array<i32>} : memref<2x200xi32, #tpu.memory_space<vmem>>, vector<1x16xi32>,
    %get3A_195 = vector.shape_cast %get3A_194 : vector<1x16xi32> to vector<16xi32>
    %add3A_196 = arith.addi %mul3A_190, %get3A_195 : vector<16xi32>
    %swap3A_197 = arith.constant 0 : i32
    %swap3A_198 = arith.index_cast %swap3A_197 : i32 to index
    %swap3A_199 = arith.constant 96 : index
    %swap3A_200 = tpu.vector_load %arg12[%swap3A_198, %swap3A_199] {strides = array<i32>} : memref<2x200xi32, #tpu.memory_space<vmem>>, vector<1x16xi32>,
    %swap3A_201 = vector.shape_cast %swap3A_200 : vector<1x16xi32> to vector<16xi32>
    %swap3A_202 = vector.shape_cast %add3A_196 : vector<16xi32> to vector<1x16xi32>
    tpu.vector_store %arg12[%swap3A_198, %swap3A_199], %swap3A_202 {strides = array<i32>} : memref<2x200xi32, #tpu.memory_space<vmem>>, vector<1x16xi32>,
    %get3A_203 = arith.constant 0 : i32
    %get3A_204 = arith.index_cast %get3A_203 : i32 to index
    %get3A_205 = arith.constant 112 : index
    %get3A_206 = tpu.vector_load %arg9[%get3A_204, %get3A_205] {strides = array<i32>} : memref<2x200xi32, #tpu.memory_space<vmem>>, vector<1x16xi32>,
    %get3A_207 = vector.shape_cast %get3A_206 : vector<1x16xi32> to vector<16xi32>
    %mul3A_208 = arith.constant 3 : i32
    %mul3A_209 = vector.broadcast %mul3A_208 : i32 to vector<16xi32>
    %mul3A_210 = arith.muli %get3A_207, %mul3A_209 : vector<16xi32>
    %get3A_211 = arith.constant 0 : i32
    %get3A_212 = arith.index_cast %get3A_211 : i32 to index
    %get3A_213 = arith.constant 112 : index
    %get3A_214 = tpu.vector_load %arg10[%get3A_212, %get3A_213] {strides = array<i32>} : memref<2x200xi32, #tpu.memory_space<vmem>>, vector<1x16xi32>,
    %get3A_215 = vector.shape_cast %get3A_214 : vector<1x16xi32> to vector<16xi32>
    %add3A_216 = arith.addi %mul3A_210, %get3A_215 : vector<16xi32>
    %swap3A_217 = arith.constant 0 : i32
    %swap3A_218 = arith.index_cast %swap3A_217 : i32 to index
    %swap3A_219 = arith.constant 112 : index
    %swap3A_220 = tpu.vector_load %arg12[%swap3A_218, %swap3A_219] {strides = array<i32>} : memref<2x200xi32, #tpu.memory_space<vmem>>, vector<1x16xi32>,
    %swap3A_221 = vector.shape_cast %swap3A_220 : vector<1x16xi32> to vector<16xi32>
    %swap3A_222 = vector.shape_cast %add3A_216 : vector<16xi32> to vector<1x16xi32>
    tpu.vector_store %arg12[%swap3A_218, %swap3A_219], %swap3A_222 {strides = array<i32>} : memref<2x200xi32, #tpu.memory_space<vmem>>, vector<1x16xi32>,
    %get3A_223 = arith.constant 0 : i32
    %get3A_224 = arith.index_cast %get3A_223 : i32 to index
    %get3A_225 = arith.constant 128 : index
    %get3A_226 = tpu.vector_load %arg9[%get3A_224, %get3A_225] {strides = array<i32>} : memref<2x200xi32, #tpu.memory_space<vmem>>, vector<1x16xi32>,
    %get3A_227 = vector.shape_cast %get3A_226 : vector<1x16xi32> to vector<16xi32>
    %mul3A_228 = arith.constant 3 : i32
    %mul3A_229 = vector.broadcast %mul3A_228 : i32 to vector<16xi32>
    %mul3A_230 = arith.muli %get3A_227, %mul3A_229 : vector<16xi32>
    %get3A_231 = arith.constant 0 : i32
    %get3A_232 = arith.index_cast %get3A_231 : i32 to index
    %get3A_233 = arith.constant 128 : index
    %get3A_234 = tpu.vector_load %arg10[%get3A_232, %get3A_233] {strides = array<i32>} : memref<2x200xi32, #tpu.memory_space<vmem>>, vector<1x16xi32>,
    %get3A_235 = vector.shape_cast %get3A_234 : vector<1x16xi32> to vector<16xi32>
    %add3A_236 = arith.addi %mul3A_230, %get3A_235 : vector<16xi32>
    %swap3A_237 = arith.constant 0 : i32
    %swap3A_238 = arith.index_cast %swap3A_237 : i32 to index
    %swap3A_239 = arith.constant 128 : index
    %swap3A_240 = tpu.vector_load %arg12[%swap3A_238, %swap3A_239] {strides = array<i32>} : memref<2x200xi32, #tpu.memory_space<vmem>>, vector<1x16xi32>,
    %swap3A_241 = vector.shape_cast %swap3A_240 : vector<1x16xi32> to vector<16xi32>
    %swap3A_242 = vector.shape_cast %add3A_236 : vector<16xi32> to vector<1x16xi32>
    tpu.vector_store %arg12[%swap3A_238, %swap3A_239], %swap3A_242 {strides = array<i32>} : memref<2x200xi32, #tpu.memory_space<vmem>>, vector<1x16xi32>,
    %get3A_243 = arith.constant 0 : i32
    %get3A_244 = arith.index_cast %get3A_243 : i32 to index
    %get3A_245 = arith.constant 144 : index
    %get3A_246 = tpu.vector_load %arg9[%get3A_244, %get3A_245] {strides = array<i32>} : memref<2x200xi32, #tpu.memory_space<vmem>>, vector<1x16xi32>,
    %get3A_247 = vector.shape_cast %get3A_246 : vector<1x16xi32> to vector<16xi32>
    %mul3A_248 = arith.constant 3 : i32
    %mul3A_249 = vector.broadcast %mul3A_248 : i32 to vector<16xi32>
    %mul3A_250 = arith.muli %get3A_247, %mul3A_249 : vector<16xi32>
    %get3A_251 = arith.constant 0 : i32
    %get3A_252 = arith.index_cast %get3A_251 : i32 to index
    %get3A_253 = arith.constant 144 : index
    %get3A_254 = tpu.vector_load %arg10[%get3A_252, %get3A_253] {strides = array<i32>} : memref<2x200xi32, #tpu.memory_space<vmem>>, vector<1x16xi32>,
    %get3A_255 = vector.shape_cast %get3A_254 : vector<1x16xi32> to vector<16xi32>
    %add3A_256 = arith.addi %mul3A_250, %get3A_255 : vector<16xi32>
    %swap3A_257 = arith.constant 0 : i32
    %swap3A_258 = arith.index_cast %swap3A_257 : i32 to index
    %swap3A_259 = arith.constant 144 : index
    %swap3A_260 = tpu.vector_load %arg12[%swap3A_258, %swap3A_259] {strides = array<i32>} : memref<2x200xi32, #tpu.memory_space<vmem>>, vector<1x16xi32>,
    %swap3A_261 = vector.shape_cast %swap3A_260 : vector<1x16xi32> to vector<16xi32>
    %swap3A_262 = vector.shape_cast %add3A_256 : vector<16xi32> to vector<1x16xi32>
    tpu.vector_store %arg12[%swap3A_258, %swap3A_259], %swap3A_262 {strides = array<i32>} : memref<2x200xi32, #tpu.memory_space<vmem>>, vector<1x16xi32>,
    %get3A_263 = arith.constant 0 : i32
    %get3A_264 = arith.index_cast %get3A_263 : i32 to index
    %get3A_265 = arith.constant 160 : index
    %get3A_266 = tpu.vector_load %arg9[%get3A_264, %get3A_265] {strides = array<i32>} : memref<2x200xi32, #tpu.memory_space<vmem>>, vector<1x16xi32>,
    %get3A_267 = vector.shape_cast %get3A_266 : vector<1x16xi32> to vector<16xi32>
    %mul3A_268 = arith.constant 3 : i32
    %mul3A_269 = vector.broadcast %mul3A_268 : i32 to vector<16xi32>
    %mul3A_270 = arith.muli %get3A_267, %mul3A_269 : vector<16xi32>
    %get3A_271 = arith.constant 0 : i32
    %get3A_272 = arith.index_cast %get3A_271 : i32 to index
    %get3A_273 = arith.constant 160 : index
    %get3A_274 = tpu.vector_load %arg10[%get3A_272, %get3A_273] {strides = array<i32>} : memref<2x200xi32, #tpu.memory_space<vmem>>, vector<1x16xi32>,
    %get3A_275 = vector.shape_cast %get3A_274 : vector<1x16xi32> to vector<16xi32>
    %add3A_276 = arith.addi %mul3A_270, %get3A_275 : vector<16xi32>
    %swap3A_277 = arith.constant 0 : i32
    %swap3A_278 = arith.index_cast %swap3A_277 : i32 to index
    %swap3A_279 = arith.constant 160 : index
    %swap3A_280 = tpu.vector_load %arg12[%swap3A_278, %swap3A_279] {strides = array<i32>} : memref<2x200xi32, #tpu.memory_space<vmem>>, vector<1x16xi32>,
    %swap3A_281 = vector.shape_cast %swap3A_280 : vector<1x16xi32> to vector<16xi32>
    %swap3A_282 = vector.shape_cast %add3A_276 : vector<16xi32> to vector<1x16xi32>
    tpu.vector_store %arg12[%swap3A_278, %swap3A_279], %swap3A_282 {strides = array<i32>} : memref<2x200xi32, #tpu.memory_space<vmem>>, vector<1x16xi32>,
    %get3A_283 = arith.constant 0 : i32
    %get3A_284 = arith.index_cast %get3A_283 : i32 to index
    %get3A_285 = arith.constant 176 : index
    %get3A_286 = tpu.vector_load %arg9[%get3A_284, %get3A_285] {strides = array<i32>} : memref<2x200xi32, #tpu.memory_space<vmem>>, vector<1x16xi32>,
    %get3A_287 = vector.shape_cast %get3A_286 : vector<1x16xi32> to vector<16xi32>
    %mul3A_288 = arith.constant 3 : i32
    %mul3A_289 = vector.broadcast %mul3A_288 : i32 to vector<16xi32>
    %mul3A_290 = arith.muli %get3A_287, %mul3A_289 : vector<16xi32>
    %get3A_291 = arith.constant 0 : i32
    %get3A_292 = arith.index_cast %get3A_291 : i32 to index
    %get3A_293 = arith.constant 176 : index
    %get3A_294 = tpu.vector_load %arg10[%get3A_292, %get3A_293] {strides = array<i32>} : memref<2x200xi32, #tpu.memory_space<vmem>>, vector<1x16xi32>,
    %get3A_295 = vector.shape_cast %get3A_294 : vector<1x16xi32> to vector<16xi32>
    %add3A_296 = arith.addi %mul3A_290, %get3A_295 : vector<16xi32>
    %swap3A_297 = arith.constant 0 : i32
    %swap3A_298 = arith.index_cast %swap3A_297 : i32 to index
    %swap3A_299 = arith.constant 176 : index
    %swap3A_300 = tpu.vector_load %arg12[%swap3A_298, %swap3A_299] {strides = array<i32>} : memref<2x200xi32, #tpu.memory_space<vmem>>, vector<1x16xi32>,
    %swap3A_301 = vector.shape_cast %swap3A_300 : vector<1x16xi32> to vector<16xi32>
    %swap3A_302 = vector.shape_cast %add3A_296 : vector<16xi32> to vector<1x16xi32>
    tpu.vector_store %arg12[%swap3A_298, %swap3A_299], %swap3A_302 {strides = array<i32>} : memref<2x200xi32, #tpu.memory_space<vmem>>, vector<1x16xi32>,
    %get3A_303 = arith.constant 0 : i32
    %get3A_304 = arith.index_cast %get3A_303 : i32 to index
    %get3A_305 = arith.constant 184 : index
    %get3A_306 = tpu.vector_load %arg9[%get3A_304, %get3A_305] {strides = array<i32>} : memref<2x200xi32, #tpu.memory_space<vmem>>, vector<1x16xi32>,
    %get3A_307 = vector.shape_cast %get3A_306 : vector<1x16xi32> to vector<16xi32>
    %mul3A_308 = arith.constant 3 : i32
    %mul3A_309 = vector.broadcast %mul3A_308 : i32 to vector<16xi32>
    %mul3A_310 = arith.muli %get3A_307, %mul3A_309 : vector<16xi32>
    %get3A_311 = arith.constant 0 : i32
    %get3A_312 = arith.index_cast %get3A_311 : i32 to index
    %get3A_313 = arith.constant 184 : index
    %get3A_314 = tpu.vector_load %arg10[%get3A_312, %get3A_313] {strides = array<i32>} : memref<2x200xi32, #tpu.memory_space<vmem>>, vector<1x16xi32>,
    %get3A_315 = vector.shape_cast %get3A_314 : vector<1x16xi32> to vector<16xi32>
    %add3A_316 = arith.addi %mul3A_310, %get3A_315 : vector<16xi32>
    %swap3A_317 = arith.constant 0 : i32
    %swap3A_318 = arith.index_cast %swap3A_317 : i32 to index
    %swap3A_319 = arith.constant 184 : index
    %swap3A_320 = tpu.vector_load %arg12[%swap3A_318, %swap3A_319] {strides = array<i32>} : memref<2x200xi32, #tpu.memory_space<vmem>>, vector<1x16xi32>,
    %swap3A_321 = vector.shape_cast %swap3A_320 : vector<1x16xi32> to vector<16xi32>
    %swap3A_322 = vector.shape_cast %add3A_316 : vector<16xi32> to vector<1x16xi32>
    tpu.vector_store %arg12[%swap3A_318, %swap3A_319], %swap3A_322 {strides = array<i32>} : memref<2x200xi32, #tpu.memory_space<vmem>>, vector<1x16xi32>,
    %dma_start3A_323 = arith.constant 0 : i32
    %dma_start3A_324 = arith.constant 0 : i32
    %dma_start3A_325 = arith.constant 0 : i32
    %dma_start3A_326 = arith.constant 0 : i32
    %dma_start3A_327 = tpu.memref_slice %arg14[%dma_start3A_324, %dma_start3A_325, %dma_start3A_326] : memref<2x200x88xf32, #tpu.memory_space<vmem>> -> memref<1x128x88xf32, #tpu.memory_space<vmem>>
    %dma_start3A_328 = tpu.memref_squeeze %dma_start3A_327 : memref<1x128x88xf32, #tpu.memory_space<vmem>> -> memref<128x88xf32, #tpu.memory_space<vmem>>
    %dma_start3A_329 = arith.constant 0 : i32
    %dma_start3A_330 = tpu.memref_slice %arg11[%dma_start3A_323, %dma_start3A_329] : memref<2x200xi32, #tpu.memory_space<vmem>> -> memref<1x128xi32, #tpu.memory_space<vmem>>
    %dma_start3A_331 = tpu.memref_squeeze %dma_start3A_330 : memref<1x128xi32, #tpu.memory_space<vmem>> -> memref<128xi32, #tpu.memory_space<vmem>>
    %dma_start3A_332 = arith.constant 0 : i32
    %dma_start3A_333 = arith.constant 0 : i32
    %dma_start3A_334 = tpu.memref_slice %arg7[%dma_start3A_332, %dma_start3A_333] : memref<100001x88xf32, #tpu.memory_space<hbm>> -> memref<100001x88xf32, #tpu.memory_space<hbm>>
    tpu.enqueue_indirect_dma source(%dma_start3A_334 : memref<100001x88xf32, #tpu.memory_space<hbm>>) target(%dma_start3A_328 : memref<128x88xf32, #tpu.memory_space<vmem>>) offsets(%dma_start3A_331 : memref<128xi32, #tpu.memory_space<vmem>>) semaphore(%arg18 : memref<!tpu.dma_semaphore, #tpu.memory_space<semaphore_mem>>)
    %dma_start3A_335 = arith.constant 0 : i32
    %dma_start3A_336 = arith.constant 0 : i32
    %dma_start3A_337 = arith.constant 0 : i32
    %dma_start3A_338 = arith.constant 0 : i32
    %dma_start3A_339 = tpu.memref_slice %arg13[%dma_start3A_336, %dma_start3A_337, %dma_start3A_338] : memref<2x200x24xf32, #tpu.memory_space<vmem>> -> memref<1x128x24xf32, #tpu.memory_space<vmem>>
    %dma_start3A_340 = tpu.memref_squeeze %dma_start3A_339 : memref<1x128x24xf32, #tpu.memory_space<vmem>> -> memref<128x24xf32, #tpu.memory_space<vmem>>
    %dma_start3A_341 = arith.constant 0 : i32
    %dma_start3A_342 = tpu.memref_slice %arg12[%dma_start3A_335, %dma_start3A_341] : memref<2x200xi32, #tpu.memory_space<vmem>> -> memref<1x128xi32, #tpu.memory_space<vmem>>
    %dma_start3A_343 = tpu.memref_squeeze %dma_start3A_342 : memref<1x128xi32, #tpu.memory_space<vmem>> -> memref<128xi32, #tpu.memory_space<vmem>>
    %dma_start3A_344 = arith.constant 0 : i32
    %dma_start3A_345 = arith.constant 0 : i32
    %dma_start3A_346 = tpu.memref_slice %arg6[%dma_start3A_344, %dma_start3A_345] : memref<75x24xf32, #tpu.memory_space<hbm>> -> memref<75x24xf32, #tpu.memory_space<hbm>>
    tpu.enqueue_indirect_dma source(%dma_start3A_346 : memref<75x24xf32, #tpu.memory_space<hbm>>) target(%dma_start3A_340 : memref<128x24xf32, #tpu.memory_space<vmem>>) offsets(%dma_start3A_343 : memref<128xi32, #tpu.memory_space<vmem>>) semaphore(%arg18 : memref<!tpu.dma_semaphore, #tpu.memory_space<semaphore_mem>>)
    %dma_start3A_347 = arith.constant 0 : i32
    %dma_start3A_348 = arith.constant 0 : i32
    %dma_start3A_349 = arith.constant 128 : i32
    %dma_start3A_350 = arith.constant 0 : i32
    %dma_start3A_351 = tpu.memref_slice %arg14[%dma_start3A_348, %dma_start3A_349, %dma_start3A_350] : memref<2x200x88xf32, #tpu.memory_space<vmem>> -> memref<1x72x88xf32, #tpu.memory_space<vmem>>
    %dma_start3A_352 = tpu.memref_squeeze %dma_start3A_351 : memref<1x72x88xf32, #tpu.memory_space<vmem>> -> memref<72x88xf32, #tpu.memory_space<vmem>>
    %dma_start3A_353 = arith.constant 128 : i32
    %dma_start3A_354 = tpu.memref_slice %arg11[%dma_start3A_347, %dma_start3A_353] : memref<2x200xi32, #tpu.memory_space<vmem>> -> memref<1x72xi32, #tpu.memory_space<vmem>>
    %dma_start3A_355 = tpu.memref_squeeze %dma_start3A_354 : memref<1x72xi32, #tpu.memory_space<vmem>> -> memref<72xi32, #tpu.memory_space<vmem>>
    %dma_start3A_356 = arith.constant 0 : i32
    %dma_start3A_357 = arith.constant 0 : i32
    %dma_start3A_358 = tpu.memref_slice %arg7[%dma_start3A_356, %dma_start3A_357] : memref<100001x88xf32, #tpu.memory_space<hbm>> -> memref<100001x88xf32, #tpu.memory_space<hbm>>
    tpu.enqueue_indirect_dma source(%dma_start3A_358 : memref<100001x88xf32, #tpu.memory_space<hbm>>) target(%dma_start3A_352 : memref<72x88xf32, #tpu.memory_space<vmem>>) offsets(%dma_start3A_355 : memref<72xi32, #tpu.memory_space<vmem>>) semaphore(%arg18 : memref<!tpu.dma_semaphore, #tpu.memory_space<semaphore_mem>>)
    %dma_start3A_359 = arith.constant 0 : i32
    %dma_start3A_360 = arith.constant 0 : i32
    %dma_start3A_361 = arith.constant 128 : i32
    %dma_start3A_362 = arith.constant 0 : i32
    %dma_start3A_363 = tpu.memref_slice %arg13[%dma_start3A_360, %dma_start3A_361, %dma_start3A_362] : memref<2x200x24xf32, #tpu.memory_space<vmem>> -> memref<1x72x24xf32, #tpu.memory_space<vmem>>
    %dma_start3A_364 = tpu.memref_squeeze %dma_start3A_363 : memref<1x72x24xf32, #tpu.memory_space<vmem>> -> memref<72x24xf32, #tpu.memory_space<vmem>>
    %dma_start3A_365 = arith.constant 128 : i32
    %dma_start3A_366 = tpu.memref_slice %arg12[%dma_start3A_359, %dma_start3A_365] : memref<2x200xi32, #tpu.memory_space<vmem>> -> memref<1x72xi32, #tpu.memory_space<vmem>>
    %dma_start3A_367 = tpu.memref_squeeze %dma_start3A_366 : memref<1x72xi32, #tpu.memory_space<vmem>> -> memref<72xi32, #tpu.memory_space<vmem>>
    %dma_start3A_368 = arith.constant 0 : i32
    %dma_start3A_369 = arith.constant 0 : i32
    %dma_start3A_370 = tpu.memref_slice %arg6[%dma_start3A_368, %dma_start3A_369] : memref<75x24xf32, #tpu.memory_space<hbm>> -> memref<75x24xf32, #tpu.memory_space<hbm>>
    tpu.enqueue_indirect_dma source(%dma_start3A_370 : memref<75x24xf32, #tpu.memory_space<hbm>>) target(%dma_start3A_364 : memref<72x24xf32, #tpu.memory_space<vmem>>) offsets(%dma_start3A_367 : memref<72xi32, #tpu.memory_space<vmem>>) semaphore(%arg18 : memref<!tpu.dma_semaphore, #tpu.memory_space<semaphore_mem>>)
    %add3A_371 = arith.constant 0 : i32
    %add3A_372 = arith.addi %mul3A_2, %add3A_371 : i32
    %dma_start3A_373 = arith.constant 0 : i32
    %dma_start3A_374 = arith.constant 0 : i32
    %dma_start3A_375 = arith.constant 0 : i32
    %dma_start3A_376 = tpu.memref_slice %arg15[%dma_start3A_373, %dma_start3A_374, %dma_start3A_375] : memref<2x200x128xf32, #tpu.memory_space<vmem>> -> memref<1x200x128xf32, #tpu.memory_space<vmem>>
    %dma_start3A_377 = tpu.memref_squeeze %dma_start3A_376 : memref<1x200x128xf32, #tpu.memory_space<vmem>> -> memref<200x128xf32, #tpu.memory_space<vmem>>
    %dma_start3A_378 = arith.constant 0 : i32
    %dma_start3A_379 = arith.constant 0 : i32
    %dma_start3A_380 = tpu.memref_slice %arg2[%add3A_372, %dma_start3A_378, %dma_start3A_379] : memref<4096x200x128xf32, #tpu.memory_space<hbm>> -> memref<1x200x128xf32, #tpu.memory_space<hbm>>
    %dma_start3A_381 = tpu.memref_squeeze %dma_start3A_380 : memref<1x200x128xf32, #tpu.memory_space<hbm>> -> memref<200x128xf32, #tpu.memory_space<hbm>>
    %dma_start3A_382 = arith.constant 0 : i32
    %dma_start3A_383 = arith.constant 0 : i32
    %dma_start3A_384 = tpu.memref_slice %arg15[%dma_start3A_373, %dma_start3A_382, %dma_start3A_383] : memref<2x200x128xf32, #tpu.memory_space<vmem>> -> memref<1x200x128xf32, #tpu.memory_space<vmem>>
    %dma_start3A_385 = tpu.memref_squeeze %dma_start3A_384 : memref<1x200x128xf32, #tpu.memory_space<vmem>> -> memref<200x128xf32, #tpu.memory_space<vmem>>
    %dma_start3A_386 = arith.constant 0 : i32
    %dma_start3A_387 = arith.constant 0 : i32
    %dma_start3A_388 = tpu.memref_slice %arg2[%add3A_372, %dma_start3A_386, %dma_start3A_387] : memref<4096x200x128xf32, #tpu.memory_space<hbm>> -> memref<1x200x128xf32, #tpu.memory_space<hbm>>
    %dma_start3A_389 = tpu.memref_squeeze %dma_start3A_388 : memref<1x200x128xf32, #tpu.memory_space<hbm>> -> memref<200x128xf32, #tpu.memory_space<hbm>>
    tpu.enqueue_dma source(%dma_start3A_389 : memref<200x128xf32, #tpu.memory_space<hbm>>) target(%dma_start3A_385 : memref<200x128xf32, #tpu.memory_space<vmem>>) target_semaphore(%arg18 : memref<!tpu.dma_semaphore, #tpu.memory_space<semaphore_mem>>)
    %add3A_390 = arith.constant 1 : i32
    %add3A_391 = arith.addi %mul3A_2, %add3A_390 : i32
    %mul3A_392 = arith.constant 200 : i32
    %mul3A_393 = arith.muli %add3A_391, %mul3A_392 : i32
    %dma_start3A_394 = arith.constant 1 : i32
    %dma_start3A_395 = arith.constant 0 : i32
    %dma_start3A_396 = tpu.memref_slice %arg9[%dma_start3A_394, %dma_start3A_395] : memref<2x200xi32, #tpu.memory_space<vmem>> -> memref<1x200xi32, #tpu.memory_space<vmem>>
    %dma_start3A_397 = tpu.memref_squeeze %dma_start3A_396 : memref<1x200xi32, #tpu.memory_space<vmem>> -> memref<200xi32, #tpu.memory_space<vmem>>
    %dma_start3A_398 = tpu.memref_slice %arg3[%mul3A_393] : memref<819200xi32, #tpu.memory_space<hbm>> -> memref<200xi32, #tpu.memory_space<hbm>>
    %dma_start3A_399 = arith.constant 0 : i32
    %dma_start3A_400 = tpu.memref_slice %arg9[%dma_start3A_394, %dma_start3A_399] : memref<2x200xi32, #tpu.memory_space<vmem>> -> memref<1x200xi32, #tpu.memory_space<vmem>>
    %dma_start3A_401 = tpu.memref_squeeze %dma_start3A_400 : memref<1x200xi32, #tpu.memory_space<vmem>> -> memref<200xi32, #tpu.memory_space<vmem>>
    %dma_start3A_402 = tpu.memref_slice %arg3[%mul3A_393] : memref<819200xi32, #tpu.memory_space<hbm>> -> memref<200xi32, #tpu.memory_space<hbm>>
    tpu.enqueue_dma source(%dma_start3A_402 : memref<200xi32, #tpu.memory_space<hbm>>) target(%dma_start3A_401 : memref<200xi32, #tpu.memory_space<vmem>>) target_semaphore(%arg17 : memref<!tpu.dma_semaphore, #tpu.memory_space<semaphore_mem>>)
    %dma_start3A_403 = arith.constant 1 : i32
    %dma_start3A_404 = arith.constant 0 : i32
    %dma_start3A_405 = tpu.memref_slice %arg10[%dma_start3A_403, %dma_start3A_404] : memref<2x200xi32, #tpu.memory_space<vmem>> -> memref<1x200xi32, #tpu.memory_space<vmem>>
    %dma_start3A_406 = tpu.memref_squeeze %dma_start3A_405 : memref<1x200xi32, #tpu.memory_space<vmem>> -> memref<200xi32, #tpu.memory_space<vmem>>
    %dma_start3A_407 = tpu.memref_slice %arg4[%mul3A_393] : memref<819200xi32, #tpu.memory_space<hbm>> -> memref<200xi32, #tpu.memory_space<hbm>>
    %dma_start3A_408 = arith.constant 0 : i32
    %dma_start3A_409 = tpu.memref_slice %arg10[%dma_start3A_403, %dma_start3A_408] : memref<2x200xi32, #tpu.memory_space<vmem>> -> memref<1x200xi32, #tpu.memory_space<vmem>>
    %dma_start3A_410 = tpu.memref_squeeze %dma_start3A_409 : memref<1x200xi32, #tpu.memory_space<vmem>> -> memref<200xi32, #tpu.memory_space<vmem>>
    %dma_start3A_411 = tpu.memref_slice %arg4[%mul3A_393] : memref<819200xi32, #tpu.memory_space<hbm>> -> memref<200xi32, #tpu.memory_space<hbm>>
    tpu.enqueue_dma source(%dma_start3A_411 : memref<200xi32, #tpu.memory_space<hbm>>) target(%dma_start3A_410 : memref<200xi32, #tpu.memory_space<vmem>>) target_semaphore(%arg17 : memref<!tpu.dma_semaphore, #tpu.memory_space<semaphore_mem>>)
    %dma_start3A_412 = arith.constant 1 : i32
    %dma_start3A_413 = arith.constant 0 : i32
    %dma_start3A_414 = tpu.memref_slice %arg11[%dma_start3A_412, %dma_start3A_413] : memref<2x200xi32, #tpu.memory_space<vmem>> -> memref<1x200xi32, #tpu.memory_space<vmem>>
    %dma_start3A_415 = tpu.memref_squeeze %dma_start3A_414 : memref<1x200xi32, #tpu.memory_space<vmem>> -> memref<200xi32, #tpu.memory_space<vmem>>
    %dma_start3A_416 = tpu.memref_slice %arg5[%mul3A_393] : memref<819200xi32, #tpu.memory_space<hbm>> -> memref<200xi32, #tpu.memory_space<hbm>>
    %dma_start3A_417 = arith.constant 0 : i32
    %dma_start3A_418 = tpu.memref_slice %arg11[%dma_start3A_412, %dma_start3A_417] : memref<2x200xi32, #tpu.memory_space<vmem>> -> memref<1x200xi32, #tpu.memory_space<vmem>>
    %dma_start3A_419 = tpu.memref_squeeze %dma_start3A_418 : memref<1x200xi32, #tpu.memory_space<vmem>> -> memref<200xi32, #tpu.memory_space<vmem>>
    %dma_start3A_420 = tpu.memref_slice %arg5[%mul3A_393] : memref<819200xi32, #tpu.memory_space<hbm>> -> memref<200xi32, #tpu.memory_space<hbm>>
    tpu.enqueue_dma source(%dma_start3A_420 : memref<200xi32, #tpu.memory_space<hbm>>) target(%dma_start3A_419 : memref<200xi32, #tpu.memory_space<vmem>>) target_semaphore(%arg17 : memref<!tpu.dma_semaphore, #tpu.memory_space<semaphore_mem>>)
    %scan3A = arith.constant 0 : i32
    %scan3A_421 = arith.constant 64 : i32
    %scan3A_422 = arith.addi %scan3A, %scan3A_421 : i32
    %scan3A_423 = arith.constant 1 : i32
    scf.for %scan3A_509 = %scan3A to %scan3A_422 step %scan3A_423  : i32 {
      %mul3A_510 = arith.constant 1 : i32
      %mul3A_511 = arith.muli %scan3A_509, %mul3A_510 : i32
      %add3A_512 = arith.constant 0 : i32
      %add3A_513 = arith.addi %add3A_512, %mul3A_511 : i32
      %mul3A_514 = arith.constant 2 : i32
      %mul3A_515 = arith.muli %mul3A_514, %add3A_513 : i32
      %add3A_516 = arith.constant 1 : i32
      %add3A_517 = arith.addi %mul3A_515, %add3A_516 : i32
      %lt3A = arith.constant 128 : i32
      %lt3A_518 = arith.cmpi slt, %add3A_517, %lt3A : i32
      %convert_element_type3A = arith.extui %lt3A_518 : i1 to i32
      %cond3A = arith.constant 0 : i32
      %cond3A_519 = arith.cmpi ne, %convert_element_type3A, %cond3A : i32
      scf.if %cond3A_519 {
        %dma_wait3A_816 = arith.constant 1 : i32
        %dma_wait3A_817 = arith.constant 0 : i32
        %dma_wait3A_818 = tpu.memref_slice %arg9[%dma_wait3A_816, %dma_wait3A_817] : memref<2x200xi32, #tpu.memory_space<vmem>> -> memref<1x200xi32, #tpu.memory_space<vmem>>
        %dma_wait3A_819 = tpu.memref_squeeze %dma_wait3A_818 : memref<1x200xi32, #tpu.memory_space<vmem>> -> memref<200xi32, #tpu.memory_space<vmem>>
        %dma_wait3A_820 = arith.constant 0 : i32
        %dma_wait3A_821 = tpu.memref_slice %arg3[%dma_wait3A_820] : memref<819200xi32, #tpu.memory_space<hbm>> -> memref<200xi32, #tpu.memory_space<hbm>>
        %dma_wait3A_822 = arith.constant 0 : i32
        %dma_wait3A_823 = tpu.memref_slice %arg9[%dma_wait3A_816, %dma_wait3A_822] : memref<2x200xi32, #tpu.memory_space<vmem>> -> memref<1x200xi32, #tpu.memory_space<vmem>>
        %dma_wait3A_824 = tpu.memref_squeeze %dma_wait3A_823 : memref<1x200xi32, #tpu.memory_space<vmem>> -> memref<200xi32, #tpu.memory_space<vmem>>
        %dma_wait3A_825 = arith.constant 0 : i32
        %dma_wait3A_826 = tpu.memref_slice %arg3[%dma_wait3A_825] : memref<819200xi32, #tpu.memory_space<hbm>> -> memref<200xi32, #tpu.memory_space<hbm>>
        tpu.wait_dma2 semaphore(%arg17 : memref<!tpu.dma_semaphore, #tpu.memory_space<semaphore_mem>>) src(%dma_wait3A_826 : memref<200xi32, #tpu.memory_space<hbm>>) dst(%dma_wait3A_824 : memref<200xi32, #tpu.memory_space<vmem>>)
        %dma_wait3A_827 = arith.constant 1 : i32
        %dma_wait3A_828 = arith.constant 0 : i32
        %dma_wait3A_829 = tpu.memref_slice %arg10[%dma_wait3A_827, %dma_wait3A_828] : memref<2x200xi32, #tpu.memory_space<vmem>> -> memref<1x200xi32, #tpu.memory_space<vmem>>
        %dma_wait3A_830 = tpu.memref_squeeze %dma_wait3A_829 : memref<1x200xi32, #tpu.memory_space<vmem>> -> memref<200xi32, #tpu.memory_space<vmem>>
        %dma_wait3A_831 = arith.constant 0 : i32
        %dma_wait3A_832 = tpu.memref_slice %arg3[%dma_wait3A_831] : memref<819200xi32, #tpu.memory_space<hbm>> -> memref<200xi32, #tpu.memory_space<hbm>>
        %dma_wait3A_833 = arith.constant 0 : i32
        %dma_wait3A_834 = tpu.memref_slice %arg10[%dma_wait3A_827, %dma_wait3A_833] : memref<2x200xi32, #tpu.memory_space<vmem>> -> memref<1x200xi32, #tpu.memory_space<vmem>>
        %dma_wait3A_835 = tpu.memref_squeeze %dma_wait3A_834 : memref<1x200xi32, #tpu.memory_space<vmem>> -> memref<200xi32, #tpu.memory_space<vmem>>
        %dma_wait3A_836 = arith.constant 0 : i32
        %dma_wait3A_837 = tpu.memref_slice %arg3[%dma_wait3A_836] : memref<819200xi32, #tpu.memory_space<hbm>> -> memref<200xi32, #tpu.memory_space<hbm>>
        tpu.wait_dma2 semaphore(%arg17 : memref<!tpu.dma_semaphore, #tpu.memory_space<semaphore_mem>>) src(%dma_wait3A_837 : memref<200xi32, #tpu.memory_space<hbm>>) dst(%dma_wait3A_835 : memref<200xi32, #tpu.memory_space<vmem>>)
        %dma_wait3A_838 = arith.constant 1 : i32
        %dma_wait3A_839 = arith.constant 0 : i32
        %dma_wait3A_840 = tpu.memref_slice %arg11[%dma_wait3A_838, %dma_wait3A_839] : memref<2x200xi32, #tpu.memory_space<vmem>> -> memref<1x200xi32, #tpu.memory_space<vmem>>
        %dma_wait3A_841 = tpu.memref_squeeze %dma_wait3A_840 : memref<1x200xi32, #tpu.memory_space<vmem>> -> memref<200xi32, #tpu.memory_space<vmem>>
        %dma_wait3A_842 = arith.constant 0 : i32
        %dma_wait3A_843 = tpu.memref_slice %arg3[%dma_wait3A_842] : memref<819200xi32, #tpu.memory_space<hbm>> -> memref<200xi32, #tpu.memory_space<hbm>>
        %dma_wait3A_844 = arith.constant 0 : i32
        %dma_wait3A_845 = tpu.memref_slice %arg11[%dma_wait3A_838, %dma_wait3A_844] : memref<2x200xi32, #tpu.memory_space<vmem>> -> memref<1x200xi32, #tpu.memory_space<vmem>>
        %dma_wait3A_846 = tpu.memref_squeeze %dma_wait3A_845 : memref<1x200xi32, #tpu.memory_space<vmem>> -> memref<200xi32, #tpu.memory_space<vmem>>
        %dma_wait3A_847 = arith.constant 0 : i32
        %dma_wait3A_848 = tpu.memref_slice %arg3[%dma_wait3A_847] : memref<819200xi32, #tpu.memory_space<hbm>> -> memref<200xi32, #tpu.memory_space<hbm>>
        tpu.wait_dma2 semaphore(%arg17 : memref<!tpu.dma_semaphore, #tpu.memory_space<semaphore_mem>>) src(%dma_wait3A_848 : memref<200xi32, #tpu.memory_space<hbm>>) dst(%dma_wait3A_846 : memref<200xi32, #tpu.memory_space<vmem>>)
        %get3A_849 = arith.constant 1 : i32
        %get3A_850 = arith.index_cast %get3A_849 : i32 to index
        %get3A_851 = arith.constant 0 : index
        %get3A_852 = tpu.vector_load %arg9[%get3A_850, %get3A_851] {strides = array<i32>} : memref<2x200xi32, #tpu.memory_space<vmem>>, vector<1x16xi32>,
        %get3A_853 = vector.shape_cast %get3A_852 : vector<1x16xi32> to vector<16xi32>
        %mul3A_854 = arith.constant 3 : i32
        %mul3A_855 = vector.broadcast %mul3A_854 : i32 to vector<16xi32>
        %mul3A_856 = arith.muli %get3A_853, %mul3A_855 : vector<16xi32>
        %get3A_857 = arith.constant 1 : i32
        %get3A_858 = arith.index_cast %get3A_857 : i32 to index
        %get3A_859 = arith.constant 0 : index
        %get3A_860 = tpu.vector_load %arg10[%get3A_858, %get3A_859] {strides = array<i32>} : memref<2x200xi32, #tpu.memory_space<vmem>>, vector<1x16xi32>,
        %get3A_861 = vector.shape_cast %get3A_860 : vector<1x16xi32> to vector<16xi32>
        %add3A_862 = arith.addi %mul3A_856, %get3A_861 : vector<16xi32>
        %swap3A_863 = arith.constant 1 : i32
        %swap3A_864 = arith.index_cast %swap3A_863 : i32 to index
        %swap3A_865 = arith.constant 0 : index
        %swap3A_866 = tpu.vector_load %arg12[%swap3A_864, %swap3A_865] {strides = array<i32>} : memref<2x200xi32, #tpu.memory_space<vmem>>, vector<1x16xi32>,
        %swap3A_867 = vector.shape_cast %swap3A_866 : vector<1x16xi32> to vector<16xi32>
        %swap3A_868 = vector.shape_cast %add3A_862 : vector<16xi32> to vector<1x16xi32>
        tpu.vector_store %arg12[%swap3A_864, %swap3A_865], %swap3A_868 {strides = array<i32>} : memref<2x200xi32, #tpu.memory_space<vmem>>, vector<1x16xi32>,
        %get3A_869 = arith.constant 1 : i32
        %get3A_870 = arith.index_cast %get3A_869 : i32 to index
        %get3A_871 = arith.constant 16 : index
        %get3A_872 = tpu.vector_load %arg9[%get3A_870, %get3A_871] {strides = array<i32>} : memref<2x200xi32, #tpu.memory_space<vmem>>, vector<1x16xi32>,
        %get3A_873 = vector.shape_cast %get3A_872 : vector<1x16xi32> to vector<16xi32>
        %mul3A_874 = arith.constant 3 : i32
        %mul3A_875 = vector.broadcast %mul3A_874 : i32 to vector<16xi32>
        %mul3A_876 = arith.muli %get3A_873, %mul3A_875 : vector<16xi32>
        %get3A_877 = arith.constant 1 : i32
        %get3A_878 = arith.index_cast %get3A_877 : i32 to index
        %get3A_879 = arith.constant 16 : index
        %get3A_880 = tpu.vector_load %arg10[%get3A_878, %get3A_879] {strides = array<i32>} : memref<2x200xi32, #tpu.memory_space<vmem>>, vector<1x16xi32>,
        %get3A_881 = vector.shape_cast %get3A_880 : vector<1x16xi32> to vector<16xi32>
        %add3A_882 = arith.addi %mul3A_876, %get3A_881 : vector<16xi32>
        %swap3A_883 = arith.constant 1 : i32
        %swap3A_884 = arith.index_cast %swap3A_883 : i32 to index
        %swap3A_885 = arith.constant 16 : index
        %swap3A_886 = tpu.vector_load %arg12[%swap3A_884, %swap3A_885] {strides = array<i32>} : memref<2x200xi32, #tpu.memory_space<vmem>>, vector<1x16xi32>,
        %swap3A_887 = vector.shape_cast %swap3A_886 : vector<1x16xi32> to vector<16xi32>
        %swap3A_888 = vector.shape_cast %add3A_882 : vector<16xi32> to vector<1x16xi32>
        tpu.vector_store %arg12[%swap3A_884, %swap3A_885], %swap3A_888 {strides = array<i32>} : memref<2x200xi32, #tpu.memory_space<vmem>>, vector<1x16xi32>,
        %get3A_889 = arith.constant 1 : i32
        %get3A_890 = arith.index_cast %get3A_889 : i32 to index
        %get3A_891 = arith.constant 32 : index
        %get3A_892 = tpu.vector_load %arg9[%get3A_890, %get3A_891] {strides = array<i32>} : memref<2x200xi32, #tpu.memory_space<vmem>>, vector<1x16xi32>,
        %get3A_893 = vector.shape_cast %get3A_892 : vector<1x16xi32> to vector<16xi32>
        %mul3A_894 = arith.constant 3 : i32
        %mul3A_895 = vector.broadcast %mul3A_894 : i32 to vector<16xi32>
        %mul3A_896 = arith.muli %get3A_893, %mul3A_895 : vector<16xi32>
        %get3A_897 = arith.constant 1 : i32
        %get3A_898 = arith.index_cast %get3A_897 : i32 to index
        %get3A_899 = arith.constant 32 : index
        %get3A_900 = tpu.vector_load %arg10[%get3A_898, %get3A_899] {strides = array<i32>} : memref<2x200xi32, #tpu.memory_space<vmem>>, vector<1x16xi32>,
        %get3A_901 = vector.shape_cast %get3A_900 : vector<1x16xi32> to vector<16xi32>
        %add3A_902 = arith.addi %mul3A_896, %get3A_901 : vector<16xi32>
        %swap3A_903 = arith.constant 1 : i32
        %swap3A_904 = arith.index_cast %swap3A_903 : i32 to index
        %swap3A_905 = arith.constant 32 : index
        %swap3A_906 = tpu.vector_load %arg12[%swap3A_904, %swap3A_905] {strides = array<i32>} : memref<2x200xi32, #tpu.memory_space<vmem>>, vector<1x16xi32>,
        %swap3A_907 = vector.shape_cast %swap3A_906 : vector<1x16xi32> to vector<16xi32>
        %swap3A_908 = vector.shape_cast %add3A_902 : vector<16xi32> to vector<1x16xi32>
        tpu.vector_store %arg12[%swap3A_904, %swap3A_905], %swap3A_908 {strides = array<i32>} : memref<2x200xi32, #tpu.memory_space<vmem>>, vector<1x16xi32>,
        %get3A_909 = arith.constant 1 : i32
        %get3A_910 = arith.index_cast %get3A_909 : i32 to index
        %get3A_911 = arith.constant 48 : index
        %get3A_912 = tpu.vector_load %arg9[%get3A_910, %get3A_911] {strides = array<i32>} : memref<2x200xi32, #tpu.memory_space<vmem>>, vector<1x16xi32>,
        %get3A_913 = vector.shape_cast %get3A_912 : vector<1x16xi32> to vector<16xi32>
        %mul3A_914 = arith.constant 3 : i32
        %mul3A_915 = vector.broadcast %mul3A_914 : i32 to vector<16xi32>
        %mul3A_916 = arith.muli %get3A_913, %mul3A_915 : vector<16xi32>
        %get3A_917 = arith.constant 1 : i32
        %get3A_918 = arith.index_cast %get3A_917 : i32 to index
        %get3A_919 = arith.constant 48 : index
        %get3A_920 = tpu.vector_load %arg10[%get3A_918, %get3A_919] {strides = array<i32>} : memref<2x200xi32, #tpu.memory_space<vmem>>, vector<1x16xi32>,
        %get3A_921 = vector.shape_cast %get3A_920 : vector<1x16xi32> to vector<16xi32>
        %add3A_922 = arith.addi %mul3A_916, %get3A_921 : vector<16xi32>
        %swap3A_923 = arith.constant 1 : i32
        %swap3A_924 = arith.index_cast %swap3A_923 : i32 to index
        %swap3A_925 = arith.constant 48 : index
        %swap3A_926 = tpu.vector_load %arg12[%swap3A_924, %swap3A_925] {strides = array<i32>} : memref<2x200xi32, #tpu.memory_space<vmem>>, vector<1x16xi32>,
        %swap3A_927 = vector.shape_cast %swap3A_926 : vector<1x16xi32> to vector<16xi32>
        %swap3A_928 = vector.shape_cast %add3A_922 : vector<16xi32> to vector<1x16xi32>
        tpu.vector_store %arg12[%swap3A_924, %swap3A_925], %swap3A_928 {strides = array<i32>} : memref<2x200xi32, #tpu.memory_space<vmem>>, vector<1x16xi32>,
        %get3A_929 = arith.constant 1 : i32
        %get3A_930 = arith.index_cast %get3A_929 : i32 to index
        %get3A_931 = arith.constant 64 : index
        %get3A_932 = tpu.vector_load %arg9[%get3A_930, %get3A_931] {strides = array<i32>} : memref<2x200xi32, #tpu.memory_space<vmem>>, vector<1x16xi32>,
        %get3A_933 = vector.shape_cast %get3A_932 : vector<1x16xi32> to vector<16xi32>
        %mul3A_934 = arith.constant 3 : i32
        %mul3A_935 = vector.broadcast %mul3A_934 : i32 to vector<16xi32>
        %mul3A_936 = arith.muli %get3A_933, %mul3A_935 : vector<16xi32>
        %get3A_937 = arith.constant 1 : i32
        %get3A_938 = arith.index_cast %get3A_937 : i32 to index
        %get3A_939 = arith.constant 64 : index
        %get3A_940 = tpu.vector_load %arg10[%get3A_938, %get3A_939] {strides = array<i32>} : memref<2x200xi32, #tpu.memory_space<vmem>>, vector<1x16xi32>,
        %get3A_941 = vector.shape_cast %get3A_940 : vector<1x16xi32> to vector<16xi32>
        %add3A_942 = arith.addi %mul3A_936, %get3A_941 : vector<16xi32>
        %swap3A_943 = arith.constant 1 : i32
        %swap3A_944 = arith.index_cast %swap3A_943 : i32 to index
        %swap3A_945 = arith.constant 64 : index
        %swap3A_946 = tpu.vector_load %arg12[%swap3A_944, %swap3A_945] {strides = array<i32>} : memref<2x200xi32, #tpu.memory_space<vmem>>, vector<1x16xi32>,
        %swap3A_947 = vector.shape_cast %swap3A_946 : vector<1x16xi32> to vector<16xi32>
        %swap3A_948 = vector.shape_cast %add3A_942 : vector<16xi32> to vector<1x16xi32>
        tpu.vector_store %arg12[%swap3A_944, %swap3A_945], %swap3A_948 {strides = array<i32>} : memref<2x200xi32, #tpu.memory_space<vmem>>, vector<1x16xi32>,
        %get3A_949 = arith.constant 1 : i32
        %get3A_950 = arith.index_cast %get3A_949 : i32 to index
        %get3A_951 = arith.constant 80 : index
        %get3A_952 = tpu.vector_load %arg9[%get3A_950, %get3A_951] {strides = array<i32>} : memref<2x200xi32, #tpu.memory_space<vmem>>, vector<1x16xi32>,
        %get3A_953 = vector.shape_cast %get3A_952 : vector<1x16xi32> to vector<16xi32>
        %mul3A_954 = arith.constant 3 : i32
        %mul3A_955 = vector.broadcast %mul3A_954 : i32 to vector<16xi32>
        %mul3A_956 = arith.muli %get3A_953, %mul3A_955 : vector<16xi32>
        %get3A_957 = arith.constant 1 : i32
        %get3A_958 = arith.index_cast %get3A_957 : i32 to index
        %get3A_959 = arith.constant 80 : index
        %get3A_960 = tpu.vector_load %arg10[%get3A_958, %get3A_959] {strides = array<i32>} : memref<2x200xi32, #tpu.memory_space<vmem>>, vector<1x16xi32>,
        %get3A_961 = vector.shape_cast %get3A_960 : vector<1x16xi32> to vector<16xi32>
        %add3A_962 = arith.addi %mul3A_956, %get3A_961 : vector<16xi32>
        %swap3A_963 = arith.constant 1 : i32
        %swap3A_964 = arith.index_cast %swap3A_963 : i32 to index
        %swap3A_965 = arith.constant 80 : index
        %swap3A_966 = tpu.vector_load %arg12[%swap3A_964, %swap3A_965] {strides = array<i32>} : memref<2x200xi32, #tpu.memory_space<vmem>>, vector<1x16xi32>,
        %swap3A_967 = vector.shape_cast %swap3A_966 : vector<1x16xi32> to vector<16xi32>
        %swap3A_968 = vector.shape_cast %add3A_962 : vector<16xi32> to vector<1x16xi32>
        tpu.vector_store %arg12[%swap3A_964, %swap3A_965], %swap3A_968 {strides = array<i32>} : memref<2x200xi32, #tpu.memory_space<vmem>>, vector<1x16xi32>,
        %get3A_969 = arith.constant 1 : i32
        %get3A_970 = arith.index_cast %get3A_969 : i32 to index
        %get3A_971 = arith.constant 96 : index
        %get3A_972 = tpu.vector_load %arg9[%get3A_970, %get3A_971] {strides = array<i32>} : memref<2x200xi32, #tpu.memory_space<vmem>>, vector<1x16xi32>,
        %get3A_973 = vector.shape_cast %get3A_972 : vector<1x16xi32> to vector<16xi32>
        %mul3A_974 = arith.constant 3 : i32
        %mul3A_975 = vector.broadcast %mul3A_974 : i32 to vector<16xi32>
        %mul3A_976 = arith.muli %get3A_973, %mul3A_975 : vector<16xi32>
        %get3A_977 = arith.constant 1 : i32
        %get3A_978 = arith.index_cast %get3A_977 : i32 to index
        %get3A_979 = arith.constant 96 : index
        %get3A_980 = tpu.vector_load %arg10[%get3A_978, %get3A_979] {strides = array<i32>} : memref<2x200xi32, #tpu.memory_space<vmem>>, vector<1x16xi32>,
        %get3A_981 = vector.shape_cast %get3A_980 : vector<1x16xi32> to vector<16xi32>
        %add3A_982 = arith.addi %mul3A_976, %get3A_981 : vector<16xi32>
        %swap3A_983 = arith.constant 1 : i32
        %swap3A_984 = arith.index_cast %swap3A_983 : i32 to index
        %swap3A_985 = arith.constant 96 : index
        %swap3A_986 = tpu.vector_load %arg12[%swap3A_984, %swap3A_985] {strides = array<i32>} : memref<2x200xi32, #tpu.memory_space<vmem>>, vector<1x16xi32>,
        %swap3A_987 = vector.shape_cast %swap3A_986 : vector<1x16xi32> to vector<16xi32>
        %swap3A_988 = vector.shape_cast %add3A_982 : vector<16xi32> to vector<1x16xi32>
        tpu.vector_store %arg12[%swap3A_984, %swap3A_985], %swap3A_988 {strides = array<i32>} : memref<2x200xi32, #tpu.memory_space<vmem>>, vector<1x16xi32>,
        %get3A_989 = arith.constant 1 : i32
        %get3A_990 = arith.index_cast %get3A_989 : i32 to index
        %get3A_991 = arith.constant 112 : index
        %get3A_992 = tpu.vector_load %arg9[%get3A_990, %get3A_991] {strides = array<i32>} : memref<2x200xi32, #tpu.memory_space<vmem>>, vector<1x16xi32>,
        %get3A_993 = vector.shape_cast %get3A_992 : vector<1x16xi32> to vector<16xi32>
        %mul3A_994 = arith.constant 3 : i32
        %mul3A_995 = vector.broadcast %mul3A_994 : i32 to vector<16xi32>
        %mul3A_996 = arith.muli %get3A_993, %mul3A_995 : vector<16xi32>
        %get3A_997 = arith.constant 1 : i32
        %get3A_998 = arith.index_cast %get3A_997 : i32 to index
        %get3A_999 = arith.constant 112 : index
        %get3A_1000 = tpu.vector_load %arg10[%get3A_998, %get3A_999] {strides = array<i32>} : memref<2x200xi32, #tpu.memory_space<vmem>>, vector<1x16xi32>,
        %get3A_1001 = vector.shape_cast %get3A_1000 : vector<1x16xi32> to vector<16xi32>
        %add3A_1002 = arith.addi %mul3A_996, %get3A_1001 : vector<16xi32>
        %swap3A_1003 = arith.constant 1 : i32
        %swap3A_1004 = arith.index_cast %swap3A_1003 : i32 to index
        %swap3A_1005 = arith.constant 112 : index
        %swap3A_1006 = tpu.vector_load %arg12[%swap3A_1004, %swap3A_1005] {strides = array<i32>} : memref<2x200xi32, #tpu.memory_space<vmem>>, vector<1x16xi32>,
        %swap3A_1007 = vector.shape_cast %swap3A_1006 : vector<1x16xi32> to vector<16xi32>
        %swap3A_1008 = vector.shape_cast %add3A_1002 : vector<16xi32> to vector<1x16xi32>
        tpu.vector_store %arg12[%swap3A_1004, %swap3A_1005], %swap3A_1008 {strides = array<i32>} : memref<2x200xi32, #tpu.memory_space<vmem>>, vector<1x16xi32>,
        %get3A_1009 = arith.constant 1 : i32
        %get3A_1010 = arith.index_cast %get3A_1009 : i32 to index
        %get3A_1011 = arith.constant 128 : index
        %get3A_1012 = tpu.vector_load %arg9[%get3A_1010, %get3A_1011] {strides = array<i32>} : memref<2x200xi32, #tpu.memory_space<vmem>>, vector<1x16xi32>,
        %get3A_1013 = vector.shape_cast %get3A_1012 : vector<1x16xi32> to vector<16xi32>
        %mul3A_1014 = arith.constant 3 : i32
        %mul3A_1015 = vector.broadcast %mul3A_1014 : i32 to vector<16xi32>
        %mul3A_1016 = arith.muli %get3A_1013, %mul3A_1015 : vector<16xi32>
        %get3A_1017 = arith.constant 1 : i32
        %get3A_1018 = arith.index_cast %get3A_1017 : i32 to index
        %get3A_1019 = arith.constant 128 : index
        %get3A_1020 = tpu.vector_load %arg10[%get3A_1018, %get3A_1019] {strides = array<i32>} : memref<2x200xi32, #tpu.memory_space<vmem>>, vector<1x16xi32>,
        %get3A_1021 = vector.shape_cast %get3A_1020 : vector<1x16xi32> to vector<16xi32>
        %add3A_1022 = arith.addi %mul3A_1016, %get3A_1021 : vector<16xi32>
        %swap3A_1023 = arith.constant 1 : i32
        %swap3A_1024 = arith.index_cast %swap3A_1023 : i32 to index
        %swap3A_1025 = arith.constant 128 : index
        %swap3A_1026 = tpu.vector_load %arg12[%swap3A_1024, %swap3A_1025] {strides = array<i32>} : memref<2x200xi32, #tpu.memory_space<vmem>>, vector<1x16xi32>,
        %swap3A_1027 = vector.shape_cast %swap3A_1026 : vector<1x16xi32> to vector<16xi32>
        %swap3A_1028 = vector.shape_cast %add3A_1022 : vector<16xi32> to vector<1x16xi32>
        tpu.vector_store %arg12[%swap3A_1024, %swap3A_1025], %swap3A_1028 {strides = array<i32>} : memref<2x200xi32, #tpu.memory_space<vmem>>, vector<1x16xi32>,
        %get3A_1029 = arith.constant 1 : i32
        %get3A_1030 = arith.index_cast %get3A_1029 : i32 to index
        %get3A_1031 = arith.constant 144 : index
        %get3A_1032 = tpu.vector_load %arg9[%get3A_1030, %get3A_1031] {strides = array<i32>} : memref<2x200xi32, #tpu.memory_space<vmem>>, vector<1x16xi32>,
        %get3A_1033 = vector.shape_cast %get3A_1032 : vector<1x16xi32> to vector<16xi32>
        %mul3A_1034 = arith.constant 3 : i32
        %mul3A_1035 = vector.broadcast %mul3A_1034 : i32 to vector<16xi32>
        %mul3A_1036 = arith.muli %get3A_1033, %mul3A_1035 : vector<16xi32>
        %get3A_1037 = arith.constant 1 : i32
        %get3A_1038 = arith.index_cast %get3A_1037 : i32 to index
        %get3A_1039 = arith.constant 144 : index
        %get3A_1040 = tpu.vector_load %arg10[%get3A_1038, %get3A_1039] {strides = array<i32>} : memref<2x200xi32, #tpu.memory_space<vmem>>, vector<1x16xi32>,
        %get3A_1041 = vector.shape_cast %get3A_1040 : vector<1x16xi32> to vector<16xi32>
        %add3A_1042 = arith.addi %mul3A_1036, %get3A_1041 : vector<16xi32>
        %swap3A_1043 = arith.constant 1 : i32
        %swap3A_1044 = arith.index_cast %swap3A_1043 : i32 to index
        %swap3A_1045 = arith.constant 144 : index
        %swap3A_1046 = tpu.vector_load %arg12[%swap3A_1044, %swap3A_1045] {strides = array<i32>} : memref<2x200xi32, #tpu.memory_space<vmem>>, vector<1x16xi32>,
        %swap3A_1047 = vector.shape_cast %swap3A_1046 : vector<1x16xi32> to vector<16xi32>
        %swap3A_1048 = vector.shape_cast %add3A_1042 : vector<16xi32> to vector<1x16xi32>
        tpu.vector_store %arg12[%swap3A_1044, %swap3A_1045], %swap3A_1048 {strides = array<i32>} : memref<2x200xi32, #tpu.memory_space<vmem>>, vector<1x16xi32>,
        %get3A_1049 = arith.constant 1 : i32
        %get3A_1050 = arith.index_cast %get3A_1049 : i32 to index
        %get3A_1051 = arith.constant 160 : index
        %get3A_1052 = tpu.vector_load %arg9[%get3A_1050, %get3A_1051] {strides = array<i32>} : memref<2x200xi32, #tpu.memory_space<vmem>>, vector<1x16xi32>,
        %get3A_1053 = vector.shape_cast %get3A_1052 : vector<1x16xi32> to vector<16xi32>
        %mul3A_1054 = arith.constant 3 : i32
        %mul3A_1055 = vector.broadcast %mul3A_1054 : i32 to vector<16xi32>
        %mul3A_1056 = arith.muli %get3A_1053, %mul3A_1055 : vector<16xi32>
        %get3A_1057 = arith.constant 1 : i32
        %get3A_1058 = arith.index_cast %get3A_1057 : i32 to index
        %get3A_1059 = arith.constant 160 : index
        %get3A_1060 = tpu.vector_load %arg10[%get3A_1058, %get3A_1059] {strides = array<i32>} : memref<2x200xi32, #tpu.memory_space<vmem>>, vector<1x16xi32>,
        %get3A_1061 = vector.shape_cast %get3A_1060 : vector<1x16xi32> to vector<16xi32>
        %add3A_1062 = arith.addi %mul3A_1056, %get3A_1061 : vector<16xi32>
        %swap3A_1063 = arith.constant 1 : i32
        %swap3A_1064 = arith.index_cast %swap3A_1063 : i32 to index
        %swap3A_1065 = arith.constant 160 : index
        %swap3A_1066 = tpu.vector_load %arg12[%swap3A_1064, %swap3A_1065] {strides = array<i32>} : memref<2x200xi32, #tpu.memory_space<vmem>>, vector<1x16xi32>,
        %swap3A_1067 = vector.shape_cast %swap3A_1066 : vector<1x16xi32> to vector<16xi32>
        %swap3A_1068 = vector.shape_cast %add3A_1062 : vector<16xi32> to vector<1x16xi32>
        tpu.vector_store %arg12[%swap3A_1064, %swap3A_1065], %swap3A_1068 {strides = array<i32>} : memref<2x200xi32, #tpu.memory_space<vmem>>, vector<1x16xi32>,
        %get3A_1069 = arith.constant 1 : i32
        %get3A_1070 = arith.index_cast %get3A_1069 : i32 to index
        %get3A_1071 = arith.constant 176 : index
        %get3A_1072 = tpu.vector_load %arg9[%get3A_1070, %get3A_1071] {strides = array<i32>} : memref<2x200xi32, #tpu.memory_space<vmem>>, vector<1x16xi32>,
        %get3A_1073 = vector.shape_cast %get3A_1072 : vector<1x16xi32> to vector<16xi32>
        %mul3A_1074 = arith.constant 3 : i32
        %mul3A_1075 = vector.broadcast %mul3A_1074 : i32 to vector<16xi32>
        %mul3A_1076 = arith.muli %get3A_1073, %mul3A_1075 : vector<16xi32>
        %get3A_1077 = arith.constant 1 : i32
        %get3A_1078 = arith.index_cast %get3A_1077 : i32 to index
        %get3A_1079 = arith.constant 176 : index
        %get3A_1080 = tpu.vector_load %arg10[%get3A_1078, %get3A_1079] {strides = array<i32>} : memref<2x200xi32, #tpu.memory_space<vmem>>, vector<1x16xi32>,
        %get3A_1081 = vector.shape_cast %get3A_1080 : vector<1x16xi32> to vector<16xi32>
        %add3A_1082 = arith.addi %mul3A_1076, %get3A_1081 : vector<16xi32>
        %swap3A_1083 = arith.constant 1 : i32
        %swap3A_1084 = arith.index_cast %swap3A_1083 : i32 to index
        %swap3A_1085 = arith.constant 176 : index
        %swap3A_1086 = tpu.vector_load %arg12[%swap3A_1084, %swap3A_1085] {strides = array<i32>} : memref<2x200xi32, #tpu.memory_space<vmem>>, vector<1x16xi32>,
        %swap3A_1087 = vector.shape_cast %swap3A_1086 : vector<1x16xi32> to vector<16xi32>
        %swap3A_1088 = vector.shape_cast %add3A_1082 : vector<16xi32> to vector<1x16xi32>
        tpu.vector_store %arg12[%swap3A_1084, %swap3A_1085], %swap3A_1088 {strides = array<i32>} : memref<2x200xi32, #tpu.memory_space<vmem>>, vector<1x16xi32>,
        %get3A_1089 = arith.constant 1 : i32
        %get3A_1090 = arith.index_cast %get3A_1089 : i32 to index
        %get3A_1091 = arith.constant 184 : index
        %get3A_1092 = tpu.vector_load %arg9[%get3A_1090, %get3A_1091] {strides = array<i32>} : memref<2x200xi32, #tpu.memory_space<vmem>>, vector<1x16xi32>,
        %get3A_1093 = vector.shape_cast %get3A_1092 : vector<1x16xi32> to vector<16xi32>
        %mul3A_1094 = arith.constant 3 : i32
        %mul3A_1095 = vector.broadcast %mul3A_1094 : i32 to vector<16xi32>
        %mul3A_1096 = arith.muli %get3A_1093, %mul3A_1095 : vector<16xi32>
        %get3A_1097 = arith.constant 1 : i32
        %get3A_1098 = arith.index_cast %get3A_1097 : i32 to index
        %get3A_1099 = arith.constant 184 : index
        %get3A_1100 = tpu.vector_load %arg10[%get3A_1098, %get3A_1099] {strides = array<i32>} : memref<2x200xi32, #tpu.memory_space<vmem>>, vector<1x16xi32>,
        %get3A_1101 = vector.shape_cast %get3A_1100 : vector<1x16xi32> to vector<16xi32>
        %add3A_1102 = arith.addi %mul3A_1096, %get3A_1101 : vector<16xi32>
        %swap3A_1103 = arith.constant 1 : i32
        %swap3A_1104 = arith.index_cast %swap3A_1103 : i32 to index
        %swap3A_1105 = arith.constant 184 : index
        %swap3A_1106 = tpu.vector_load %arg12[%swap3A_1104, %swap3A_1105] {strides = array<i32>} : memref<2x200xi32, #tpu.memory_space<vmem>>, vector<1x16xi32>,
        %swap3A_1107 = vector.shape_cast %swap3A_1106 : vector<1x16xi32> to vector<16xi32>
        %swap3A_1108 = vector.shape_cast %add3A_1102 : vector<16xi32> to vector<1x16xi32>
        tpu.vector_store %arg12[%swap3A_1104, %swap3A_1105], %swap3A_1108 {strides = array<i32>} : memref<2x200xi32, #tpu.memory_space<vmem>>, vector<1x16xi32>,
      } else {
      }
      %dma_wait3A_520 = arith.constant 0 : i32
      %dma_wait3A_521 = arith.constant 0 : i32
      %dma_wait3A_522 = arith.constant 0 : i32
      %dma_wait3A_523 = tpu.memref_slice %arg14[%dma_wait3A_520, %dma_wait3A_521, %dma_wait3A_522] : memref<2x200x88xf32, #tpu.memory_space<vmem>> -> memref<1x128x88xf32, #tpu.memory_space<vmem>>
      %dma_wait3A_524 = tpu.memref_squeeze %dma_wait3A_523 : memref<1x128x88xf32, #tpu.memory_space<vmem>> -> memref<128x88xf32, #tpu.memory_space<vmem>>
      %dma_wait3A_525 = arith.constant 0 : i32
      %dma_wait3A_526 = arith.constant 0 : i32
      %dma_wait3A_527 = tpu.memref_slice %arg7[%dma_wait3A_525, %dma_wait3A_526] : memref<100001x88xf32, #tpu.memory_space<hbm>> -> memref<128x88xf32, #tpu.memory_space<hbm>>
      %dma_wait3A_528 = arith.constant 0 : i32
      %dma_wait3A_529 = arith.constant 0 : i32
      %dma_wait3A_530 = tpu.memref_slice %arg14[%dma_wait3A_520, %dma_wait3A_528, %dma_wait3A_529] : memref<2x200x88xf32, #tpu.memory_space<vmem>> -> memref<1x128x88xf32, #tpu.memory_space<vmem>>
      %dma_wait3A_531 = tpu.memref_squeeze %dma_wait3A_530 : memref<1x128x88xf32, #tpu.memory_space<vmem>> -> memref<128x88xf32, #tpu.memory_space<vmem>>
      %dma_wait3A_532 = arith.constant 0 : i32
      %dma_wait3A_533 = arith.constant 0 : i32
      %dma_wait3A_534 = tpu.memref_slice %arg7[%dma_wait3A_532, %dma_wait3A_533] : memref<100001x88xf32, #tpu.memory_space<hbm>> -> memref<128x88xf32, #tpu.memory_space<hbm>>
      tpu.wait_dma2 semaphore(%arg18 : memref<!tpu.dma_semaphore, #tpu.memory_space<semaphore_mem>>) src(%dma_wait3A_534 : memref<128x88xf32, #tpu.memory_space<hbm>>) dst(%dma_wait3A_531 : memref<128x88xf32, #tpu.memory_space<vmem>>)
      %dma_wait3A_535 = arith.constant 0 : i32
      %dma_wait3A_536 = arith.constant 0 : i32
      %dma_wait3A_537 = arith.constant 0 : i32
      %dma_wait3A_538 = tpu.memref_slice %arg13[%dma_wait3A_535, %dma_wait3A_536, %dma_wait3A_537] : memref<2x200x24xf32, #tpu.memory_space<vmem>> -> memref<1x128x24xf32, #tpu.memory_space<vmem>>
      %dma_wait3A_539 = tpu.memref_squeeze %dma_wait3A_538 : memref<1x128x24xf32, #tpu.memory_space<vmem>> -> memref<128x24xf32, #tpu.memory_space<vmem>>
      %dma_wait3A_540 = arith.constant 0 : i32
      %dma_wait3A_541 = arith.constant 0 : i32
      %dma_wait3A_542 = tpu.memref_slice %arg7[%dma_wait3A_540, %dma_wait3A_541] : memref<100001x88xf32, #tpu.memory_space<hbm>> -> memref<128x24xf32, #tpu.memory_space<hbm>>
      %dma_wait3A_543 = arith.constant 0 : i32
      %dma_wait3A_544 = arith.constant 0 : i32
      %dma_wait3A_545 = tpu.memref_slice %arg13[%dma_wait3A_535, %dma_wait3A_543, %dma_wait3A_544] : memref<2x200x24xf32, #tpu.memory_space<vmem>> -> memref<1x128x24xf32, #tpu.memory_space<vmem>>
      %dma_wait3A_546 = tpu.memref_squeeze %dma_wait3A_545 : memref<1x128x24xf32, #tpu.memory_space<vmem>> -> memref<128x24xf32, #tpu.memory_space<vmem>>
      %dma_wait3A_547 = arith.constant 0 : i32
      %dma_wait3A_548 = arith.constant 0 : i32
      %dma_wait3A_549 = tpu.memref_slice %arg7[%dma_wait3A_547, %dma_wait3A_548] : memref<100001x88xf32, #tpu.memory_space<hbm>> -> memref<128x24xf32, #tpu.memory_space<hbm>>
      tpu.wait_dma2 semaphore(%arg18 : memref<!tpu.dma_semaphore, #tpu.memory_space<semaphore_mem>>) src(%dma_wait3A_549 : memref<128x24xf32, #tpu.memory_space<hbm>>) dst(%dma_wait3A_546 : memref<128x24xf32, #tpu.memory_space<vmem>>)
      %dma_wait3A_550 = arith.constant 0 : i32
      %dma_wait3A_551 = arith.constant 128 : i32
      %dma_wait3A_552 = arith.constant 0 : i32
      %dma_wait3A_553 = tpu.memref_slice %arg14[%dma_wait3A_550, %dma_wait3A_551, %dma_wait3A_552] : memref<2x200x88xf32, #tpu.memory_space<vmem>> -> memref<1x72x88xf32, #tpu.memory_space<vmem>>
      %dma_wait3A_554 = tpu.memref_squeeze %dma_wait3A_553 : memref<1x72x88xf32, #tpu.memory_space<vmem>> -> memref<72x88xf32, #tpu.memory_space<vmem>>
      %dma_wait3A_555 = arith.constant 0 : i32
      %dma_wait3A_556 = arith.constant 0 : i32
      %dma_wait3A_557 = tpu.memref_slice %arg7[%dma_wait3A_555, %dma_wait3A_556] : memref<100001x88xf32, #tpu.memory_space<hbm>> -> memref<72x88xf32, #tpu.memory_space<hbm>>
      %dma_wait3A_558 = arith.constant 128 : i32
      %dma_wait3A_559 = arith.constant 0 : i32
      %dma_wait3A_560 = tpu.memref_slice %arg14[%dma_wait3A_550, %dma_wait3A_558, %dma_wait3A_559] : memref<2x200x88xf32, #tpu.memory_space<vmem>> -> memref<1x72x88xf32, #tpu.memory_space<vmem>>
      %dma_wait3A_561 = tpu.memref_squeeze %dma_wait3A_560 : memref<1x72x88xf32, #tpu.memory_space<vmem>> -> memref<72x88xf32, #tpu.memory_space<vmem>>
      %dma_wait3A_562 = arith.constant 0 : i32
      %dma_wait3A_563 = arith.constant 0 : i32
      %dma_wait3A_564 = tpu.memref_slice %arg7[%dma_wait3A_562, %dma_wait3A_563] : memref<100001x88xf32, #tpu.memory_space<hbm>> -> memref<72x88xf32, #tpu.memory_space<hbm>>
      tpu.wait_dma2 semaphore(%arg18 : memref<!tpu.dma_semaphore, #tpu.memory_space<semaphore_mem>>) src(%dma_wait3A_564 : memref<72x88xf32, #tpu.memory_space<hbm>>) dst(%dma_wait3A_561 : memref<72x88xf32, #tpu.memory_space<vmem>>)
      %dma_wait3A_565 = arith.constant 0 : i32
      %dma_wait3A_566 = arith.constant 128 : i32
      %dma_wait3A_567 = arith.constant 0 : i32
      %dma_wait3A_568 = tpu.memref_slice %arg13[%dma_wait3A_565, %dma_wait3A_566, %dma_wait3A_567] : memref<2x200x24xf32, #tpu.memory_space<vmem>> -> memref<1x72x24xf32, #tpu.memory_space<vmem>>
      %dma_wait3A_569 = tpu.memref_squeeze %dma_wait3A_568 : memref<1x72x24xf32, #tpu.memory_space<vmem>> -> memref<72x24xf32, #tpu.memory_space<vmem>>
      %dma_wait3A_570 = arith.constant 0 : i32
      %dma_wait3A_571 = arith.constant 0 : i32
      %dma_wait3A_572 = tpu.memref_slice %arg7[%dma_wait3A_570, %dma_wait3A_571] : memref<100001x88xf32, #tpu.memory_space<hbm>> -> memref<72x24xf32, #tpu.memory_space<hbm>>
      %dma_wait3A_573 = arith.constant 128 : i32
      %dma_wait3A_574 = arith.constant 0 : i32
      %dma_wait3A_575 = tpu.memref_slice %arg13[%dma_wait3A_565, %dma_wait3A_573, %dma_wait3A_574] : memref<2x200x24xf32, #tpu.memory_space<vmem>> -> memref<1x72x24xf32, #tpu.memory_space<vmem>>
      %dma_wait3A_576 = tpu.memref_squeeze %dma_wait3A_575 : memref<1x72x24xf32, #tpu.memory_space<vmem>> -> memref<72x24xf32, #tpu.memory_space<vmem>>
      %dma_wait3A_577 = arith.constant 0 : i32
      %dma_wait3A_578 = arith.constant 0 : i32
      %dma_wait3A_579 = tpu.memref_slice %arg7[%dma_wait3A_577, %dma_wait3A_578] : memref<100001x88xf32, #tpu.memory_space<hbm>> -> memref<72x24xf32, #tpu.memory_space<hbm>>
      tpu.wait_dma2 semaphore(%arg18 : memref<!tpu.dma_semaphore, #tpu.memory_space<semaphore_mem>>) src(%dma_wait3A_579 : memref<72x24xf32, #tpu.memory_space<hbm>>) dst(%dma_wait3A_576 : memref<72x24xf32, #tpu.memory_space<vmem>>)
      %dma_wait3A_580 = arith.constant 0 : i32
      %dma_wait3A_581 = arith.constant 0 : i32
      %dma_wait3A_582 = arith.constant 0 : i32
      %dma_wait3A_583 = arith.constant 0 : i32
      %dma_wait3A_584 = tpu.memref_slice %arg15[%dma_wait3A_581, %dma_wait3A_582, %dma_wait3A_583] : memref<2x200x128xf32, #tpu.memory_space<vmem>> -> memref<1x200x128xf32, #tpu.memory_space<vmem>>
      %dma_wait3A_585 = tpu.memref_squeeze %dma_wait3A_584 : memref<1x200x128xf32, #tpu.memory_space<vmem>> -> memref<200x128xf32, #tpu.memory_space<vmem>>
      %dma_wait3A_586 = arith.constant 0 : i32
      %dma_wait3A_587 = arith.constant 0 : i32
      %dma_wait3A_588 = tpu.memref_slice %arg2[%dma_wait3A_580, %dma_wait3A_586, %dma_wait3A_587] : memref<4096x200x128xf32, #tpu.memory_space<hbm>> -> memref<1x200x128xf32, #tpu.memory_space<hbm>>
      %dma_wait3A_589 = tpu.memref_squeeze %dma_wait3A_588 : memref<1x200x128xf32, #tpu.memory_space<hbm>> -> memref<200x128xf32, #tpu.memory_space<hbm>>
      %dma_wait3A_590 = arith.constant 0 : i32
      %dma_wait3A_591 = arith.constant 0 : i32
      %dma_wait3A_592 = tpu.memref_slice %arg15[%dma_wait3A_581, %dma_wait3A_590, %dma_wait3A_591] : memref<2x200x128xf32, #tpu.memory_space<vmem>> -> memref<1x200x128xf32, #tpu.memory_space<vmem>>
      %dma_wait3A_593 = tpu.memref_squeeze %dma_wait3A_592 : memref<1x200x128xf32, #tpu.memory_space<vmem>> -> memref<200x128xf32, #tpu.memory_space<vmem>>
      %dma_wait3A_594 = arith.constant 0 : i32
      %dma_wait3A_595 = arith.constant 0 : i32
      %dma_wait3A_596 = tpu.memref_slice %arg2[%dma_wait3A_580, %dma_wait3A_594, %dma_wait3A_595] : memref<4096x200x128xf32, #tpu.memory_space<hbm>> -> memref<1x200x128xf32, #tpu.memory_space<hbm>>
      %dma_wait3A_597 = tpu.memref_squeeze %dma_wait3A_596 : memref<1x200x128xf32, #tpu.memory_space<hbm>> -> memref<200x128xf32, #tpu.memory_space<hbm>>
      tpu.wait_dma2 semaphore(%arg18 : memref<!tpu.dma_semaphore, #tpu.memory_space<semaphore_mem>>) src(%dma_wait3A_597 : memref<200x128xf32, #tpu.memory_space<hbm>>) dst(%dma_wait3A_593 : memref<200x128xf32, #tpu.memory_space<vmem>>)
      %add3A_598 = arith.constant 1 : i32
      %add3A_599 = arith.addi %mul3A_515, %add3A_598 : i32
      %lt3A_600 = arith.constant 128 : i32
      %lt3A_601 = arith.cmpi slt, %add3A_599, %lt3A_600 : i32
      %convert_element_type3A_602 = arith.extui %lt3A_601 : i1 to i32
      %cond3A_603 = arith.constant 0 : i32
      %cond3A_604 = arith.cmpi ne, %convert_element_type3A_602, %cond3A_603 : i32
      scf.if %cond3A_604 {
        %add3A_816 = arith.constant 1 : i32
        %add3A_817 = arith.addi %mul3A_515, %add3A_816 : i32
        %dma_start3A_818 = arith.constant 1 : i32
        %dma_start3A_819 = arith.constant 1 : i32
        %dma_start3A_820 = arith.constant 0 : i32
        %dma_start3A_821 = arith.constant 0 : i32
        %dma_start3A_822 = tpu.memref_slice %arg14[%dma_start3A_819, %dma_start3A_820, %dma_start3A_821] : memref<2x200x88xf32, #tpu.memory_space<vmem>> -> memref<1x128x88xf32, #tpu.memory_space<vmem>>
        %dma_start3A_823 = tpu.memref_squeeze %dma_start3A_822 : memref<1x128x88xf32, #tpu.memory_space<vmem>> -> memref<128x88xf32, #tpu.memory_space<vmem>>
        %dma_start3A_824 = arith.constant 0 : i32
        %dma_start3A_825 = tpu.memref_slice %arg11[%dma_start3A_818, %dma_start3A_824] : memref<2x200xi32, #tpu.memory_space<vmem>> -> memref<1x128xi32, #tpu.memory_space<vmem>>
        %dma_start3A_826 = tpu.memref_squeeze %dma_start3A_825 : memref<1x128xi32, #tpu.memory_space<vmem>> -> memref<128xi32, #tpu.memory_space<vmem>>
        %dma_start3A_827 = arith.constant 0 : i32
        %dma_start3A_828 = arith.constant 0 : i32
        %dma_start3A_829 = tpu.memref_slice %arg7[%dma_start3A_827, %dma_start3A_828] : memref<100001x88xf32, #tpu.memory_space<hbm>> -> memref<100001x88xf32, #tpu.memory_space<hbm>>
        tpu.enqueue_indirect_dma source(%dma_start3A_829 : memref<100001x88xf32, #tpu.memory_space<hbm>>) target(%dma_start3A_823 : memref<128x88xf32, #tpu.memory_space<vmem>>) offsets(%dma_start3A_826 : memref<128xi32, #tpu.memory_space<vmem>>) semaphore(%arg19 : memref<!tpu.dma_semaphore, #tpu.memory_space<semaphore_mem>>)
        %dma_start3A_830 = arith.constant 1 : i32
        %dma_start3A_831 = arith.constant 1 : i32
        %dma_start3A_832 = arith.constant 0 : i32
        %dma_start3A_833 = arith.constant 0 : i32
        %dma_start3A_834 = tpu.memref_slice %arg13[%dma_start3A_831, %dma_start3A_832, %dma_start3A_833] : memref<2x200x24xf32, #tpu.memory_space<vmem>> -> memref<1x128x24xf32, #tpu.memory_space<vmem>>
        %dma_start3A_835 = tpu.memref_squeeze %dma_start3A_834 : memref<1x128x24xf32, #tpu.memory_space<vmem>> -> memref<128x24xf32, #tpu.memory_space<vmem>>
        %dma_start3A_836 = arith.constant 0 : i32
        %dma_start3A_837 = tpu.memref_slice %arg12[%dma_start3A_830, %dma_start3A_836] : memref<2x200xi32, #tpu.memory_space<vmem>> -> memref<1x128xi32, #tpu.memory_space<vmem>>
        %dma_start3A_838 = tpu.memref_squeeze %dma_start3A_837 : memref<1x128xi32, #tpu.memory_space<vmem>> -> memref<128xi32, #tpu.memory_space<vmem>>
        %dma_start3A_839 = arith.constant 0 : i32
        %dma_start3A_840 = arith.constant 0 : i32
        %dma_start3A_841 = tpu.memref_slice %arg6[%dma_start3A_839, %dma_start3A_840] : memref<75x24xf32, #tpu.memory_space<hbm>> -> memref<75x24xf32, #tpu.memory_space<hbm>>
        tpu.enqueue_indirect_dma source(%dma_start3A_841 : memref<75x24xf32, #tpu.memory_space<hbm>>) target(%dma_start3A_835 : memref<128x24xf32, #tpu.memory_space<vmem>>) offsets(%dma_start3A_838 : memref<128xi32, #tpu.memory_space<vmem>>) semaphore(%arg19 : memref<!tpu.dma_semaphore, #tpu.memory_space<semaphore_mem>>)
        %dma_start3A_842 = arith.constant 1 : i32
        %dma_start3A_843 = arith.constant 1 : i32
        %dma_start3A_844 = arith.constant 128 : i32
        %dma_start3A_845 = arith.constant 0 : i32
        %dma_start3A_846 = tpu.memref_slice %arg14[%dma_start3A_843, %dma_start3A_844, %dma_start3A_845] : memref<2x200x88xf32, #tpu.memory_space<vmem>> -> memref<1x72x88xf32, #tpu.memory_space<vmem>>
        %dma_start3A_847 = tpu.memref_squeeze %dma_start3A_846 : memref<1x72x88xf32, #tpu.memory_space<vmem>> -> memref<72x88xf32, #tpu.memory_space<vmem>>
        %dma_start3A_848 = arith.constant 128 : i32
        %dma_start3A_849 = tpu.memref_slice %arg11[%dma_start3A_842, %dma_start3A_848] : memref<2x200xi32, #tpu.memory_space<vmem>> -> memref<1x72xi32, #tpu.memory_space<vmem>>
        %dma_start3A_850 = tpu.memref_squeeze %dma_start3A_849 : memref<1x72xi32, #tpu.memory_space<vmem>> -> memref<72xi32, #tpu.memory_space<vmem>>
        %dma_start3A_851 = arith.constant 0 : i32
        %dma_start3A_852 = arith.constant 0 : i32
        %dma_start3A_853 = tpu.memref_slice %arg7[%dma_start3A_851, %dma_start3A_852] : memref<100001x88xf32, #tpu.memory_space<hbm>> -> memref<100001x88xf32, #tpu.memory_space<hbm>>
        tpu.enqueue_indirect_dma source(%dma_start3A_853 : memref<100001x88xf32, #tpu.memory_space<hbm>>) target(%dma_start3A_847 : memref<72x88xf32, #tpu.memory_space<vmem>>) offsets(%dma_start3A_850 : memref<72xi32, #tpu.memory_space<vmem>>) semaphore(%arg19 : memref<!tpu.dma_semaphore, #tpu.memory_space<semaphore_mem>>)
        %dma_start3A_854 = arith.constant 1 : i32
        %dma_start3A_855 = arith.constant 1 : i32
        %dma_start3A_856 = arith.constant 128 : i32
        %dma_start3A_857 = arith.constant 0 : i32
        %dma_start3A_858 = tpu.memref_slice %arg13[%dma_start3A_855, %dma_start3A_856, %dma_start3A_857] : memref<2x200x24xf32, #tpu.memory_space<vmem>> -> memref<1x72x24xf32, #tpu.memory_space<vmem>>
        %dma_start3A_859 = tpu.memref_squeeze %dma_start3A_858 : memref<1x72x24xf32, #tpu.memory_space<vmem>> -> memref<72x24xf32, #tpu.memory_space<vmem>>
        %dma_start3A_860 = arith.constant 128 : i32
        %dma_start3A_861 = tpu.memref_slice %arg12[%dma_start3A_854, %dma_start3A_860] : memref<2x200xi32, #tpu.memory_space<vmem>> -> memref<1x72xi32, #tpu.memory_space<vmem>>
        %dma_start3A_862 = tpu.memref_squeeze %dma_start3A_861 : memref<1x72xi32, #tpu.memory_space<vmem>> -> memref<72xi32, #tpu.memory_space<vmem>>
        %dma_start3A_863 = arith.constant 0 : i32
        %dma_start3A_864 = arith.constant 0 : i32
        %dma_start3A_865 = tpu.memref_slice %arg6[%dma_start3A_863, %dma_start3A_864] : memref<75x24xf32, #tpu.memory_space<hbm>> -> memref<75x24xf32, #tpu.memory_space<hbm>>
        tpu.enqueue_indirect_dma source(%dma_start3A_865 : memref<75x24xf32, #tpu.memory_space<hbm>>) target(%dma_start3A_859 : memref<72x24xf32, #tpu.memory_space<vmem>>) offsets(%dma_start3A_862 : memref<72xi32, #tpu.memory_space<vmem>>) semaphore(%arg19 : memref<!tpu.dma_semaphore, #tpu.memory_space<semaphore_mem>>)
        %add3A_866 = arith.addi %mul3A_2, %add3A_817 : i32
        %dma_start3A_867 = arith.constant 1 : i32
        %dma_start3A_868 = arith.constant 0 : i32
        %dma_start3A_869 = arith.constant 0 : i32
        %dma_start3A_870 = tpu.memref_slice %arg15[%dma_start3A_867, %dma_start3A_868, %dma_start3A_869] : memref<2x200x128xf32, #tpu.memory_space<vmem>> -> memref<1x200x128xf32, #tpu.memory_space<vmem>>
        %dma_start3A_871 = tpu.memref_squeeze %dma_start3A_870 : memref<1x200x128xf32, #tpu.memory_space<vmem>> -> memref<200x128xf32, #tpu.memory_space<vmem>>
        %dma_start3A_872 = arith.constant 0 : i32
        %dma_start3A_873 = arith.constant 0 : i32
        %dma_start3A_874 = tpu.memref_slice %arg2[%add3A_866, %dma_start3A_872, %dma_start3A_873] : memref<4096x200x128xf32, #tpu.memory_space<hbm>> -> memref<1x200x128xf32, #tpu.memory_space<hbm>>
        %dma_start3A_875 = tpu.memref_squeeze %dma_start3A_874 : memref<1x200x128xf32, #tpu.memory_space<hbm>> -> memref<200x128xf32, #tpu.memory_space<hbm>>
        %dma_start3A_876 = arith.constant 0 : i32
        %dma_start3A_877 = arith.constant 0 : i32
        %dma_start3A_878 = tpu.memref_slice %arg15[%dma_start3A_867, %dma_start3A_876, %dma_start3A_877] : memref<2x200x128xf32, #tpu.memory_space<vmem>> -> memref<1x200x128xf32, #tpu.memory_space<vmem>>
        %dma_start3A_879 = tpu.memref_squeeze %dma_start3A_878 : memref<1x200x128xf32, #tpu.memory_space<vmem>> -> memref<200x128xf32, #tpu.memory_space<vmem>>
        %dma_start3A_880 = arith.constant 0 : i32
        %dma_start3A_881 = arith.constant 0 : i32
        %dma_start3A_882 = tpu.memref_slice %arg2[%add3A_866, %dma_start3A_880, %dma_start3A_881] : memref<4096x200x128xf32, #tpu.memory_space<hbm>> -> memref<1x200x128xf32, #tpu.memory_space<hbm>>
        %dma_start3A_883 = tpu.memref_squeeze %dma_start3A_882 : memref<1x200x128xf32, #tpu.memory_space<hbm>> -> memref<200x128xf32, #tpu.memory_space<hbm>>
        tpu.enqueue_dma source(%dma_start3A_883 : memref<200x128xf32, #tpu.memory_space<hbm>>) target(%dma_start3A_879 : memref<200x128xf32, #tpu.memory_space<vmem>>) target_semaphore(%arg19 : memref<!tpu.dma_semaphore, #tpu.memory_space<semaphore_mem>>)
      } else {
      }
      %add3A_605 = arith.constant 2 : i32
      %add3A_606 = arith.addi %mul3A_515, %add3A_605 : i32
      %lt3A_607 = arith.constant 128 : i32
      %lt3A_608 = arith.cmpi slt, %add3A_606, %lt3A_607 : i32
      %convert_element_type3A_609 = arith.extui %lt3A_608 : i1 to i32
      %cond3A_610 = arith.constant 0 : i32
      %cond3A_611 = arith.cmpi ne, %convert_element_type3A_609, %cond3A_610 : i32
      scf.if %cond3A_611 {
        %add3A_816 = arith.constant 2 : i32
        %add3A_817 = arith.addi %mul3A_515, %add3A_816 : i32
        %add3A_818 = arith.addi %mul3A_2, %add3A_817 : i32
        %mul3A_819 = arith.constant 200 : i32
        %mul3A_820 = arith.muli %add3A_818, %mul3A_819 : i32
        %dma_start3A_821 = arith.constant 0 : i32
        %dma_start3A_822 = arith.constant 0 : i32
        %dma_start3A_823 = tpu.memref_slice %arg9[%dma_start3A_821, %dma_start3A_822] : memref<2x200xi32, #tpu.memory_space<vmem>> -> memref<1x200xi32, #tpu.memory_space<vmem>>
        %dma_start3A_824 = tpu.memref_squeeze %dma_start3A_823 : memref<1x200xi32, #tpu.memory_space<vmem>> -> memref<200xi32, #tpu.memory_space<vmem>>
        %dma_start3A_825 = tpu.memref_slice %arg3[%mul3A_820] : memref<819200xi32, #tpu.memory_space<hbm>> -> memref<200xi32, #tpu.memory_space<hbm>>
        %dma_start3A_826 = arith.constant 0 : i32
        %dma_start3A_827 = tpu.memref_slice %arg9[%dma_start3A_821, %dma_start3A_826] : memref<2x200xi32, #tpu.memory_space<vmem>> -> memref<1x200xi32, #tpu.memory_space<vmem>>
        %dma_start3A_828 = tpu.memref_squeeze %dma_start3A_827 : memref<1x200xi32, #tpu.memory_space<vmem>> -> memref<200xi32, #tpu.memory_space<vmem>>
        %dma_start3A_829 = tpu.memref_slice %arg3[%mul3A_820] : memref<819200xi32, #tpu.memory_space<hbm>> -> memref<200xi32, #tpu.memory_space<hbm>>
        tpu.enqueue_dma source(%dma_start3A_829 : memref<200xi32, #tpu.memory_space<hbm>>) target(%dma_start3A_828 : memref<200xi32, #tpu.memory_space<vmem>>) target_semaphore(%arg16 : memref<!tpu.dma_semaphore, #tpu.memory_space<semaphore_mem>>)
        %dma_start3A_830 = arith.constant 0 : i32
        %dma_start3A_831 = arith.constant 0 : i32
        %dma_start3A_832 = tpu.memref_slice %arg10[%dma_start3A_830, %dma_start3A_831] : memref<2x200xi32, #tpu.memory_space<vmem>> -> memref<1x200xi32, #tpu.memory_space<vmem>>
        %dma_start3A_833 = tpu.memref_squeeze %dma_start3A_832 : memref<1x200xi32, #tpu.memory_space<vmem>> -> memref<200xi32, #tpu.memory_space<vmem>>
        %dma_start3A_834 = tpu.memref_slice %arg4[%mul3A_820] : memref<819200xi32, #tpu.memory_space<hbm>> -> memref<200xi32, #tpu.memory_space<hbm>>
        %dma_start3A_835 = arith.constant 0 : i32
        %dma_start3A_836 = tpu.memref_slice %arg10[%dma_start3A_830, %dma_start3A_835] : memref<2x200xi32, #tpu.memory_space<vmem>> -> memref<1x200xi32, #tpu.memory_space<vmem>>
        %dma_start3A_837 = tpu.memref_squeeze %dma_start3A_836 : memref<1x200xi32, #tpu.memory_space<vmem>> -> memref<200xi32, #tpu.memory_space<vmem>>
        %dma_start3A_838 = tpu.memref_slice %arg4[%mul3A_820] : memref<819200xi32, #tpu.memory_space<hbm>> -> memref<200xi32, #tpu.memory_space<hbm>>
        tpu.enqueue_dma source(%dma_start3A_838 : memref<200xi32, #tpu.memory_space<hbm>>) target(%dma_start3A_837 : memref<200xi32, #tpu.memory_space<vmem>>) target_semaphore(%arg16 : memref<!tpu.dma_semaphore, #tpu.memory_space<semaphore_mem>>)
        %dma_start3A_839 = arith.constant 0 : i32
        %dma_start3A_840 = arith.constant 0 : i32
        %dma_start3A_841 = tpu.memref_slice %arg11[%dma_start3A_839, %dma_start3A_840] : memref<2x200xi32, #tpu.memory_space<vmem>> -> memref<1x200xi32, #tpu.memory_space<vmem>>
        %dma_start3A_842 = tpu.memref_squeeze %dma_start3A_841 : memref<1x200xi32, #tpu.memory_space<vmem>> -> memref<200xi32, #tpu.memory_space<vmem>>
        %dma_start3A_843 = tpu.memref_slice %arg5[%mul3A_820] : memref<819200xi32, #tpu.memory_space<hbm>> -> memref<200xi32, #tpu.memory_space<hbm>>
        %dma_start3A_844 = arith.constant 0 : i32
        %dma_start3A_845 = tpu.memref_slice %arg11[%dma_start3A_839, %dma_start3A_844] : memref<2x200xi32, #tpu.memory_space<vmem>> -> memref<1x200xi32, #tpu.memory_space<vmem>>
        %dma_start3A_846 = tpu.memref_squeeze %dma_start3A_845 : memref<1x200xi32, #tpu.memory_space<vmem>> -> memref<200xi32, #tpu.memory_space<vmem>>
        %dma_start3A_847 = tpu.memref_slice %arg5[%mul3A_820] : memref<819200xi32, #tpu.memory_space<hbm>> -> memref<200xi32, #tpu.memory_space<hbm>>
        tpu.enqueue_dma source(%dma_start3A_847 : memref<200xi32, #tpu.memory_space<hbm>>) target(%dma_start3A_846 : memref<200xi32, #tpu.memory_space<vmem>>) target_semaphore(%arg16 : memref<!tpu.dma_semaphore, #tpu.memory_space<semaphore_mem>>)
      } else {
      }
      %ge3A = arith.constant 2 : i32
      %ge3A_612 = arith.cmpi sge, %mul3A_515, %ge3A : i32
      %convert_element_type3A_613 = arith.extui %ge3A_612 : i1 to i32
      %cond3A_614 = arith.constant 0 : i32
      %cond3A_615 = arith.cmpi ne, %convert_element_type3A_613, %cond3A_614 : i32
      scf.if %cond3A_615 {
        %dma_wait3A_816 = arith.constant 0 : i32
        %dma_wait3A_817 = arith.constant 0 : i32
        %dma_wait3A_818 = arith.constant 0 : i32
        %dma_wait3A_819 = tpu.memref_slice %arg15[%dma_wait3A_816, %dma_wait3A_817, %dma_wait3A_818] : memref<2x200x128xf32, #tpu.memory_space<vmem>> -> memref<1x200x128xf32, #tpu.memory_space<vmem>>
        %dma_wait3A_820 = tpu.memref_squeeze %dma_wait3A_819 : memref<1x200x128xf32, #tpu.memory_space<vmem>> -> memref<200x128xf32, #tpu.memory_space<vmem>>
        %dma_wait3A_821 = arith.constant 0 : i32
        %dma_wait3A_822 = arith.constant 0 : i32
        %dma_wait3A_823 = tpu.memref_slice %arg8[%dma_wait3A_821, %dma_wait3A_822] : memref<819200x216xf32, #tpu.memory_space<hbm>> -> memref<200x216xf32, #tpu.memory_space<hbm>>
        %dma_wait3A_824 = arith.constant 0 : i32
        %dma_wait3A_825 = arith.constant 0 : i32
        %dma_wait3A_826 = tpu.memref_slice %dma_wait3A_823[%dma_wait3A_824, %dma_wait3A_825] : memref<200x216xf32, #tpu.memory_space<hbm>> -> memref<200x128xf32, #tpu.memory_space<hbm>>
        %dma_wait3A_827 = arith.constant 0 : i32
        %dma_wait3A_828 = arith.constant 0 : i32
        %dma_wait3A_829 = tpu.memref_slice %arg8[%dma_wait3A_827, %dma_wait3A_828] : memref<819200x216xf32, #tpu.memory_space<hbm>> -> memref<200x216xf32, #tpu.memory_space<hbm>>
        %dma_wait3A_830 = arith.constant 0 : i32
        %dma_wait3A_831 = arith.constant 0 : i32
        %dma_wait3A_832 = tpu.memref_slice %dma_wait3A_829[%dma_wait3A_830, %dma_wait3A_831] : memref<200x216xf32, #tpu.memory_space<hbm>> -> memref<200x128xf32, #tpu.memory_space<hbm>>
        %dma_wait3A_833 = arith.constant 0 : i32
        %dma_wait3A_834 = arith.constant 0 : i32
        %dma_wait3A_835 = tpu.memref_slice %arg15[%dma_wait3A_816, %dma_wait3A_833, %dma_wait3A_834] : memref<2x200x128xf32, #tpu.memory_space<vmem>> -> memref<1x200x128xf32, #tpu.memory_space<vmem>>
        %dma_wait3A_836 = tpu.memref_squeeze %dma_wait3A_835 : memref<1x200x128xf32, #tpu.memory_space<vmem>> -> memref<200x128xf32, #tpu.memory_space<vmem>>
        tpu.wait_dma2 semaphore(%arg20 : memref<!tpu.dma_semaphore, #tpu.memory_space<semaphore_mem>>) src(%dma_wait3A_836 : memref<200x128xf32, #tpu.memory_space<vmem>>) dst(%dma_wait3A_832 : memref<200x128xf32, #tpu.memory_space<hbm>>)
        %dma_wait3A_837 = arith.constant 0 : i32
        %dma_wait3A_838 = arith.constant 0 : i32
        %dma_wait3A_839 = arith.constant 0 : i32
        %dma_wait3A_840 = tpu.memref_slice %arg14[%dma_wait3A_837, %dma_wait3A_838, %dma_wait3A_839] : memref<2x200x88xf32, #tpu.memory_space<vmem>> -> memref<1x200x88xf32, #tpu.memory_space<vmem>>
        %dma_wait3A_841 = tpu.memref_squeeze %dma_wait3A_840 : memref<1x200x88xf32, #tpu.memory_space<vmem>> -> memref<200x88xf32, #tpu.memory_space<vmem>>
        %dma_wait3A_842 = arith.constant 0 : i32
        %dma_wait3A_843 = arith.constant 0 : i32
        %dma_wait3A_844 = tpu.memref_slice %arg8[%dma_wait3A_842, %dma_wait3A_843] : memref<819200x216xf32, #tpu.memory_space<hbm>> -> memref<200x216xf32, #tpu.memory_space<hbm>>
        %dma_wait3A_845 = arith.constant 0 : i32
        %dma_wait3A_846 = arith.constant 128 : i32
        %dma_wait3A_847 = tpu.memref_slice %dma_wait3A_844[%dma_wait3A_845, %dma_wait3A_846] : memref<200x216xf32, #tpu.memory_space<hbm>> -> memref<200x88xf32, #tpu.memory_space<hbm>>
        %dma_wait3A_848 = arith.constant 0 : i32
        %dma_wait3A_849 = arith.constant 0 : i32
        %dma_wait3A_850 = tpu.memref_slice %arg8[%dma_wait3A_848, %dma_wait3A_849] : memref<819200x216xf32, #tpu.memory_space<hbm>> -> memref<200x216xf32, #tpu.memory_space<hbm>>
        %dma_wait3A_851 = arith.constant 0 : i32
        %dma_wait3A_852 = arith.constant 128 : i32
        %dma_wait3A_853 = tpu.memref_slice %dma_wait3A_850[%dma_wait3A_851, %dma_wait3A_852] : memref<200x216xf32, #tpu.memory_space<hbm>> -> memref<200x88xf32, #tpu.memory_space<hbm>>
        %dma_wait3A_854 = arith.constant 0 : i32
        %dma_wait3A_855 = arith.constant 0 : i32
        %dma_wait3A_856 = tpu.memref_slice %arg14[%dma_wait3A_837, %dma_wait3A_854, %dma_wait3A_855] : memref<2x200x88xf32, #tpu.memory_space<vmem>> -> memref<1x200x88xf32, #tpu.memory_space<vmem>>
        %dma_wait3A_857 = tpu.memref_squeeze %dma_wait3A_856 : memref<1x200x88xf32, #tpu.memory_space<vmem>> -> memref<200x88xf32, #tpu.memory_space<vmem>>
        tpu.wait_dma2 semaphore(%arg20 : memref<!tpu.dma_semaphore, #tpu.memory_space<semaphore_mem>>) src(%dma_wait3A_857 : memref<200x88xf32, #tpu.memory_space<vmem>>) dst(%dma_wait3A_853 : memref<200x88xf32, #tpu.memory_space<hbm>>)
      } else {
      }
      %scan3A_616 = arith.constant 0 : i32
      %scan3A_617 = arith.constant 200 : i32
      %scan3A_618 = arith.addi %scan3A_616, %scan3A_617 : i32
      %scan3A_619 = arith.constant 8 : i32
      scf.for %scan3A_816 = %scan3A_616 to %scan3A_618 step %scan3A_619  : i32 {
        %mul3A_817 = arith.constant 1 : i32
        %mul3A_818 = arith.muli %scan3A_816, %mul3A_817 : i32
        %add3A_819 = arith.constant 0 : i32
        %add3A_820 = arith.addi %add3A_819, %mul3A_818 : i32
        %get3A_821 = arith.constant 0 : i32
        %get3A_822 = arith.index_cast %get3A_821 : i32 to index
        %get3A_823 = arith.index_cast %add3A_820 : i32 to index
        %get3A_824 = arith.constant 0 : index
        %get3A_825 = tpu.vector_load %arg13[%get3A_822, %get3A_823, %get3A_824] {strides = array<i32>} : memref<2x200x24xf32, #tpu.memory_space<vmem>>, vector<1x1x16xf32>,
        %get3A_826 = vector.shape_cast %get3A_825 : vector<1x1x16xf32> to vector<16xf32>
        %swap3A_827 = arith.constant 0 : i32
        %swap3A_828 = arith.index_cast %swap3A_827 : i32 to index
        %swap3A_829 = arith.index_cast %add3A_820 : i32 to index
        %swap3A_830 = arith.constant 0 : index
        %swap3A_831 = tpu.vector_load %arg14[%swap3A_828, %swap3A_829, %swap3A_830] {strides = array<i32>} : memref<2x200x88xf32, #tpu.memory_space<vmem>>, vector<1x1x16xf32>,
        %swap3A_832 = vector.shape_cast %swap3A_831 : vector<1x1x16xf32> to vector<16xf32>
        %swap3A_833 = vector.shape_cast %get3A_826 : vector<16xf32> to vector<1x1x16xf32>
        tpu.vector_store %arg14[%swap3A_828, %swap3A_829, %swap3A_830], %swap3A_833 {strides = array<i32>} : memref<2x200x88xf32, #tpu.memory_space<vmem>>, vector<1x1x16xf32>,
        %get3A_834 = arith.constant 0 : i32
        %get3A_835 = arith.index_cast %get3A_834 : i32 to index
        %get3A_836 = arith.index_cast %add3A_820 : i32 to index
        %get3A_837 = arith.constant 8 : index
        %get3A_838 = tpu.vector_load %arg13[%get3A_835, %get3A_836, %get3A_837] {strides = array<i32>} : memref<2x200x24xf32, #tpu.memory_space<vmem>>, vector<1x1x16xf32>,
        %get3A_839 = vector.shape_cast %get3A_838 : vector<1x1x16xf32> to vector<16xf32>
        %swap3A_840 = arith.constant 0 : i32
        %swap3A_841 = arith.index_cast %swap3A_840 : i32 to index
        %swap3A_842 = arith.index_cast %add3A_820 : i32 to index
        %swap3A_843 = arith.constant 8 : index
        %swap3A_844 = tpu.vector_load %arg14[%swap3A_841, %swap3A_842, %swap3A_843] {strides = array<i32>} : memref<2x200x88xf32, #tpu.memory_space<vmem>>, vector<1x1x16xf32>,
        %swap3A_845 = vector.shape_cast %swap3A_844 : vector<1x1x16xf32> to vector<16xf32>
        %swap3A_846 = vector.shape_cast %get3A_839 : vector<16xf32> to vector<1x1x16xf32>
        tpu.vector_store %arg14[%swap3A_841, %swap3A_842, %swap3A_843], %swap3A_846 {strides = array<i32>} : memref<2x200x88xf32, #tpu.memory_space<vmem>>, vector<1x1x16xf32>,
        %scan3A_847 = arith.constant 1 : i32
        %scan3A_848 = arith.addi %scan3A_816, %scan3A_847 : i32
        %mul3A_849 = arith.constant 1 : i32
        %mul3A_850 = arith.muli %scan3A_848, %mul3A_849 : i32
        %add3A_851 = arith.constant 0 : i32
        %add3A_852 = arith.addi %add3A_851, %mul3A_850 : i32
        %get3A_853 = arith.constant 0 : i32
        %get3A_854 = arith.index_cast %get3A_853 : i32 to index
        %get3A_855 = arith.index_cast %add3A_852 : i32 to index
        %get3A_856 = arith.constant 0 : index
        %get3A_857 = tpu.vector_load %arg13[%get3A_854, %get3A_855, %get3A_856] {strides = array<i32>} : memref<2x200x24xf32, #tpu.memory_space<vmem>>, vector<1x1x16xf32>,
        %get3A_858 = vector.shape_cast %get3A_857 : vector<1x1x16xf32> to vector<16xf32>
        %swap3A_859 = arith.constant 0 : i32
        %swap3A_860 = arith.index_cast %swap3A_859 : i32 to index
        %swap3A_861 = arith.index_cast %add3A_852 : i32 to index
        %swap3A_862 = arith.constant 0 : index
        %swap3A_863 = tpu.vector_load %arg14[%swap3A_860, %swap3A_861, %swap3A_862] {strides = array<i32>} : memref<2x200x88xf32, #tpu.memory_space<vmem>>, vector<1x1x16xf32>,
        %swap3A_864 = vector.shape_cast %swap3A_863 : vector<1x1x16xf32> to vector<16xf32>
        %swap3A_865 = vector.shape_cast %get3A_858 : vector<16xf32> to vector<1x1x16xf32>
        tpu.vector_store %arg14[%swap3A_860, %swap3A_861, %swap3A_862], %swap3A_865 {strides = array<i32>} : memref<2x200x88xf32, #tpu.memory_space<vmem>>, vector<1x1x16xf32>,
        %get3A_866 = arith.constant 0 : i32
        %get3A_867 = arith.index_cast %get3A_866 : i32 to index
        %get3A_868 = arith.index_cast %add3A_852 : i32 to index
        %get3A_869 = arith.constant 8 : index
        %get3A_870 = tpu.vector_load %arg13[%get3A_867, %get3A_868, %get3A_869] {strides = array<i32>} : memref<2x200x24xf32, #tpu.memory_space<vmem>>, vector<1x1x16xf32>,
        %get3A_871 = vector.shape_cast %get3A_870 : vector<1x1x16xf32> to vector<16xf32>
        %swap3A_872 = arith.constant 0 : i32
        %swap3A_873 = arith.index_cast %swap3A_872 : i32 to index
        %swap3A_874 = arith.index_cast %add3A_852 : i32 to index
        %swap3A_875 = arith.constant 8 : index
        %swap3A_876 = tpu.vector_load %arg14[%swap3A_873, %swap3A_874, %swap3A_875] {strides = array<i32>} : memref<2x200x88xf32, #tpu.memory_space<vmem>>, vector<1x1x16xf32>,
        %swap3A_877 = vector.shape_cast %swap3A_876 : vector<1x1x16xf32> to vector<16xf32>
        %swap3A_878 = vector.shape_cast %get3A_871 : vector<16xf32> to vector<1x1x16xf32>
        tpu.vector_store %arg14[%swap3A_873, %swap3A_874, %swap3A_875], %swap3A_878 {strides = array<i32>} : memref<2x200x88xf32, #tpu.memory_space<vmem>>, vector<1x1x16xf32>,
        %scan3A_879 = arith.constant 2 : i32
        %scan3A_880 = arith.addi %scan3A_816, %scan3A_879 : i32
        %mul3A_881 = arith.constant 1 : i32
        %mul3A_882 = arith.muli %scan3A_880, %mul3A_881 : i32
        %add3A_883 = arith.constant 0 : i32
        %add3A_884 = arith.addi %add3A_883, %mul3A_882 : i32
        %get3A_885 = arith.constant 0 : i32
        %get3A_886 = arith.index_cast %get3A_885 : i32 to index
        %get3A_887 = arith.index_cast %add3A_884 : i32 to index
        %get3A_888 = arith.constant 0 : index
        %get3A_889 = tpu.vector_load %arg13[%get3A_886, %get3A_887, %get3A_888] {strides = array<i32>} : memref<2x200x24xf32, #tpu.memory_space<vmem>>, vector<1x1x16xf32>,
        %get3A_890 = vector.shape_cast %get3A_889 : vector<1x1x16xf32> to vector<16xf32>
        %swap3A_891 = arith.constant 0 : i32
        %swap3A_892 = arith.index_cast %swap3A_891 : i32 to index
        %swap3A_893 = arith.index_cast %add3A_884 : i32 to index
        %swap3A_894 = arith.constant 0 : index
        %swap3A_895 = tpu.vector_load %arg14[%swap3A_892, %swap3A_893, %swap3A_894] {strides = array<i32>} : memref<2x200x88xf32, #tpu.memory_space<vmem>>, vector<1x1x16xf32>,
        %swap3A_896 = vector.shape_cast %swap3A_895 : vector<1x1x16xf32> to vector<16xf32>
        %swap3A_897 = vector.shape_cast %get3A_890 : vector<16xf32> to vector<1x1x16xf32>
        tpu.vector_store %arg14[%swap3A_892, %swap3A_893, %swap3A_894], %swap3A_897 {strides = array<i32>} : memref<2x200x88xf32, #tpu.memory_space<vmem>>, vector<1x1x16xf32>,
        %get3A_898 = arith.constant 0 : i32
        %get3A_899 = arith.index_cast %get3A_898 : i32 to index
        %get3A_900 = arith.index_cast %add3A_884 : i32 to index
        %get3A_901 = arith.constant 8 : index
        %get3A_902 = tpu.vector_load %arg13[%get3A_899, %get3A_900, %get3A_901] {strides = array<i32>} : memref<2x200x24xf32, #tpu.memory_space<vmem>>, vector<1x1x16xf32>,
        %get3A_903 = vector.shape_cast %get3A_902 : vector<1x1x16xf32> to vector<16xf32>
        %swap3A_904 = arith.constant 0 : i32
        %swap3A_905 = arith.index_cast %swap3A_904 : i32 to index
        %swap3A_906 = arith.index_cast %add3A_884 : i32 to index
        %swap3A_907 = arith.constant 8 : index
        %swap3A_908 = tpu.vector_load %arg14[%swap3A_905, %swap3A_906, %swap3A_907] {strides = array<i32>} : memref<2x200x88xf32, #tpu.memory_space<vmem>>, vector<1x1x16xf32>,
        %swap3A_909 = vector.shape_cast %swap3A_908 : vector<1x1x16xf32> to vector<16xf32>
        %swap3A_910 = vector.shape_cast %get3A_903 : vector<16xf32> to vector<1x1x16xf32>
        tpu.vector_store %arg14[%swap3A_905, %swap3A_906, %swap3A_907], %swap3A_910 {strides = array<i32>} : memref<2x200x88xf32, #tpu.memory_space<vmem>>, vector<1x1x16xf32>,
        %scan3A_911 = arith.constant 3 : i32
        %scan3A_912 = arith.addi %scan3A_816, %scan3A_911 : i32
        %mul3A_913 = arith.constant 1 : i32
        %mul3A_914 = arith.muli %scan3A_912, %mul3A_913 : i32
        %add3A_915 = arith.constant 0 : i32
        %add3A_916 = arith.addi %add3A_915, %mul3A_914 : i32
        %get3A_917 = arith.constant 0 : i32
        %get3A_918 = arith.index_cast %get3A_917 : i32 to index
        %get3A_919 = arith.index_cast %add3A_916 : i32 to index
        %get3A_920 = arith.constant 0 : index
        %get3A_921 = tpu.vector_load %arg13[%get3A_918, %get3A_919, %get3A_920] {strides = array<i32>} : memref<2x200x24xf32, #tpu.memory_space<vmem>>, vector<1x1x16xf32>,
        %get3A_922 = vector.shape_cast %get3A_921 : vector<1x1x16xf32> to vector<16xf32>
        %swap3A_923 = arith.constant 0 : i32
        %swap3A_924 = arith.index_cast %swap3A_923 : i32 to index
        %swap3A_925 = arith.index_cast %add3A_916 : i32 to index
        %swap3A_926 = arith.constant 0 : index
        %swap3A_927 = tpu.vector_load %arg14[%swap3A_924, %swap3A_925, %swap3A_926] {strides = array<i32>} : memref<2x200x88xf32, #tpu.memory_space<vmem>>, vector<1x1x16xf32>,
        %swap3A_928 = vector.shape_cast %swap3A_927 : vector<1x1x16xf32> to vector<16xf32>
        %swap3A_929 = vector.shape_cast %get3A_922 : vector<16xf32> to vector<1x1x16xf32>
        tpu.vector_store %arg14[%swap3A_924, %swap3A_925, %swap3A_926], %swap3A_929 {strides = array<i32>} : memref<2x200x88xf32, #tpu.memory_space<vmem>>, vector<1x1x16xf32>,
        %get3A_930 = arith.constant 0 : i32
        %get3A_931 = arith.index_cast %get3A_930 : i32 to index
        %get3A_932 = arith.index_cast %add3A_916 : i32 to index
        %get3A_933 = arith.constant 8 : index
        %get3A_934 = tpu.vector_load %arg13[%get3A_931, %get3A_932, %get3A_933] {strides = array<i32>} : memref<2x200x24xf32, #tpu.memory_space<vmem>>, vector<1x1x16xf32>,
        %get3A_935 = vector.shape_cast %get3A_934 : vector<1x1x16xf32> to vector<16xf32>
        %swap3A_936 = arith.constant 0 : i32
        %swap3A_937 = arith.index_cast %swap3A_936 : i32 to index
        %swap3A_938 = arith.index_cast %add3A_916 : i32 to index
        %swap3A_939 = arith.constant 8 : index
        %swap3A_940 = tpu.vector_load %arg14[%swap3A_937, %swap3A_938, %swap3A_939] {strides = array<i32>} : memref<2x200x88xf32, #tpu.memory_space<vmem>>, vector<1x1x16xf32>,
        %swap3A_941 = vector.shape_cast %swap3A_940 : vector<1x1x16xf32> to vector<16xf32>
        %swap3A_942 = vector.shape_cast %get3A_935 : vector<16xf32> to vector<1x1x16xf32>
        tpu.vector_store %arg14[%swap3A_937, %swap3A_938, %swap3A_939], %swap3A_942 {strides = array<i32>} : memref<2x200x88xf32, #tpu.memory_space<vmem>>, vector<1x1x16xf32>,
        %scan3A_943 = arith.constant 4 : i32
        %scan3A_944 = arith.addi %scan3A_816, %scan3A_943 : i32
        %mul3A_945 = arith.constant 1 : i32
        %mul3A_946 = arith.muli %scan3A_944, %mul3A_945 : i32
        %add3A_947 = arith.constant 0 : i32
        %add3A_948 = arith.addi %add3A_947, %mul3A_946 : i32
        %get3A_949 = arith.constant 0 : i32
        %get3A_950 = arith.index_cast %get3A_949 : i32 to index
        %get3A_951 = arith.index_cast %add3A_948 : i32 to index
        %get3A_952 = arith.constant 0 : index
        %get3A_953 = tpu.vector_load %arg13[%get3A_950, %get3A_951, %get3A_952] {strides = array<i32>} : memref<2x200x24xf32, #tpu.memory_space<vmem>>, vector<1x1x16xf32>,
        %get3A_954 = vector.shape_cast %get3A_953 : vector<1x1x16xf32> to vector<16xf32>
        %swap3A_955 = arith.constant 0 : i32
        %swap3A_956 = arith.index_cast %swap3A_955 : i32 to index
        %swap3A_957 = arith.index_cast %add3A_948 : i32 to index
        %swap3A_958 = arith.constant 0 : index
        %swap3A_959 = tpu.vector_load %arg14[%swap3A_956, %swap3A_957, %swap3A_958] {strides = array<i32>} : memref<2x200x88xf32, #tpu.memory_space<vmem>>, vector<1x1x16xf32>,
        %swap3A_960 = vector.shape_cast %swap3A_959 : vector<1x1x16xf32> to vector<16xf32>
        %swap3A_961 = vector.shape_cast %get3A_954 : vector<16xf32> to vector<1x1x16xf32>
        tpu.vector_store %arg14[%swap3A_956, %swap3A_957, %swap3A_958], %swap3A_961 {strides = array<i32>} : memref<2x200x88xf32, #tpu.memory_space<vmem>>, vector<1x1x16xf32>,
        %get3A_962 = arith.constant 0 : i32
        %get3A_963 = arith.index_cast %get3A_962 : i32 to index
        %get3A_964 = arith.index_cast %add3A_948 : i32 to index
        %get3A_965 = arith.constant 8 : index
        %get3A_966 = tpu.vector_load %arg13[%get3A_963, %get3A_964, %get3A_965] {strides = array<i32>} : memref<2x200x24xf32, #tpu.memory_space<vmem>>, vector<1x1x16xf32>,
        %get3A_967 = vector.shape_cast %get3A_966 : vector<1x1x16xf32> to vector<16xf32>
        %swap3A_968 = arith.constant 0 : i32
        %swap3A_969 = arith.index_cast %swap3A_968 : i32 to index
        %swap3A_970 = arith.index_cast %add3A_948 : i32 to index
        %swap3A_971 = arith.constant 8 : index
        %swap3A_972 = tpu.vector_load %arg14[%swap3A_969, %swap3A_970, %swap3A_971] {strides = array<i32>} : memref<2x200x88xf32, #tpu.memory_space<vmem>>, vector<1x1x16xf32>,
        %swap3A_973 = vector.shape_cast %swap3A_972 : vector<1x1x16xf32> to vector<16xf32>
        %swap3A_974 = vector.shape_cast %get3A_967 : vector<16xf32> to vector<1x1x16xf32>
        tpu.vector_store %arg14[%swap3A_969, %swap3A_970, %swap3A_971], %swap3A_974 {strides = array<i32>} : memref<2x200x88xf32, #tpu.memory_space<vmem>>, vector<1x1x16xf32>,
        %scan3A_975 = arith.constant 5 : i32
        %scan3A_976 = arith.addi %scan3A_816, %scan3A_975 : i32
        %mul3A_977 = arith.constant 1 : i32
        %mul3A_978 = arith.muli %scan3A_976, %mul3A_977 : i32
        %add3A_979 = arith.constant 0 : i32
        %add3A_980 = arith.addi %add3A_979, %mul3A_978 : i32
        %get3A_981 = arith.constant 0 : i32
        %get3A_982 = arith.index_cast %get3A_981 : i32 to index
        %get3A_983 = arith.index_cast %add3A_980 : i32 to index
        %get3A_984 = arith.constant 0 : index
        %get3A_985 = tpu.vector_load %arg13[%get3A_982, %get3A_983, %get3A_984] {strides = array<i32>} : memref<2x200x24xf32, #tpu.memory_space<vmem>>, vector<1x1x16xf32>,
        %get3A_986 = vector.shape_cast %get3A_985 : vector<1x1x16xf32> to vector<16xf32>
        %swap3A_987 = arith.constant 0 : i32
        %swap3A_988 = arith.index_cast %swap3A_987 : i32 to index
        %swap3A_989 = arith.index_cast %add3A_980 : i32 to index
        %swap3A_990 = arith.constant 0 : index
        %swap3A_991 = tpu.vector_load %arg14[%swap3A_988, %swap3A_989, %swap3A_990] {strides = array<i32>} : memref<2x200x88xf32, #tpu.memory_space<vmem>>, vector<1x1x16xf32>,
        %swap3A_992 = vector.shape_cast %swap3A_991 : vector<1x1x16xf32> to vector<16xf32>
        %swap3A_993 = vector.shape_cast %get3A_986 : vector<16xf32> to vector<1x1x16xf32>
        tpu.vector_store %arg14[%swap3A_988, %swap3A_989, %swap3A_990], %swap3A_993 {strides = array<i32>} : memref<2x200x88xf32, #tpu.memory_space<vmem>>, vector<1x1x16xf32>,
        %get3A_994 = arith.constant 0 : i32
        %get3A_995 = arith.index_cast %get3A_994 : i32 to index
        %get3A_996 = arith.index_cast %add3A_980 : i32 to index
        %get3A_997 = arith.constant 8 : index
        %get3A_998 = tpu.vector_load %arg13[%get3A_995, %get3A_996, %get3A_997] {strides = array<i32>} : memref<2x200x24xf32, #tpu.memory_space<vmem>>, vector<1x1x16xf32>,
        %get3A_999 = vector.shape_cast %get3A_998 : vector<1x1x16xf32> to vector<16xf32>
        %swap3A_1000 = arith.constant 0 : i32
        %swap3A_1001 = arith.index_cast %swap3A_1000 : i32 to index
        %swap3A_1002 = arith.index_cast %add3A_980 : i32 to index
        %swap3A_1003 = arith.constant 8 : index
        %swap3A_1004 = tpu.vector_load %arg14[%swap3A_1001, %swap3A_1002, %swap3A_1003] {strides = array<i32>} : memref<2x200x88xf32, #tpu.memory_space<vmem>>, vector<1x1x16xf32>,
        %swap3A_1005 = vector.shape_cast %swap3A_1004 : vector<1x1x16xf32> to vector<16xf32>
        %swap3A_1006 = vector.shape_cast %get3A_999 : vector<16xf32> to vector<1x1x16xf32>
        tpu.vector_store %arg14[%swap3A_1001, %swap3A_1002, %swap3A_1003], %swap3A_1006 {strides = array<i32>} : memref<2x200x88xf32, #tpu.memory_space<vmem>>, vector<1x1x16xf32>,
        %scan3A_1007 = arith.constant 6 : i32
        %scan3A_1008 = arith.addi %scan3A_816, %scan3A_1007 : i32
        %mul3A_1009 = arith.constant 1 : i32
        %mul3A_1010 = arith.muli %scan3A_1008, %mul3A_1009 : i32
        %add3A_1011 = arith.constant 0 : i32
        %add3A_1012 = arith.addi %add3A_1011, %mul3A_1010 : i32
        %get3A_1013 = arith.constant 0 : i32
        %get3A_1014 = arith.index_cast %get3A_1013 : i32 to index
        %get3A_1015 = arith.index_cast %add3A_1012 : i32 to index
        %get3A_1016 = arith.constant 0 : index
        %get3A_1017 = tpu.vector_load %arg13[%get3A_1014, %get3A_1015, %get3A_1016] {strides = array<i32>} : memref<2x200x24xf32, #tpu.memory_space<vmem>>, vector<1x1x16xf32>,
        %get3A_1018 = vector.shape_cast %get3A_1017 : vector<1x1x16xf32> to vector<16xf32>
        %swap3A_1019 = arith.constant 0 : i32
        %swap3A_1020 = arith.index_cast %swap3A_1019 : i32 to index
        %swap3A_1021 = arith.index_cast %add3A_1012 : i32 to index
        %swap3A_1022 = arith.constant 0 : index
        %swap3A_1023 = tpu.vector_load %arg14[%swap3A_1020, %swap3A_1021, %swap3A_1022] {strides = array<i32>} : memref<2x200x88xf32, #tpu.memory_space<vmem>>, vector<1x1x16xf32>,
        %swap3A_1024 = vector.shape_cast %swap3A_1023 : vector<1x1x16xf32> to vector<16xf32>
        %swap3A_1025 = vector.shape_cast %get3A_1018 : vector<16xf32> to vector<1x1x16xf32>
        tpu.vector_store %arg14[%swap3A_1020, %swap3A_1021, %swap3A_1022], %swap3A_1025 {strides = array<i32>} : memref<2x200x88xf32, #tpu.memory_space<vmem>>, vector<1x1x16xf32>,
        %get3A_1026 = arith.constant 0 : i32
        %get3A_1027 = arith.index_cast %get3A_1026 : i32 to index
        %get3A_1028 = arith.index_cast %add3A_1012 : i32 to index
        %get3A_1029 = arith.constant 8 : index
        %get3A_1030 = tpu.vector_load %arg13[%get3A_1027, %get3A_1028, %get3A_1029] {strides = array<i32>} : memref<2x200x24xf32, #tpu.memory_space<vmem>>, vector<1x1x16xf32>,
        %get3A_1031 = vector.shape_cast %get3A_1030 : vector<1x1x16xf32> to vector<16xf32>
        %swap3A_1032 = arith.constant 0 : i32
        %swap3A_1033 = arith.index_cast %swap3A_1032 : i32 to index
        %swap3A_1034 = arith.index_cast %add3A_1012 : i32 to index
        %swap3A_1035 = arith.constant 8 : index
        %swap3A_1036 = tpu.vector_load %arg14[%swap3A_1033, %swap3A_1034, %swap3A_1035] {strides = array<i32>} : memref<2x200x88xf32, #tpu.memory_space<vmem>>, vector<1x1x16xf32>,
        %swap3A_1037 = vector.shape_cast %swap3A_1036 : vector<1x1x16xf32> to vector<16xf32>
        %swap3A_1038 = vector.shape_cast %get3A_1031 : vector<16xf32> to vector<1x1x16xf32>
        tpu.vector_store %arg14[%swap3A_1033, %swap3A_1034, %swap3A_1035], %swap3A_1038 {strides = array<i32>} : memref<2x200x88xf32, #tpu.memory_space<vmem>>, vector<1x1x16xf32>,
        %scan3A_1039 = arith.constant 7 : i32
        %scan3A_1040 = arith.addi %scan3A_816, %scan3A_1039 : i32
        %mul3A_1041 = arith.constant 1 : i32
        %mul3A_1042 = arith.muli %scan3A_1040, %mul3A_1041 : i32
        %add3A_1043 = arith.constant 0 : i32
        %add3A_1044 = arith.addi %add3A_1043, %mul3A_1042 : i32
        %get3A_1045 = arith.constant 0 : i32
        %get3A_1046 = arith.index_cast %get3A_1045 : i32 to index
        %get3A_1047 = arith.index_cast %add3A_1044 : i32 to index
        %get3A_1048 = arith.constant 0 : index
        %get3A_1049 = tpu.vector_load %arg13[%get3A_1046, %get3A_1047, %get3A_1048] {strides = array<i32>} : memref<2x200x24xf32, #tpu.memory_space<vmem>>, vector<1x1x16xf32>,
        %get3A_1050 = vector.shape_cast %get3A_1049 : vector<1x1x16xf32> to vector<16xf32>
        %swap3A_1051 = arith.constant 0 : i32
        %swap3A_1052 = arith.index_cast %swap3A_1051 : i32 to index
        %swap3A_1053 = arith.index_cast %add3A_1044 : i32 to index
        %swap3A_1054 = arith.constant 0 : index
        %swap3A_1055 = tpu.vector_load %arg14[%swap3A_1052, %swap3A_1053, %swap3A_1054] {strides = array<i32>} : memref<2x200x88xf32, #tpu.memory_space<vmem>>, vector<1x1x16xf32>,
        %swap3A_1056 = vector.shape_cast %swap3A_1055 : vector<1x1x16xf32> to vector<16xf32>
        %swap3A_1057 = vector.shape_cast %get3A_1050 : vector<16xf32> to vector<1x1x16xf32>
        tpu.vector_store %arg14[%swap3A_1052, %swap3A_1053, %swap3A_1054], %swap3A_1057 {strides = array<i32>} : memref<2x200x88xf32, #tpu.memory_space<vmem>>, vector<1x1x16xf32>,
        %get3A_1058 = arith.constant 0 : i32
        %get3A_1059 = arith.index_cast %get3A_1058 : i32 to index
        %get3A_1060 = arith.index_cast %add3A_1044 : i32 to index
        %get3A_1061 = arith.constant 8 : index
        %get3A_1062 = tpu.vector_load %arg13[%get3A_1059, %get3A_1060, %get3A_1061] {strides = array<i32>} : memref<2x200x24xf32, #tpu.memory_space<vmem>>, vector<1x1x16xf32>,
        %get3A_1063 = vector.shape_cast %get3A_1062 : vector<1x1x16xf32> to vector<16xf32>
        %swap3A_1064 = arith.constant 0 : i32
        %swap3A_1065 = arith.index_cast %swap3A_1064 : i32 to index
        %swap3A_1066 = arith.index_cast %add3A_1044 : i32 to index
        %swap3A_1067 = arith.constant 8 : index
        %swap3A_1068 = tpu.vector_load %arg14[%swap3A_1065, %swap3A_1066, %swap3A_1067] {strides = array<i32>} : memref<2x200x88xf32, #tpu.memory_space<vmem>>, vector<1x1x16xf32>,
        %swap3A_1069 = vector.shape_cast %swap3A_1068 : vector<1x1x16xf32> to vector<16xf32>
        %swap3A_1070 = vector.shape_cast %get3A_1063 : vector<16xf32> to vector<1x1x16xf32>
        tpu.vector_store %arg14[%swap3A_1065, %swap3A_1066, %swap3A_1067], %swap3A_1070 {strides = array<i32>} : memref<2x200x88xf32, #tpu.memory_space<vmem>>, vector<1x1x16xf32>,
      }
      %scan3A_620 = arith.constant 200 : i32
      %add3A_621 = arith.addi %mul3A_2, %mul3A_515 : i32
      %mul3A_622 = arith.constant 200 : i32
      %mul3A_623 = arith.muli %add3A_621, %mul3A_622 : i32
      %dma_start3A_624 = arith.constant 0 : i32
      %dma_start3A_625 = arith.constant 0 : i32
      %dma_start3A_626 = arith.constant 0 : i32
      %dma_start3A_627 = tpu.memref_slice %arg15[%dma_start3A_624, %dma_start3A_625, %dma_start3A_626] : memref<2x200x128xf32, #tpu.memory_space<vmem>> -> memref<1x200x128xf32, #tpu.memory_space<vmem>>
      %dma_start3A_628 = tpu.memref_squeeze %dma_start3A_627 : memref<1x200x128xf32, #tpu.memory_space<vmem>> -> memref<200x128xf32, #tpu.memory_space<vmem>>
      %dma_start3A_629 = arith.constant 0 : i32
      %dma_start3A_630 = tpu.memref_slice %arg8[%mul3A_623, %dma_start3A_629] : memref<819200x216xf32, #tpu.memory_space<hbm>> -> memref<200x216xf32, #tpu.memory_space<hbm>>
      %dma_start3A_631 = arith.constant 0 : i32
      %dma_start3A_632 = arith.constant 0 : i32
      %dma_start3A_633 = tpu.memref_slice %dma_start3A_630[%dma_start3A_631, %dma_start3A_632] : memref<200x216xf32, #tpu.memory_space<hbm>> -> memref<200x128xf32, #tpu.memory_space<hbm>>
      %dma_start3A_634 = arith.constant 0 : i32
      %dma_start3A_635 = tpu.memref_slice %arg8[%mul3A_623, %dma_start3A_634] : memref<819200x216xf32, #tpu.memory_space<hbm>> -> memref<200x216xf32, #tpu.memory_space<hbm>>
      %dma_start3A_636 = arith.constant 0 : i32
      %dma_start3A_637 = arith.constant 0 : i32
      %dma_start3A_638 = tpu.memref_slice %dma_start3A_635[%dma_start3A_636, %dma_start3A_637] : memref<200x216xf32, #tpu.memory_space<hbm>> -> memref<200x128xf32, #tpu.memory_space<hbm>>
      %dma_start3A_639 = arith.constant 0 : i32
      %dma_start3A_640 = arith.constant 0 : i32
      %dma_start3A_641 = tpu.memref_slice %arg15[%dma_start3A_624, %dma_start3A_639, %dma_start3A_640] : memref<2x200x128xf32, #tpu.memory_space<vmem>> -> memref<1x200x128xf32, #tpu.memory_space<vmem>>
      %dma_start3A_642 = tpu.memref_squeeze %dma_start3A_641 : memref<1x200x128xf32, #tpu.memory_space<vmem>> -> memref<200x128xf32, #tpu.memory_space<vmem>>
      tpu.enqueue_dma source(%dma_start3A_642 : memref<200x128xf32, #tpu.memory_space<vmem>>) target(%dma_start3A_638 : memref<200x128xf32, #tpu.memory_space<hbm>>) target_semaphore(%arg20 : memref<!tpu.dma_semaphore, #tpu.memory_space<semaphore_mem>>)
      %dma_start3A_643 = arith.constant 0 : i32
      %dma_start3A_644 = arith.constant 0 : i32
      %dma_start3A_645 = arith.constant 0 : i32
      %dma_start3A_646 = tpu.memref_slice %arg14[%dma_start3A_643, %dma_start3A_644, %dma_start3A_645] : memref<2x200x88xf32, #tpu.memory_space<vmem>> -> memref<1x200x88xf32, #tpu.memory_space<vmem>>
      %dma_start3A_647 = tpu.memref_squeeze %dma_start3A_646 : memref<1x200x88xf32, #tpu.memory_space<vmem>> -> memref<200x88xf32, #tpu.memory_space<vmem>>
      %dma_start3A_648 = arith.constant 0 : i32
      %dma_start3A_649 = tpu.memref_slice %arg8[%mul3A_623, %dma_start3A_648] : memref<819200x216xf32, #tpu.memory_space<hbm>> -> memref<200x216xf32, #tpu.memory_space<hbm>>
      %dma_start3A_650 = arith.constant 0 : i32
      %dma_start3A_651 = arith.constant 128 : i32
      %dma_start3A_652 = tpu.memref_slice %dma_start3A_649[%dma_start3A_650, %dma_start3A_651] : memref<200x216xf32, #tpu.memory_space<hbm>> -> memref<200x88xf32, #tpu.memory_space<hbm>>
      %dma_start3A_653 = arith.constant 0 : i32
      %dma_start3A_654 = tpu.memref_slice %arg8[%mul3A_623, %dma_start3A_653] : memref<819200x216xf32, #tpu.memory_space<hbm>> -> memref<200x216xf32, #tpu.memory_space<hbm>>
      %dma_start3A_655 = arith.constant 0 : i32
      %dma_start3A_656 = arith.constant 128 : i32
      %dma_start3A_657 = tpu.memref_slice %dma_start3A_654[%dma_start3A_655, %dma_start3A_656] : memref<200x216xf32, #tpu.memory_space<hbm>> -> memref<200x88xf32, #tpu.memory_space<hbm>>
      %dma_start3A_658 = arith.constant 0 : i32
      %dma_start3A_659 = arith.constant 0 : i32
      %dma_start3A_660 = tpu.memref_slice %arg14[%dma_start3A_643, %dma_start3A_658, %dma_start3A_659] : memref<2x200x88xf32, #tpu.memory_space<vmem>> -> memref<1x200x88xf32, #tpu.memory_space<vmem>>
      %dma_start3A_661 = tpu.memref_squeeze %dma_start3A_660 : memref<1x200x88xf32, #tpu.memory_space<vmem>> -> memref<200x88xf32, #tpu.memory_space<vmem>>
      tpu.enqueue_dma source(%dma_start3A_661 : memref<200x88xf32, #tpu.memory_space<vmem>>) target(%dma_start3A_657 : memref<200x88xf32, #tpu.memory_space<hbm>>) target_semaphore(%arg20 : memref<!tpu.dma_semaphore, #tpu.memory_space<semaphore_mem>>)
      %mul3A_662 = arith.constant 2 : i32
      %mul3A_663 = arith.muli %mul3A_662, %add3A_513 : i32
      %add3A_664 = arith.constant 1 : i32
      %add3A_665 = arith.addi %mul3A_663, %add3A_664 : i32
      %add3A_666 = arith.constant 1 : i32
      %add3A_667 = arith.addi %add3A_665, %add3A_666 : i32
      %lt3A_668 = arith.constant 128 : i32
      %lt3A_669 = arith.cmpi slt, %add3A_667, %lt3A_668 : i32
      %convert_element_type3A_670 = arith.extui %lt3A_669 : i1 to i32
      %cond3A_671 = arith.constant 0 : i32
      %cond3A_672 = arith.cmpi ne, %convert_element_type3A_670, %cond3A_671 : i32
      scf.if %cond3A_672 {
        %dma_wait3A_816 = arith.constant 0 : i32
        %dma_wait3A_817 = arith.constant 0 : i32
        %dma_wait3A_818 = tpu.memref_slice %arg9[%dma_wait3A_816, %dma_wait3A_817] : memref<2x200xi32, #tpu.memory_space<vmem>> -> memref<1x200xi32, #tpu.memory_space<vmem>>
        %dma_wait3A_819 = tpu.memref_squeeze %dma_wait3A_818 : memref<1x200xi32, #tpu.memory_space<vmem>> -> memref<200xi32, #tpu.memory_space<vmem>>
        %dma_wait3A_820 = arith.constant 0 : i32
        %dma_wait3A_821 = tpu.memref_slice %arg3[%dma_wait3A_820] : memref<819200xi32, #tpu.memory_space<hbm>> -> memref<200xi32, #tpu.memory_space<hbm>>
        %dma_wait3A_822 = arith.constant 0 : i32
        %dma_wait3A_823 = tpu.memref_slice %arg9[%dma_wait3A_816, %dma_wait3A_822] : memref<2x200xi32, #tpu.memory_space<vmem>> -> memref<1x200xi32, #tpu.memory_space<vmem>>
        %dma_wait3A_824 = tpu.memref_squeeze %dma_wait3A_823 : memref<1x200xi32, #tpu.memory_space<vmem>> -> memref<200xi32, #tpu.memory_space<vmem>>
        %dma_wait3A_825 = arith.constant 0 : i32
        %dma_wait3A_826 = tpu.memref_slice %arg3[%dma_wait3A_825] : memref<819200xi32, #tpu.memory_space<hbm>> -> memref<200xi32, #tpu.memory_space<hbm>>
        tpu.wait_dma2 semaphore(%arg16 : memref<!tpu.dma_semaphore, #tpu.memory_space<semaphore_mem>>) src(%dma_wait3A_826 : memref<200xi32, #tpu.memory_space<hbm>>) dst(%dma_wait3A_824 : memref<200xi32, #tpu.memory_space<vmem>>)
        %dma_wait3A_827 = arith.constant 0 : i32
        %dma_wait3A_828 = arith.constant 0 : i32
        %dma_wait3A_829 = tpu.memref_slice %arg10[%dma_wait3A_827, %dma_wait3A_828] : memref<2x200xi32, #tpu.memory_space<vmem>> -> memref<1x200xi32, #tpu.memory_space<vmem>>
        %dma_wait3A_830 = tpu.memref_squeeze %dma_wait3A_829 : memref<1x200xi32, #tpu.memory_space<vmem>> -> memref<200xi32, #tpu.memory_space<vmem>>
        %dma_wait3A_831 = arith.constant 0 : i32
        %dma_wait3A_832 = tpu.memref_slice %arg3[%dma_wait3A_831] : memref<819200xi32, #tpu.memory_space<hbm>> -> memref<200xi32, #tpu.memory_space<hbm>>
        %dma_wait3A_833 = arith.constant 0 : i32
        %dma_wait3A_834 = tpu.memref_slice %arg10[%dma_wait3A_827, %dma_wait3A_833] : memref<2x200xi32, #tpu.memory_space<vmem>> -> memref<1x200xi32, #tpu.memory_space<vmem>>
        %dma_wait3A_835 = tpu.memref_squeeze %dma_wait3A_834 : memref<1x200xi32, #tpu.memory_space<vmem>> -> memref<200xi32, #tpu.memory_space<vmem>>
        %dma_wait3A_836 = arith.constant 0 : i32
        %dma_wait3A_837 = tpu.memref_slice %arg3[%dma_wait3A_836] : memref<819200xi32, #tpu.memory_space<hbm>> -> memref<200xi32, #tpu.memory_space<hbm>>
        tpu.wait_dma2 semaphore(%arg16 : memref<!tpu.dma_semaphore, #tpu.memory_space<semaphore_mem>>) src(%dma_wait3A_837 : memref<200xi32, #tpu.memory_space<hbm>>) dst(%dma_wait3A_835 : memref<200xi32, #tpu.memory_space<vmem>>)
        %dma_wait3A_838 = arith.constant 0 : i32
        %dma_wait3A_839 = arith.constant 0 : i32
        %dma_wait3A_840 = tpu.memref_slice %arg11[%dma_wait3A_838, %dma_wait3A_839] : memref<2x200xi32, #tpu.memory_space<vmem>> -> memref<1x200xi32, #tpu.memory_space<vmem>>
        %dma_wait3A_841 = tpu.memref_squeeze %dma_wait3A_840 : memref<1x200xi32, #tpu.memory_space<vmem>> -> memref<200xi32, #tpu.memory_space<vmem>>
        %dma_wait3A_842 = arith.constant 0 : i32
        %dma_wait3A_843 = tpu.memref_slice %arg3[%dma_wait3A_842] : memref<819200xi32, #tpu.memory_space<hbm>> -> memref<200xi32, #tpu.memory_space<hbm>>
        %dma_wait3A_844 = arith.constant 0 : i32
        %dma_wait3A_845 = tpu.memref_slice %arg11[%dma_wait3A_838, %dma_wait3A_844] : memref<2x200xi32, #tpu.memory_space<vmem>> -> memref<1x200xi32, #tpu.memory_space<vmem>>
        %dma_wait3A_846 = tpu.memref_squeeze %dma_wait3A_845 : memref<1x200xi32, #tpu.memory_space<vmem>> -> memref<200xi32, #tpu.memory_space<vmem>>
        %dma_wait3A_847 = arith.constant 0 : i32
        %dma_wait3A_848 = tpu.memref_slice %arg3[%dma_wait3A_847] : memref<819200xi32, #tpu.memory_space<hbm>> -> memref<200xi32, #tpu.memory_space<hbm>>
        tpu.wait_dma2 semaphore(%arg16 : memref<!tpu.dma_semaphore, #tpu.memory_space<semaphore_mem>>) src(%dma_wait3A_848 : memref<200xi32, #tpu.memory_space<hbm>>) dst(%dma_wait3A_846 : memref<200xi32, #tpu.memory_space<vmem>>)
        %get3A_849 = arith.constant 0 : i32
        %get3A_850 = arith.index_cast %get3A_849 : i32 to index
        %get3A_851 = arith.constant 0 : index
        %get3A_852 = tpu.vector_load %arg9[%get3A_850, %get3A_851] {strides = array<i32>} : memref<2x200xi32, #tpu.memory_space<vmem>>, vector<1x16xi32>,
        %get3A_853 = vector.shape_cast %get3A_852 : vector<1x16xi32> to vector<16xi32>
        %mul3A_854 = arith.constant 3 : i32
        %mul3A_855 = vector.broadcast %mul3A_854 : i32 to vector<16xi32>
        %mul3A_856 = arith.muli %get3A_853, %mul3A_855 : vector<16xi32>
        %get3A_857 = arith.constant 0 : i32
        %get3A_858 = arith.index_cast %get3A_857 : i32 to index
        %get3A_859 = arith.constant 0 : index
        %get3A_860 = tpu.vector_load %arg10[%get3A_858, %get3A_859] {strides = array<i32>} : memref<2x200xi32, #tpu.memory_space<vmem>>, vector<1x16xi32>,
        %get3A_861 = vector.shape_cast %get3A_860 : vector<1x16xi32> to vector<16xi32>
        %add3A_862 = arith.addi %mul3A_856, %get3A_861 : vector<16xi32>
        %swap3A_863 = arith.constant 0 : i32
        %swap3A_864 = arith.index_cast %swap3A_863 : i32 to index
        %swap3A_865 = arith.constant 0 : index
        %swap3A_866 = tpu.vector_load %arg12[%swap3A_864, %swap3A_865] {strides = array<i32>} : memref<2x200xi32, #tpu.memory_space<vmem>>, vector<1x16xi32>,
        %swap3A_867 = vector.shape_cast %swap3A_866 : vector<1x16xi32> to vector<16xi32>
        %swap3A_868 = vector.shape_cast %add3A_862 : vector<16xi32> to vector<1x16xi32>
        tpu.vector_store %arg12[%swap3A_864, %swap3A_865], %swap3A_868 {strides = array<i32>} : memref<2x200xi32, #tpu.memory_space<vmem>>, vector<1x16xi32>,
        %get3A_869 = arith.constant 0 : i32
        %get3A_870 = arith.index_cast %get3A_869 : i32 to index
        %get3A_871 = arith.constant 16 : index
        %get3A_872 = tpu.vector_load %arg9[%get3A_870, %get3A_871] {strides = array<i32>} : memref<2x200xi32, #tpu.memory_space<vmem>>, vector<1x16xi32>,
        %get3A_873 = vector.shape_cast %get3A_872 : vector<1x16xi32> to vector<16xi32>
        %mul3A_874 = arith.constant 3 : i32
        %mul3A_875 = vector.broadcast %mul3A_874 : i32 to vector<16xi32>
        %mul3A_876 = arith.muli %get3A_873, %mul3A_875 : vector<16xi32>
        %get3A_877 = arith.constant 0 : i32
        %get3A_878 = arith.index_cast %get3A_877 : i32 to index
        %get3A_879 = arith.constant 16 : index
        %get3A_880 = tpu.vector_load %arg10[%get3A_878, %get3A_879] {strides = array<i32>} : memref<2x200xi32, #tpu.memory_space<vmem>>, vector<1x16xi32>,
        %get3A_881 = vector.shape_cast %get3A_880 : vector<1x16xi32> to vector<16xi32>
        %add3A_882 = arith.addi %mul3A_876, %get3A_881 : vector<16xi32>
        %swap3A_883 = arith.constant 0 : i32
        %swap3A_884 = arith.index_cast %swap3A_883 : i32 to index
        %swap3A_885 = arith.constant 16 : index
        %swap3A_886 = tpu.vector_load %arg12[%swap3A_884, %swap3A_885] {strides = array<i32>} : memref<2x200xi32, #tpu.memory_space<vmem>>, vector<1x16xi32>,
        %swap3A_887 = vector.shape_cast %swap3A_886 : vector<1x16xi32> to vector<16xi32>
        %swap3A_888 = vector.shape_cast %add3A_882 : vector<16xi32> to vector<1x16xi32>
        tpu.vector_store %arg12[%swap3A_884, %swap3A_885], %swap3A_888 {strides = array<i32>} : memref<2x200xi32, #tpu.memory_space<vmem>>, vector<1x16xi32>,
        %get3A_889 = arith.constant 0 : i32
        %get3A_890 = arith.index_cast %get3A_889 : i32 to index
        %get3A_891 = arith.constant 32 : index
        %get3A_892 = tpu.vector_load %arg9[%get3A_890, %get3A_891] {strides = array<i32>} : memref<2x200xi32, #tpu.memory_space<vmem>>, vector<1x16xi32>,
        %get3A_893 = vector.shape_cast %get3A_892 : vector<1x16xi32> to vector<16xi32>
        %mul3A_894 = arith.constant 3 : i32
        %mul3A_895 = vector.broadcast %mul3A_894 : i32 to vector<16xi32>
        %mul3A_896 = arith.muli %get3A_893, %mul3A_895 : vector<16xi32>
        %get3A_897 = arith.constant 0 : i32
        %get3A_898 = arith.index_cast %get3A_897 : i32 to index
        %get3A_899 = arith.constant 32 : index
        %get3A_900 = tpu.vector_load %arg10[%get3A_898, %get3A_899] {strides = array<i32>} : memref<2x200xi32, #tpu.memory_space<vmem>>, vector<1x16xi32>,
        %get3A_901 = vector.shape_cast %get3A_900 : vector<1x16xi32> to vector<16xi32>
        %add3A_902 = arith.addi %mul3A_896, %get3A_901 : vector<16xi32>
        %swap3A_903 = arith.constant 0 : i32
        %swap3A_904 = arith.index_cast %swap3A_903 : i32 to index
        %swap3A_905 = arith.constant 32 : index
        %swap3A_906 = tpu.vector_load %arg12[%swap3A_904, %swap3A_905] {strides = array<i32>} : memref<2x200xi32, #tpu.memory_space<vmem>>, vector<1x16xi32>,
        %swap3A_907 = vector.shape_cast %swap3A_906 : vector<1x16xi32> to vector<16xi32>
        %swap3A_908 = vector.shape_cast %add3A_902 : vector<16xi32> to vector<1x16xi32>
        tpu.vector_store %arg12[%swap3A_904, %swap3A_905], %swap3A_908 {strides = array<i32>} : memref<2x200xi32, #tpu.memory_space<vmem>>, vector<1x16xi32>,
        %get3A_909 = arith.constant 0 : i32
        %get3A_910 = arith.index_cast %get3A_909 : i32 to index
        %get3A_911 = arith.constant 48 : index
        %get3A_912 = tpu.vector_load %arg9[%get3A_910, %get3A_911] {strides = array<i32>} : memref<2x200xi32, #tpu.memory_space<vmem>>, vector<1x16xi32>,
        %get3A_913 = vector.shape_cast %get3A_912 : vector<1x16xi32> to vector<16xi32>
        %mul3A_914 = arith.constant 3 : i32
        %mul3A_915 = vector.broadcast %mul3A_914 : i32 to vector<16xi32>
        %mul3A_916 = arith.muli %get3A_913, %mul3A_915 : vector<16xi32>
        %get3A_917 = arith.constant 0 : i32
        %get3A_918 = arith.index_cast %get3A_917 : i32 to index
        %get3A_919 = arith.constant 48 : index
        %get3A_920 = tpu.vector_load %arg10[%get3A_918, %get3A_919] {strides = array<i32>} : memref<2x200xi32, #tpu.memory_space<vmem>>, vector<1x16xi32>,
        %get3A_921 = vector.shape_cast %get3A_920 : vector<1x16xi32> to vector<16xi32>
        %add3A_922 = arith.addi %mul3A_916, %get3A_921 : vector<16xi32>
        %swap3A_923 = arith.constant 0 : i32
        %swap3A_924 = arith.index_cast %swap3A_923 : i32 to index
        %swap3A_925 = arith.constant 48 : index
        %swap3A_926 = tpu.vector_load %arg12[%swap3A_924, %swap3A_925] {strides = array<i32>} : memref<2x200xi32, #tpu.memory_space<vmem>>, vector<1x16xi32>,
        %swap3A_927 = vector.shape_cast %swap3A_926 : vector<1x16xi32> to vector<16xi32>
        %swap3A_928 = vector.shape_cast %add3A_922 : vector<16xi32> to vector<1x16xi32>
        tpu.vector_store %arg12[%swap3A_924, %swap3A_925], %swap3A_928 {strides = array<i32>} : memref<2x200xi32, #tpu.memory_space<vmem>>, vector<1x16xi32>,
        %get3A_929 = arith.constant 0 : i32
        %get3A_930 = arith.index_cast %get3A_929 : i32 to index
        %get3A_931 = arith.constant 64 : index
        %get3A_932 = tpu.vector_load %arg9[%get3A_930, %get3A_931] {strides = array<i32>} : memref<2x200xi32, #tpu.memory_space<vmem>>, vector<1x16xi32>,
        %get3A_933 = vector.shape_cast %get3A_932 : vector<1x16xi32> to vector<16xi32>
        %mul3A_934 = arith.constant 3 : i32
        %mul3A_935 = vector.broadcast %mul3A_934 : i32 to vector<16xi32>
        %mul3A_936 = arith.muli %get3A_933, %mul3A_935 : vector<16xi32>
        %get3A_937 = arith.constant 0 : i32
        %get3A_938 = arith.index_cast %get3A_937 : i32 to index
        %get3A_939 = arith.constant 64 : index
        %get3A_940 = tpu.vector_load %arg10[%get3A_938, %get3A_939] {strides = array<i32>} : memref<2x200xi32, #tpu.memory_space<vmem>>, vector<1x16xi32>,
        %get3A_941 = vector.shape_cast %get3A_940 : vector<1x16xi32> to vector<16xi32>
        %add3A_942 = arith.addi %mul3A_936, %get3A_941 : vector<16xi32>
        %swap3A_943 = arith.constant 0 : i32
        %swap3A_944 = arith.index_cast %swap3A_943 : i32 to index
        %swap3A_945 = arith.constant 64 : index
        %swap3A_946 = tpu.vector_load %arg12[%swap3A_944, %swap3A_945] {strides = array<i32>} : memref<2x200xi32, #tpu.memory_space<vmem>>, vector<1x16xi32>,
        %swap3A_947 = vector.shape_cast %swap3A_946 : vector<1x16xi32> to vector<16xi32>
        %swap3A_948 = vector.shape_cast %add3A_942 : vector<16xi32> to vector<1x16xi32>
        tpu.vector_store %arg12[%swap3A_944, %swap3A_945], %swap3A_948 {strides = array<i32>} : memref<2x200xi32, #tpu.memory_space<vmem>>, vector<1x16xi32>,
        %get3A_949 = arith.constant 0 : i32
        %get3A_950 = arith.index_cast %get3A_949 : i32 to index
        %get3A_951 = arith.constant 80 : index
        %get3A_952 = tpu.vector_load %arg9[%get3A_950, %get3A_951] {strides = array<i32>} : memref<2x200xi32, #tpu.memory_space<vmem>>, vector<1x16xi32>,
        %get3A_953 = vector.shape_cast %get3A_952 : vector<1x16xi32> to vector<16xi32>
        %mul3A_954 = arith.constant 3 : i32
        %mul3A_955 = vector.broadcast %mul3A_954 : i32 to vector<16xi32>
        %mul3A_956 = arith.muli %get3A_953, %mul3A_955 : vector<16xi32>
        %get3A_957 = arith.constant 0 : i32
        %get3A_958 = arith.index_cast %get3A_957 : i32 to index
        %get3A_959 = arith.constant 80 : index
        %get3A_960 = tpu.vector_load %arg10[%get3A_958, %get3A_959] {strides = array<i32>} : memref<2x200xi32, #tpu.memory_space<vmem>>, vector<1x16xi32>,
        %get3A_961 = vector.shape_cast %get3A_960 : vector<1x16xi32> to vector<16xi32>
        %add3A_962 = arith.addi %mul3A_956, %get3A_961 : vector<16xi32>
        %swap3A_963 = arith.constant 0 : i32
        %swap3A_964 = arith.index_cast %swap3A_963 : i32 to index
        %swap3A_965 = arith.constant 80 : index
        %swap3A_966 = tpu.vector_load %arg12[%swap3A_964, %swap3A_965] {strides = array<i32>} : memref<2x200xi32, #tpu.memory_space<vmem>>, vector<1x16xi32>,
        %swap3A_967 = vector.shape_cast %swap3A_966 : vector<1x16xi32> to vector<16xi32>
        %swap3A_968 = vector.shape_cast %add3A_962 : vector<16xi32> to vector<1x16xi32>
        tpu.vector_store %arg12[%swap3A_964, %swap3A_965], %swap3A_968 {strides = array<i32>} : memref<2x200xi32, #tpu.memory_space<vmem>>, vector<1x16xi32>,
        %get3A_969 = arith.constant 0 : i32
        %get3A_970 = arith.index_cast %get3A_969 : i32 to index
        %get3A_971 = arith.constant 96 : index
        %get3A_972 = tpu.vector_load %arg9[%get3A_970, %get3A_971] {strides = array<i32>} : memref<2x200xi32, #tpu.memory_space<vmem>>, vector<1x16xi32>,
        %get3A_973 = vector.shape_cast %get3A_972 : vector<1x16xi32> to vector<16xi32>
        %mul3A_974 = arith.constant 3 : i32
        %mul3A_975 = vector.broadcast %mul3A_974 : i32 to vector<16xi32>
        %mul3A_976 = arith.muli %get3A_973, %mul3A_975 : vector<16xi32>
        %get3A_977 = arith.constant 0 : i32
        %get3A_978 = arith.index_cast %get3A_977 : i32 to index
        %get3A_979 = arith.constant 96 : index
        %get3A_980 = tpu.vector_load %arg10[%get3A_978, %get3A_979] {strides = array<i32>} : memref<2x200xi32, #tpu.memory_space<vmem>>, vector<1x16xi32>,
        %get3A_981 = vector.shape_cast %get3A_980 : vector<1x16xi32> to vector<16xi32>
        %add3A_982 = arith.addi %mul3A_976, %get3A_981 : vector<16xi32>
        %swap3A_983 = arith.constant 0 : i32
        %swap3A_984 = arith.index_cast %swap3A_983 : i32 to index
        %swap3A_985 = arith.constant 96 : index
        %swap3A_986 = tpu.vector_load %arg12[%swap3A_984, %swap3A_985] {strides = array<i32>} : memref<2x200xi32, #tpu.memory_space<vmem>>, vector<1x16xi32>,
        %swap3A_987 = vector.shape_cast %swap3A_986 : vector<1x16xi32> to vector<16xi32>
        %swap3A_988 = vector.shape_cast %add3A_982 : vector<16xi32> to vector<1x16xi32>
        tpu.vector_store %arg12[%swap3A_984, %swap3A_985], %swap3A_988 {strides = array<i32>} : memref<2x200xi32, #tpu.memory_space<vmem>>, vector<1x16xi32>,
        %get3A_989 = arith.constant 0 : i32
        %get3A_990 = arith.index_cast %get3A_989 : i32 to index
        %get3A_991 = arith.constant 112 : index
        %get3A_992 = tpu.vector_load %arg9[%get3A_990, %get3A_991] {strides = array<i32>} : memref<2x200xi32, #tpu.memory_space<vmem>>, vector<1x16xi32>,
        %get3A_993 = vector.shape_cast %get3A_992 : vector<1x16xi32> to vector<16xi32>
        %mul3A_994 = arith.constant 3 : i32
        %mul3A_995 = vector.broadcast %mul3A_994 : i32 to vector<16xi32>
        %mul3A_996 = arith.muli %get3A_993, %mul3A_995 : vector<16xi32>
        %get3A_997 = arith.constant 0 : i32
        %get3A_998 = arith.index_cast %get3A_997 : i32 to index
        %get3A_999 = arith.constant 112 : index
        %get3A_1000 = tpu.vector_load %arg10[%get3A_998, %get3A_999] {strides = array<i32>} : memref<2x200xi32, #tpu.memory_space<vmem>>, vector<1x16xi32>,
        %get3A_1001 = vector.shape_cast %get3A_1000 : vector<1x16xi32> to vector<16xi32>
        %add3A_1002 = arith.addi %mul3A_996, %get3A_1001 : vector<16xi32>
        %swap3A_1003 = arith.constant 0 : i32
        %swap3A_1004 = arith.index_cast %swap3A_1003 : i32 to index
        %swap3A_1005 = arith.constant 112 : index
        %swap3A_1006 = tpu.vector_load %arg12[%swap3A_1004, %swap3A_1005] {strides = array<i32>} : memref<2x200xi32, #tpu.memory_space<vmem>>, vector<1x16xi32>,
        %swap3A_1007 = vector.shape_cast %swap3A_1006 : vector<1x16xi32> to vector<16xi32>
        %swap3A_1008 = vector.shape_cast %add3A_1002 : vector<16xi32> to vector<1x16xi32>
        tpu.vector_store %arg12[%swap3A_1004, %swap3A_1005], %swap3A_1008 {strides = array<i32>} : memref<2x200xi32, #tpu.memory_space<vmem>>, vector<1x16xi32>,
        %get3A_1009 = arith.constant 0 : i32
        %get3A_1010 = arith.index_cast %get3A_1009 : i32 to index
        %get3A_1011 = arith.constant 128 : index
        %get3A_1012 = tpu.vector_load %arg9[%get3A_1010, %get3A_1011] {strides = array<i32>} : memref<2x200xi32, #tpu.memory_space<vmem>>, vector<1x16xi32>,
        %get3A_1013 = vector.shape_cast %get3A_1012 : vector<1x16xi32> to vector<16xi32>
        %mul3A_1014 = arith.constant 3 : i32
        %mul3A_1015 = vector.broadcast %mul3A_1014 : i32 to vector<16xi32>
        %mul3A_1016 = arith.muli %get3A_1013, %mul3A_1015 : vector<16xi32>
        %get3A_1017 = arith.constant 0 : i32
        %get3A_1018 = arith.index_cast %get3A_1017 : i32 to index
        %get3A_1019 = arith.constant 128 : index
        %get3A_1020 = tpu.vector_load %arg10[%get3A_1018, %get3A_1019] {strides = array<i32>} : memref<2x200xi32, #tpu.memory_space<vmem>>, vector<1x16xi32>,
        %get3A_1021 = vector.shape_cast %get3A_1020 : vector<1x16xi32> to vector<16xi32>
        %add3A_1022 = arith.addi %mul3A_1016, %get3A_1021 : vector<16xi32>
        %swap3A_1023 = arith.constant 0 : i32
        %swap3A_1024 = arith.index_cast %swap3A_1023 : i32 to index
        %swap3A_1025 = arith.constant 128 : index
        %swap3A_1026 = tpu.vector_load %arg12[%swap3A_1024, %swap3A_1025] {strides = array<i32>} : memref<2x200xi32, #tpu.memory_space<vmem>>, vector<1x16xi32>,
        %swap3A_1027 = vector.shape_cast %swap3A_1026 : vector<1x16xi32> to vector<16xi32>
        %swap3A_1028 = vector.shape_cast %add3A_1022 : vector<16xi32> to vector<1x16xi32>
        tpu.vector_store %arg12[%swap3A_1024, %swap3A_1025], %swap3A_1028 {strides = array<i32>} : memref<2x200xi32, #tpu.memory_space<vmem>>, vector<1x16xi32>,
        %get3A_1029 = arith.constant 0 : i32
        %get3A_1030 = arith.index_cast %get3A_1029 : i32 to index
        %get3A_1031 = arith.constant 144 : index
        %get3A_1032 = tpu.vector_load %arg9[%get3A_1030, %get3A_1031] {strides = array<i32>} : memref<2x200xi32, #tpu.memory_space<vmem>>, vector<1x16xi32>,
        %get3A_1033 = vector.shape_cast %get3A_1032 : vector<1x16xi32> to vector<16xi32>
        %mul3A_1034 = arith.constant 3 : i32
        %mul3A_1035 = vector.broadcast %mul3A_1034 : i32 to vector<16xi32>
        %mul3A_1036 = arith.muli %get3A_1033, %mul3A_1035 : vector<16xi32>
        %get3A_1037 = arith.constant 0 : i32
        %get3A_1038 = arith.index_cast %get3A_1037 : i32 to index
        %get3A_1039 = arith.constant 144 : index
        %get3A_1040 = tpu.vector_load %arg10[%get3A_1038, %get3A_1039] {strides = array<i32>} : memref<2x200xi32, #tpu.memory_space<vmem>>, vector<1x16xi32>,
        %get3A_1041 = vector.shape_cast %get3A_1040 : vector<1x16xi32> to vector<16xi32>
        %add3A_1042 = arith.addi %mul3A_1036, %get3A_1041 : vector<16xi32>
        %swap3A_1043 = arith.constant 0 : i32
        %swap3A_1044 = arith.index_cast %swap3A_1043 : i32 to index
        %swap3A_1045 = arith.constant 144 : index
        %swap3A_1046 = tpu.vector_load %arg12[%swap3A_1044, %swap3A_1045] {strides = array<i32>} : memref<2x200xi32, #tpu.memory_space<vmem>>, vector<1x16xi32>,
        %swap3A_1047 = vector.shape_cast %swap3A_1046 : vector<1x16xi32> to vector<16xi32>
        %swap3A_1048 = vector.shape_cast %add3A_1042 : vector<16xi32> to vector<1x16xi32>
        tpu.vector_store %arg12[%swap3A_1044, %swap3A_1045], %swap3A_1048 {strides = array<i32>} : memref<2x200xi32, #tpu.memory_space<vmem>>, vector<1x16xi32>,
        %get3A_1049 = arith.constant 0 : i32
        %get3A_1050 = arith.index_cast %get3A_1049 : i32 to index
        %get3A_1051 = arith.constant 160 : index
        %get3A_1052 = tpu.vector_load %arg9[%get3A_1050, %get3A_1051] {strides = array<i32>} : memref<2x200xi32, #tpu.memory_space<vmem>>, vector<1x16xi32>,
        %get3A_1053 = vector.shape_cast %get3A_1052 : vector<1x16xi32> to vector<16xi32>
        %mul3A_1054 = arith.constant 3 : i32
        %mul3A_1055 = vector.broadcast %mul3A_1054 : i32 to vector<16xi32>
        %mul3A_1056 = arith.muli %get3A_1053, %mul3A_1055 : vector<16xi32>
        %get3A_1057 = arith.constant 0 : i32
        %get3A_1058 = arith.index_cast %get3A_1057 : i32 to index
        %get3A_1059 = arith.constant 160 : index
        %get3A_1060 = tpu.vector_load %arg10[%get3A_1058, %get3A_1059] {strides = array<i32>} : memref<2x200xi32, #tpu.memory_space<vmem>>, vector<1x16xi32>,
        %get3A_1061 = vector.shape_cast %get3A_1060 : vector<1x16xi32> to vector<16xi32>
        %add3A_1062 = arith.addi %mul3A_1056, %get3A_1061 : vector<16xi32>
        %swap3A_1063 = arith.constant 0 : i32
        %swap3A_1064 = arith.index_cast %swap3A_1063 : i32 to index
        %swap3A_1065 = arith.constant 160 : index
        %swap3A_1066 = tpu.vector_load %arg12[%swap3A_1064, %swap3A_1065] {strides = array<i32>} : memref<2x200xi32, #tpu.memory_space<vmem>>, vector<1x16xi32>,
        %swap3A_1067 = vector.shape_cast %swap3A_1066 : vector<1x16xi32> to vector<16xi32>
        %swap3A_1068 = vector.shape_cast %add3A_1062 : vector<16xi32> to vector<1x16xi32>
        tpu.vector_store %arg12[%swap3A_1064, %swap3A_1065], %swap3A_1068 {strides = array<i32>} : memref<2x200xi32, #tpu.memory_space<vmem>>, vector<1x16xi32>,
        %get3A_1069 = arith.constant 0 : i32
        %get3A_1070 = arith.index_cast %get3A_1069 : i32 to index
        %get3A_1071 = arith.constant 176 : index
        %get3A_1072 = tpu.vector_load %arg9[%get3A_1070, %get3A_1071] {strides = array<i32>} : memref<2x200xi32, #tpu.memory_space<vmem>>, vector<1x16xi32>,
        %get3A_1073 = vector.shape_cast %get3A_1072 : vector<1x16xi32> to vector<16xi32>
        %mul3A_1074 = arith.constant 3 : i32
        %mul3A_1075 = vector.broadcast %mul3A_1074 : i32 to vector<16xi32>
        %mul3A_1076 = arith.muli %get3A_1073, %mul3A_1075 : vector<16xi32>
        %get3A_1077 = arith.constant 0 : i32
        %get3A_1078 = arith.index_cast %get3A_1077 : i32 to index
        %get3A_1079 = arith.constant 176 : index
        %get3A_1080 = tpu.vector_load %arg10[%get3A_1078, %get3A_1079] {strides = array<i32>} : memref<2x200xi32, #tpu.memory_space<vmem>>, vector<1x16xi32>,
        %get3A_1081 = vector.shape_cast %get3A_1080 : vector<1x16xi32> to vector<16xi32>
        %add3A_1082 = arith.addi %mul3A_1076, %get3A_1081 : vector<16xi32>
        %swap3A_1083 = arith.constant 0 : i32
        %swap3A_1084 = arith.index_cast %swap3A_1083 : i32 to index
        %swap3A_1085 = arith.constant 176 : index
        %swap3A_1086 = tpu.vector_load %arg12[%swap3A_1084, %swap3A_1085] {strides = array<i32>} : memref<2x200xi32, #tpu.memory_space<vmem>>, vector<1x16xi32>,
        %swap3A_1087 = vector.shape_cast %swap3A_1086 : vector<1x16xi32> to vector<16xi32>
        %swap3A_1088 = vector.shape_cast %add3A_1082 : vector<16xi32> to vector<1x16xi32>
        tpu.vector_store %arg12[%swap3A_1084, %swap3A_1085], %swap3A_1088 {strides = array<i32>} : memref<2x200xi32, #tpu.memory_space<vmem>>, vector<1x16xi32>,
        %get3A_1089 = arith.constant 0 : i32
        %get3A_1090 = arith.index_cast %get3A_1089 : i32 to index
        %get3A_1091 = arith.constant 184 : index
        %get3A_1092 = tpu.vector_load %arg9[%get3A_1090, %get3A_1091] {strides = array<i32>} : memref<2x200xi32, #tpu.memory_space<vmem>>, vector<1x16xi32>,
        %get3A_1093 = vector.shape_cast %get3A_1092 : vector<1x16xi32> to vector<16xi32>
        %mul3A_1094 = arith.constant 3 : i32
        %mul3A_1095 = vector.broadcast %mul3A_1094 : i32 to vector<16xi32>
        %mul3A_1096 = arith.muli %get3A_1093, %mul3A_1095 : vector<16xi32>
        %get3A_1097 = arith.constant 0 : i32
        %get3A_1098 = arith.index_cast %get3A_1097 : i32 to index
        %get3A_1099 = arith.constant 184 : index
        %get3A_1100 = tpu.vector_load %arg10[%get3A_1098, %get3A_1099] {strides = array<i32>} : memref<2x200xi32, #tpu.memory_space<vmem>>, vector<1x16xi32>,
        %get3A_1101 = vector.shape_cast %get3A_1100 : vector<1x16xi32> to vector<16xi32>
        %add3A_1102 = arith.addi %mul3A_1096, %get3A_1101 : vector<16xi32>
        %swap3A_1103 = arith.constant 0 : i32
        %swap3A_1104 = arith.index_cast %swap3A_1103 : i32 to index
        %swap3A_1105 = arith.constant 184 : index
        %swap3A_1106 = tpu.vector_load %arg12[%swap3A_1104, %swap3A_1105] {strides = array<i32>} : memref<2x200xi32, #tpu.memory_space<vmem>>, vector<1x16xi32>,
        %swap3A_1107 = vector.shape_cast %swap3A_1106 : vector<1x16xi32> to vector<16xi32>
        %swap3A_1108 = vector.shape_cast %add3A_1102 : vector<16xi32> to vector<1x16xi32>
        tpu.vector_store %arg12[%swap3A_1104, %swap3A_1105], %swap3A_1108 {strides = array<i32>} : memref<2x200xi32, #tpu.memory_space<vmem>>, vector<1x16xi32>,
      } else {
      }
      %dma_wait3A_673 = arith.constant 1 : i32
      %dma_wait3A_674 = arith.constant 0 : i32
      %dma_wait3A_675 = arith.constant 0 : i32
      %dma_wait3A_676 = tpu.memref_slice %arg14[%dma_wait3A_673, %dma_wait3A_674, %dma_wait3A_675] : memref<2x200x88xf32, #tpu.memory_space<vmem>> -> memref<1x128x88xf32, #tpu.memory_space<vmem>>
      %dma_wait3A_677 = tpu.memref_squeeze %dma_wait3A_676 : memref<1x128x88xf32, #tpu.memory_space<vmem>> -> memref<128x88xf32, #tpu.memory_space<vmem>>
      %dma_wait3A_678 = arith.constant 0 : i32
      %dma_wait3A_679 = arith.constant 0 : i32
      %dma_wait3A_680 = tpu.memref_slice %arg7[%dma_wait3A_678, %dma_wait3A_679] : memref<100001x88xf32, #tpu.memory_space<hbm>> -> memref<128x88xf32, #tpu.memory_space<hbm>>
      %dma_wait3A_681 = arith.constant 0 : i32
      %dma_wait3A_682 = arith.constant 0 : i32
      %dma_wait3A_683 = tpu.memref_slice %arg14[%dma_wait3A_673, %dma_wait3A_681, %dma_wait3A_682] : memref<2x200x88xf32, #tpu.memory_space<vmem>> -> memref<1x128x88xf32, #tpu.memory_space<vmem>>
      %dma_wait3A_684 = tpu.memref_squeeze %dma_wait3A_683 : memref<1x128x88xf32, #tpu.memory_space<vmem>> -> memref<128x88xf32, #tpu.memory_space<vmem>>
      %dma_wait3A_685 = arith.constant 0 : i32
      %dma_wait3A_686 = arith.constant 0 : i32
      %dma_wait3A_687 = tpu.memref_slice %arg7[%dma_wait3A_685, %dma_wait3A_686] : memref<100001x88xf32, #tpu.memory_space<hbm>> -> memref<128x88xf32, #tpu.memory_space<hbm>>
      tpu.wait_dma2 semaphore(%arg19 : memref<!tpu.dma_semaphore, #tpu.memory_space<semaphore_mem>>) src(%dma_wait3A_687 : memref<128x88xf32, #tpu.memory_space<hbm>>) dst(%dma_wait3A_684 : memref<128x88xf32, #tpu.memory_space<vmem>>)
      %dma_wait3A_688 = arith.constant 1 : i32
      %dma_wait3A_689 = arith.constant 0 : i32
      %dma_wait3A_690 = arith.constant 0 : i32
      %dma_wait3A_691 = tpu.memref_slice %arg13[%dma_wait3A_688, %dma_wait3A_689, %dma_wait3A_690] : memref<2x200x24xf32, #tpu.memory_space<vmem>> -> memref<1x128x24xf32, #tpu.memory_space<vmem>>
      %dma_wait3A_692 = tpu.memref_squeeze %dma_wait3A_691 : memref<1x128x24xf32, #tpu.memory_space<vmem>> -> memref<128x24xf32, #tpu.memory_space<vmem>>
      %dma_wait3A_693 = arith.constant 0 : i32
      %dma_wait3A_694 = arith.constant 0 : i32
      %dma_wait3A_695 = tpu.memref_slice %arg7[%dma_wait3A_693, %dma_wait3A_694] : memref<100001x88xf32, #tpu.memory_space<hbm>> -> memref<128x24xf32, #tpu.memory_space<hbm>>
      %dma_wait3A_696 = arith.constant 0 : i32
      %dma_wait3A_697 = arith.constant 0 : i32
      %dma_wait3A_698 = tpu.memref_slice %arg13[%dma_wait3A_688, %dma_wait3A_696, %dma_wait3A_697] : memref<2x200x24xf32, #tpu.memory_space<vmem>> -> memref<1x128x24xf32, #tpu.memory_space<vmem>>
      %dma_wait3A_699 = tpu.memref_squeeze %dma_wait3A_698 : memref<1x128x24xf32, #tpu.memory_space<vmem>> -> memref<128x24xf32, #tpu.memory_space<vmem>>
      %dma_wait3A_700 = arith.constant 0 : i32
      %dma_wait3A_701 = arith.constant 0 : i32
      %dma_wait3A_702 = tpu.memref_slice %arg7[%dma_wait3A_700, %dma_wait3A_701] : memref<100001x88xf32, #tpu.memory_space<hbm>> -> memref<128x24xf32, #tpu.memory_space<hbm>>
      tpu.wait_dma2 semaphore(%arg19 : memref<!tpu.dma_semaphore, #tpu.memory_space<semaphore_mem>>) src(%dma_wait3A_702 : memref<128x24xf32, #tpu.memory_space<hbm>>) dst(%dma_wait3A_699 : memref<128x24xf32, #tpu.memory_space<vmem>>)
      %dma_wait3A_703 = arith.constant 1 : i32
      %dma_wait3A_704 = arith.constant 128 : i32
      %dma_wait3A_705 = arith.constant 0 : i32
      %dma_wait3A_706 = tpu.memref_slice %arg14[%dma_wait3A_703, %dma_wait3A_704, %dma_wait3A_705] : memref<2x200x88xf32, #tpu.memory_space<vmem>> -> memref<1x72x88xf32, #tpu.memory_space<vmem>>
      %dma_wait3A_707 = tpu.memref_squeeze %dma_wait3A_706 : memref<1x72x88xf32, #tpu.memory_space<vmem>> -> memref<72x88xf32, #tpu.memory_space<vmem>>
      %dma_wait3A_708 = arith.constant 0 : i32
      %dma_wait3A_709 = arith.constant 0 : i32
      %dma_wait3A_710 = tpu.memref_slice %arg7[%dma_wait3A_708, %dma_wait3A_709] : memref<100001x88xf32, #tpu.memory_space<hbm>> -> memref<72x88xf32, #tpu.memory_space<hbm>>
      %dma_wait3A_711 = arith.constant 128 : i32
      %dma_wait3A_712 = arith.constant 0 : i32
      %dma_wait3A_713 = tpu.memref_slice %arg14[%dma_wait3A_703, %dma_wait3A_711, %dma_wait3A_712] : memref<2x200x88xf32, #tpu.memory_space<vmem>> -> memref<1x72x88xf32, #tpu.memory_space<vmem>>
      %dma_wait3A_714 = tpu.memref_squeeze %dma_wait3A_713 : memref<1x72x88xf32, #tpu.memory_space<vmem>> -> memref<72x88xf32, #tpu.memory_space<vmem>>
      %dma_wait3A_715 = arith.constant 0 : i32
      %dma_wait3A_716 = arith.constant 0 : i32
      %dma_wait3A_717 = tpu.memref_slice %arg7[%dma_wait3A_715, %dma_wait3A_716] : memref<100001x88xf32, #tpu.memory_space<hbm>> -> memref<72x88xf32, #tpu.memory_space<hbm>>
      tpu.wait_dma2 semaphore(%arg19 : memref<!tpu.dma_semaphore, #tpu.memory_space<semaphore_mem>>) src(%dma_wait3A_717 : memref<72x88xf32, #tpu.memory_space<hbm>>) dst(%dma_wait3A_714 : memref<72x88xf32, #tpu.memory_space<vmem>>)
      %dma_wait3A_718 = arith.constant 1 : i32
      %dma_wait3A_719 = arith.constant 128 : i32
      %dma_wait3A_720 = arith.constant 0 : i32
      %dma_wait3A_721 = tpu.memref_slice %arg13[%dma_wait3A_718, %dma_wait3A_719, %dma_wait3A_720] : memref<2x200x24xf32, #tpu.memory_space<vmem>> -> memref<1x72x24xf32, #tpu.memory_space<vmem>>
      %dma_wait3A_722 = tpu.memref_squeeze %dma_wait3A_721 : memref<1x72x24xf32, #tpu.memory_space<vmem>> -> memref<72x24xf32, #tpu.memory_space<vmem>>
      %dma_wait3A_723 = arith.constant 0 : i32
      %dma_wait3A_724 = arith.constant 0 : i32
      %dma_wait3A_725 = tpu.memref_slice %arg7[%dma_wait3A_723, %dma_wait3A_724] : memref<100001x88xf32, #tpu.memory_space<hbm>> -> memref<72x24xf32, #tpu.memory_space<hbm>>
      %dma_wait3A_726 = arith.constant 128 : i32
      %dma_wait3A_727 = arith.constant 0 : i32
      %dma_wait3A_728 = tpu.memref_slice %arg13[%dma_wait3A_718, %dma_wait3A_726, %dma_wait3A_727] : memref<2x200x24xf32, #tpu.memory_space<vmem>> -> memref<1x72x24xf32, #tpu.memory_space<vmem>>
      %dma_wait3A_729 = tpu.memref_squeeze %dma_wait3A_728 : memref<1x72x24xf32, #tpu.memory_space<vmem>> -> memref<72x24xf32, #tpu.memory_space<vmem>>
      %dma_wait3A_730 = arith.constant 0 : i32
      %dma_wait3A_731 = arith.constant 0 : i32
      %dma_wait3A_732 = tpu.memref_slice %arg7[%dma_wait3A_730, %dma_wait3A_731] : memref<100001x88xf32, #tpu.memory_space<hbm>> -> memref<72x24xf32, #tpu.memory_space<hbm>>
      tpu.wait_dma2 semaphore(%arg19 : memref<!tpu.dma_semaphore, #tpu.memory_space<semaphore_mem>>) src(%dma_wait3A_732 : memref<72x24xf32, #tpu.memory_space<hbm>>) dst(%dma_wait3A_729 : memref<72x24xf32, #tpu.memory_space<vmem>>)
      %dma_wait3A_733 = arith.constant 0 : i32
      %dma_wait3A_734 = arith.constant 1 : i32
      %dma_wait3A_735 = arith.constant 0 : i32
      %dma_wait3A_736 = arith.constant 0 : i32
      %dma_wait3A_737 = tpu.memref_slice %arg15[%dma_wait3A_734, %dma_wait3A_735, %dma_wait3A_736] : memref<2x200x128xf32, #tpu.memory_space<vmem>> -> memref<1x200x128xf32, #tpu.memory_space<vmem>>
      %dma_wait3A_738 = tpu.memref_squeeze %dma_wait3A_737 : memref<1x200x128xf32, #tpu.memory_space<vmem>> -> memref<200x128xf32, #tpu.memory_space<vmem>>
      %dma_wait3A_739 = arith.constant 0 : i32
      %dma_wait3A_740 = arith.constant 0 : i32
      %dma_wait3A_741 = tpu.memref_slice %arg2[%dma_wait3A_733, %dma_wait3A_739, %dma_wait3A_740] : memref<4096x200x128xf32, #tpu.memory_space<hbm>> -> memref<1x200x128xf32, #tpu.memory_space<hbm>>
      %dma_wait3A_742 = tpu.memref_squeeze %dma_wait3A_741 : memref<1x200x128xf32, #tpu.memory_space<hbm>> -> memref<200x128xf32, #tpu.memory_space<hbm>>
      %dma_wait3A_743 = arith.constant 0 : i32
      %dma_wait3A_744 = arith.constant 0 : i32
      %dma_wait3A_745 = tpu.memref_slice %arg15[%dma_wait3A_734, %dma_wait3A_743, %dma_wait3A_744] : memref<2x200x128xf32, #tpu.memory_space<vmem>> -> memref<1x200x128xf32, #tpu.memory_space<vmem>>
      %dma_wait3A_746 = tpu.memref_squeeze %dma_wait3A_745 : memref<1x200x128xf32, #tpu.memory_space<vmem>> -> memref<200x128xf32, #tpu.memory_space<vmem>>
      %dma_wait3A_747 = arith.constant 0 : i32
      %dma_wait3A_748 = arith.constant 0 : i32
      %dma_wait3A_749 = tpu.memref_slice %arg2[%dma_wait3A_733, %dma_wait3A_747, %dma_wait3A_748] : memref<4096x200x128xf32, #tpu.memory_space<hbm>> -> memref<1x200x128xf32, #tpu.memory_space<hbm>>
      %dma_wait3A_750 = tpu.memref_squeeze %dma_wait3A_749 : memref<1x200x128xf32, #tpu.memory_space<hbm>> -> memref<200x128xf32, #tpu.memory_space<hbm>>
      tpu.wait_dma2 semaphore(%arg19 : memref<!tpu.dma_semaphore, #tpu.memory_space<semaphore_mem>>) src(%dma_wait3A_750 : memref<200x128xf32, #tpu.memory_space<hbm>>) dst(%dma_wait3A_746 : memref<200x128xf32, #tpu.memory_space<vmem>>)
      %add3A_751 = arith.constant 1 : i32
      %add3A_752 = arith.addi %add3A_665, %add3A_751 : i32
      %lt3A_753 = arith.constant 128 : i32
      %lt3A_754 = arith.cmpi slt, %add3A_752, %lt3A_753 : i32
      %convert_element_type3A_755 = arith.extui %lt3A_754 : i1 to i32
      %cond3A_756 = arith.constant 0 : i32
      %cond3A_757 = arith.cmpi ne, %convert_element_type3A_755, %cond3A_756 : i32
      scf.if %cond3A_757 {
        %add3A_816 = arith.constant 1 : i32
        %add3A_817 = arith.addi %add3A_665, %add3A_816 : i32
        %dma_start3A_818 = arith.constant 0 : i32
        %dma_start3A_819 = arith.constant 0 : i32
        %dma_start3A_820 = arith.constant 0 : i32
        %dma_start3A_821 = arith.constant 0 : i32
        %dma_start3A_822 = tpu.memref_slice %arg14[%dma_start3A_819, %dma_start3A_820, %dma_start3A_821] : memref<2x200x88xf32, #tpu.memory_space<vmem>> -> memref<1x128x88xf32, #tpu.memory_space<vmem>>
        %dma_start3A_823 = tpu.memref_squeeze %dma_start3A_822 : memref<1x128x88xf32, #tpu.memory_space<vmem>> -> memref<128x88xf32, #tpu.memory_space<vmem>>
        %dma_start3A_824 = arith.constant 0 : i32
        %dma_start3A_825 = tpu.memref_slice %arg11[%dma_start3A_818, %dma_start3A_824] : memref<2x200xi32, #tpu.memory_space<vmem>> -> memref<1x128xi32, #tpu.memory_space<vmem>>
        %dma_start3A_826 = tpu.memref_squeeze %dma_start3A_825 : memref<1x128xi32, #tpu.memory_space<vmem>> -> memref<128xi32, #tpu.memory_space<vmem>>
        %dma_start3A_827 = arith.constant 0 : i32
        %dma_start3A_828 = arith.constant 0 : i32
        %dma_start3A_829 = tpu.memref_slice %arg7[%dma_start3A_827, %dma_start3A_828] : memref<100001x88xf32, #tpu.memory_space<hbm>> -> memref<100001x88xf32, #tpu.memory_space<hbm>>
        tpu.enqueue_indirect_dma source(%dma_start3A_829 : memref<100001x88xf32, #tpu.memory_space<hbm>>) target(%dma_start3A_823 : memref<128x88xf32, #tpu.memory_space<vmem>>) offsets(%dma_start3A_826 : memref<128xi32, #tpu.memory_space<vmem>>) semaphore(%arg18 : memref<!tpu.dma_semaphore, #tpu.memory_space<semaphore_mem>>)
        %dma_start3A_830 = arith.constant 0 : i32
        %dma_start3A_831 = arith.constant 0 : i32
        %dma_start3A_832 = arith.constant 0 : i32
        %dma_start3A_833 = arith.constant 0 : i32
        %dma_start3A_834 = tpu.memref_slice %arg13[%dma_start3A_831, %dma_start3A_832, %dma_start3A_833] : memref<2x200x24xf32, #tpu.memory_space<vmem>> -> memref<1x128x24xf32, #tpu.memory_space<vmem>>
        %dma_start3A_835 = tpu.memref_squeeze %dma_start3A_834 : memref<1x128x24xf32, #tpu.memory_space<vmem>> -> memref<128x24xf32, #tpu.memory_space<vmem>>
        %dma_start3A_836 = arith.constant 0 : i32
        %dma_start3A_837 = tpu.memref_slice %arg12[%dma_start3A_830, %dma_start3A_836] : memref<2x200xi32, #tpu.memory_space<vmem>> -> memref<1x128xi32, #tpu.memory_space<vmem>>
        %dma_start3A_838 = tpu.memref_squeeze %dma_start3A_837 : memref<1x128xi32, #tpu.memory_space<vmem>> -> memref<128xi32, #tpu.memory_space<vmem>>
        %dma_start3A_839 = arith.constant 0 : i32
        %dma_start3A_840 = arith.constant 0 : i32
        %dma_start3A_841 = tpu.memref_slice %arg6[%dma_start3A_839, %dma_start3A_840] : memref<75x24xf32, #tpu.memory_space<hbm>> -> memref<75x24xf32, #tpu.memory_space<hbm>>
        tpu.enqueue_indirect_dma source(%dma_start3A_841 : memref<75x24xf32, #tpu.memory_space<hbm>>) target(%dma_start3A_835 : memref<128x24xf32, #tpu.memory_space<vmem>>) offsets(%dma_start3A_838 : memref<128xi32, #tpu.memory_space<vmem>>) semaphore(%arg18 : memref<!tpu.dma_semaphore, #tpu.memory_space<semaphore_mem>>)
        %dma_start3A_842 = arith.constant 0 : i32
        %dma_start3A_843 = arith.constant 0 : i32
        %dma_start3A_844 = arith.constant 128 : i32
        %dma_start3A_845 = arith.constant 0 : i32
        %dma_start3A_846 = tpu.memref_slice %arg14[%dma_start3A_843, %dma_start3A_844, %dma_start3A_845] : memref<2x200x88xf32, #tpu.memory_space<vmem>> -> memref<1x72x88xf32, #tpu.memory_space<vmem>>
        %dma_start3A_847 = tpu.memref_squeeze %dma_start3A_846 : memref<1x72x88xf32, #tpu.memory_space<vmem>> -> memref<72x88xf32, #tpu.memory_space<vmem>>
        %dma_start3A_848 = arith.constant 128 : i32
        %dma_start3A_849 = tpu.memref_slice %arg11[%dma_start3A_842, %dma_start3A_848] : memref<2x200xi32, #tpu.memory_space<vmem>> -> memref<1x72xi32, #tpu.memory_space<vmem>>
        %dma_start3A_850 = tpu.memref_squeeze %dma_start3A_849 : memref<1x72xi32, #tpu.memory_space<vmem>> -> memref<72xi32, #tpu.memory_space<vmem>>
        %dma_start3A_851 = arith.constant 0 : i32
        %dma_start3A_852 = arith.constant 0 : i32
        %dma_start3A_853 = tpu.memref_slice %arg7[%dma_start3A_851, %dma_start3A_852] : memref<100001x88xf32, #tpu.memory_space<hbm>> -> memref<100001x88xf32, #tpu.memory_space<hbm>>
        tpu.enqueue_indirect_dma source(%dma_start3A_853 : memref<100001x88xf32, #tpu.memory_space<hbm>>) target(%dma_start3A_847 : memref<72x88xf32, #tpu.memory_space<vmem>>) offsets(%dma_start3A_850 : memref<72xi32, #tpu.memory_space<vmem>>) semaphore(%arg18 : memref<!tpu.dma_semaphore, #tpu.memory_space<semaphore_mem>>)
        %dma_start3A_854 = arith.constant 0 : i32
        %dma_start3A_855 = arith.constant 0 : i32
        %dma_start3A_856 = arith.constant 128 : i32
        %dma_start3A_857 = arith.constant 0 : i32
        %dma_start3A_858 = tpu.memref_slice %arg13[%dma_start3A_855, %dma_start3A_856, %dma_start3A_857] : memref<2x200x24xf32, #tpu.memory_space<vmem>> -> memref<1x72x24xf32, #tpu.memory_space<vmem>>
        %dma_start3A_859 = tpu.memref_squeeze %dma_start3A_858 : memref<1x72x24xf32, #tpu.memory_space<vmem>> -> memref<72x24xf32, #tpu.memory_space<vmem>>
        %dma_start3A_860 = arith.constant 128 : i32
        %dma_start3A_861 = tpu.memref_slice %arg12[%dma_start3A_854, %dma_start3A_860] : memref<2x200xi32, #tpu.memory_space<vmem>> -> memref<1x72xi32, #tpu.memory_space<vmem>>
        %dma_start3A_862 = tpu.memref_squeeze %dma_start3A_861 : memref<1x72xi32, #tpu.memory_space<vmem>> -> memref<72xi32, #tpu.memory_space<vmem>>
        %dma_start3A_863 = arith.constant 0 : i32
        %dma_start3A_864 = arith.constant 0 : i32
        %dma_start3A_865 = tpu.memref_slice %arg6[%dma_start3A_863, %dma_start3A_864] : memref<75x24xf32, #tpu.memory_space<hbm>> -> memref<75x24xf32, #tpu.memory_space<hbm>>
        tpu.enqueue_indirect_dma source(%dma_start3A_865 : memref<75x24xf32, #tpu.memory_space<hbm>>) target(%dma_start3A_859 : memref<72x24xf32, #tpu.memory_space<vmem>>) offsets(%dma_start3A_862 : memref<72xi32, #tpu.memory_space<vmem>>) semaphore(%arg18 : memref<!tpu.dma_semaphore, #tpu.memory_space<semaphore_mem>>)
        %add3A_866 = arith.addi %mul3A_2, %add3A_817 : i32
        %dma_start3A_867 = arith.constant 0 : i32
        %dma_start3A_868 = arith.constant 0 : i32
        %dma_start3A_869 = arith.constant 0 : i32
        %dma_start3A_870 = tpu.memref_slice %arg15[%dma_start3A_867, %dma_start3A_868, %dma_start3A_869] : memref<2x200x128xf32, #tpu.memory_space<vmem>> -> memref<1x200x128xf32, #tpu.memory_space<vmem>>
        %dma_start3A_871 = tpu.memref_squeeze %dma_start3A_870 : memref<1x200x128xf32, #tpu.memory_space<vmem>> -> memref<200x128xf32, #tpu.memory_space<vmem>>
        %dma_start3A_872 = arith.constant 0 : i32
        %dma_start3A_873 = arith.constant 0 : i32
        %dma_start3A_874 = tpu.memref_slice %arg2[%add3A_866, %dma_start3A_872, %dma_start3A_873] : memref<4096x200x128xf32, #tpu.memory_space<hbm>> -> memref<1x200x128xf32, #tpu.memory_space<hbm>>
        %dma_start3A_875 = tpu.memref_squeeze %dma_start3A_874 : memref<1x200x128xf32, #tpu.memory_space<hbm>> -> memref<200x128xf32, #tpu.memory_space<hbm>>
        %dma_start3A_876 = arith.constant 0 : i32
        %dma_start3A_877 = arith.constant 0 : i32
        %dma_start3A_878 = tpu.memref_slice %arg15[%dma_start3A_867, %dma_start3A_876, %dma_start3A_877] : memref<2x200x128xf32, #tpu.memory_space<vmem>> -> memref<1x200x128xf32, #tpu.memory_space<vmem>>
        %dma_start3A_879 = tpu.memref_squeeze %dma_start3A_878 : memref<1x200x128xf32, #tpu.memory_space<vmem>> -> memref<200x128xf32, #tpu.memory_space<vmem>>
        %dma_start3A_880 = arith.constant 0 : i32
        %dma_start3A_881 = arith.constant 0 : i32
        %dma_start3A_882 = tpu.memref_slice %arg2[%add3A_866, %dma_start3A_880, %dma_start3A_881] : memref<4096x200x128xf32, #tpu.memory_space<hbm>> -> memref<1x200x128xf32, #tpu.memory_space<hbm>>
        %dma_start3A_883 = tpu.memref_squeeze %dma_start3A_882 : memref<1x200x128xf32, #tpu.memory_space<hbm>> -> memref<200x128xf32, #tpu.memory_space<hbm>>
        tpu.enqueue_dma source(%dma_start3A_883 : memref<200x128xf32, #tpu.memory_space<hbm>>) target(%dma_start3A_879 : memref<200x128xf32, #tpu.memory_space<vmem>>) target_semaphore(%arg18 : memref<!tpu.dma_semaphore, #tpu.memory_space<semaphore_mem>>)
      } else {
      }
      %add3A_758 = arith.constant 2 : i32
      %add3A_759 = arith.addi %add3A_665, %add3A_758 : i32
      %lt3A_760 = arith.constant 128 : i32
      %lt3A_761 = arith.cmpi slt, %add3A_759, %lt3A_760 : i32
      %convert_element_type3A_762 = arith.extui %lt3A_761 : i1 to i32
      %cond3A_763 = arith.constant 0 : i32
      %cond3A_764 = arith.cmpi ne, %convert_element_type3A_762, %cond3A_763 : i32
      scf.if %cond3A_764 {
        %add3A_816 = arith.constant 2 : i32
        %add3A_817 = arith.addi %add3A_665, %add3A_816 : i32
        %add3A_818 = arith.addi %mul3A_2, %add3A_817 : i32
        %mul3A_819 = arith.constant 200 : i32
        %mul3A_820 = arith.muli %add3A_818, %mul3A_819 : i32
        %dma_start3A_821 = arith.constant 1 : i32
        %dma_start3A_822 = arith.constant 0 : i32
        %dma_start3A_823 = tpu.memref_slice %arg9[%dma_start3A_821, %dma_start3A_822] : memref<2x200xi32, #tpu.memory_space<vmem>> -> memref<1x200xi32, #tpu.memory_space<vmem>>
        %dma_start3A_824 = tpu.memref_squeeze %dma_start3A_823 : memref<1x200xi32, #tpu.memory_space<vmem>> -> memref<200xi32, #tpu.memory_space<vmem>>
        %dma_start3A_825 = tpu.memref_slice %arg3[%mul3A_820] : memref<819200xi32, #tpu.memory_space<hbm>> -> memref<200xi32, #tpu.memory_space<hbm>>
        %dma_start3A_826 = arith.constant 0 : i32
        %dma_start3A_827 = tpu.memref_slice %arg9[%dma_start3A_821, %dma_start3A_826] : memref<2x200xi32, #tpu.memory_space<vmem>> -> memref<1x200xi32, #tpu.memory_space<vmem>>
        %dma_start3A_828 = tpu.memref_squeeze %dma_start3A_827 : memref<1x200xi32, #tpu.memory_space<vmem>> -> memref<200xi32, #tpu.memory_space<vmem>>
        %dma_start3A_829 = tpu.memref_slice %arg3[%mul3A_820] : memref<819200xi32, #tpu.memory_space<hbm>> -> memref<200xi32, #tpu.memory_space<hbm>>
        tpu.enqueue_dma source(%dma_start3A_829 : memref<200xi32, #tpu.memory_space<hbm>>) target(%dma_start3A_828 : memref<200xi32, #tpu.memory_space<vmem>>) target_semaphore(%arg17 : memref<!tpu.dma_semaphore, #tpu.memory_space<semaphore_mem>>)
        %dma_start3A_830 = arith.constant 1 : i32
        %dma_start3A_831 = arith.constant 0 : i32
        %dma_start3A_832 = tpu.memref_slice %arg10[%dma_start3A_830, %dma_start3A_831] : memref<2x200xi32, #tpu.memory_space<vmem>> -> memref<1x200xi32, #tpu.memory_space<vmem>>
        %dma_start3A_833 = tpu.memref_squeeze %dma_start3A_832 : memref<1x200xi32, #tpu.memory_space<vmem>> -> memref<200xi32, #tpu.memory_space<vmem>>
        %dma_start3A_834 = tpu.memref_slice %arg4[%mul3A_820] : memref<819200xi32, #tpu.memory_space<hbm>> -> memref<200xi32, #tpu.memory_space<hbm>>
        %dma_start3A_835 = arith.constant 0 : i32
        %dma_start3A_836 = tpu.memref_slice %arg10[%dma_start3A_830, %dma_start3A_835] : memref<2x200xi32, #tpu.memory_space<vmem>> -> memref<1x200xi32, #tpu.memory_space<vmem>>
        %dma_start3A_837 = tpu.memref_squeeze %dma_start3A_836 : memref<1x200xi32, #tpu.memory_space<vmem>> -> memref<200xi32, #tpu.memory_space<vmem>>
        %dma_start3A_838 = tpu.memref_slice %arg4[%mul3A_820] : memref<819200xi32, #tpu.memory_space<hbm>> -> memref<200xi32, #tpu.memory_space<hbm>>
        tpu.enqueue_dma source(%dma_start3A_838 : memref<200xi32, #tpu.memory_space<hbm>>) target(%dma_start3A_837 : memref<200xi32, #tpu.memory_space<vmem>>) target_semaphore(%arg17 : memref<!tpu.dma_semaphore, #tpu.memory_space<semaphore_mem>>)
        %dma_start3A_839 = arith.constant 1 : i32
        %dma_start3A_840 = arith.constant 0 : i32
        %dma_start3A_841 = tpu.memref_slice %arg11[%dma_start3A_839, %dma_start3A_840] : memref<2x200xi32, #tpu.memory_space<vmem>> -> memref<1x200xi32, #tpu.memory_space<vmem>>
        %dma_start3A_842 = tpu.memref_squeeze %dma_start3A_841 : memref<1x200xi32, #tpu.memory_space<vmem>> -> memref<200xi32, #tpu.memory_space<vmem>>
        %dma_start3A_843 = tpu.memref_slice %arg5[%mul3A_820] : memref<819200xi32, #tpu.memory_space<hbm>> -> memref<200xi32, #tpu.memory_space<hbm>>
        %dma_start3A_844 = arith.constant 0 : i32
        %dma_start3A_845 = tpu.memref_slice %arg11[%dma_start3A_839, %dma_start3A_844] : memref<2x200xi32, #tpu.memory_space<vmem>> -> memref<1x200xi32, #tpu.memory_space<vmem>>
        %dma_start3A_846 = tpu.memref_squeeze %dma_start3A_845 : memref<1x200xi32, #tpu.memory_space<vmem>> -> memref<200xi32, #tpu.memory_space<vmem>>
        %dma_start3A_847 = tpu.memref_slice %arg5[%mul3A_820] : memref<819200xi32, #tpu.memory_space<hbm>> -> memref<200xi32, #tpu.memory_space<hbm>>
        tpu.enqueue_dma source(%dma_start3A_847 : memref<200xi32, #tpu.memory_space<hbm>>) target(%dma_start3A_846 : memref<200xi32, #tpu.memory_space<vmem>>) target_semaphore(%arg17 : memref<!tpu.dma_semaphore, #tpu.memory_space<semaphore_mem>>)
      } else {
      }
      %ge3A_765 = arith.constant 2 : i32
      %ge3A_766 = arith.cmpi sge, %add3A_665, %ge3A_765 : i32
      %convert_element_type3A_767 = arith.extui %ge3A_766 : i1 to i32
      %cond3A_768 = arith.constant 0 : i32
      %cond3A_769 = arith.cmpi ne, %convert_element_type3A_767, %cond3A_768 : i32
      scf.if %cond3A_769 {
        %dma_wait3A_816 = arith.constant 1 : i32
        %dma_wait3A_817 = arith.constant 0 : i32
        %dma_wait3A_818 = arith.constant 0 : i32
        %dma_wait3A_819 = tpu.memref_slice %arg15[%dma_wait3A_816, %dma_wait3A_817, %dma_wait3A_818] : memref<2x200x128xf32, #tpu.memory_space<vmem>> -> memref<1x200x128xf32, #tpu.memory_space<vmem>>
        %dma_wait3A_820 = tpu.memref_squeeze %dma_wait3A_819 : memref<1x200x128xf32, #tpu.memory_space<vmem>> -> memref<200x128xf32, #tpu.memory_space<vmem>>
        %dma_wait3A_821 = arith.constant 0 : i32
        %dma_wait3A_822 = arith.constant 0 : i32
        %dma_wait3A_823 = tpu.memref_slice %arg8[%dma_wait3A_821, %dma_wait3A_822] : memref<819200x216xf32, #tpu.memory_space<hbm>> -> memref<200x216xf32, #tpu.memory_space<hbm>>
        %dma_wait3A_824 = arith.constant 0 : i32
        %dma_wait3A_825 = arith.constant 0 : i32
        %dma_wait3A_826 = tpu.memref_slice %dma_wait3A_823[%dma_wait3A_824, %dma_wait3A_825] : memref<200x216xf32, #tpu.memory_space<hbm>> -> memref<200x128xf32, #tpu.memory_space<hbm>>
        %dma_wait3A_827 = arith.constant 0 : i32
        %dma_wait3A_828 = arith.constant 0 : i32
        %dma_wait3A_829 = tpu.memref_slice %arg8[%dma_wait3A_827, %dma_wait3A_828] : memref<819200x216xf32, #tpu.memory_space<hbm>> -> memref<200x216xf32, #tpu.memory_space<hbm>>
        %dma_wait3A_830 = arith.constant 0 : i32
        %dma_wait3A_831 = arith.constant 0 : i32
        %dma_wait3A_832 = tpu.memref_slice %dma_wait3A_829[%dma_wait3A_830, %dma_wait3A_831] : memref<200x216xf32, #tpu.memory_space<hbm>> -> memref<200x128xf32, #tpu.memory_space<hbm>>
        %dma_wait3A_833 = arith.constant 0 : i32
        %dma_wait3A_834 = arith.constant 0 : i32
        %dma_wait3A_835 = tpu.memref_slice %arg15[%dma_wait3A_816, %dma_wait3A_833, %dma_wait3A_834] : memref<2x200x128xf32, #tpu.memory_space<vmem>> -> memref<1x200x128xf32, #tpu.memory_space<vmem>>
        %dma_wait3A_836 = tpu.memref_squeeze %dma_wait3A_835 : memref<1x200x128xf32, #tpu.memory_space<vmem>> -> memref<200x128xf32, #tpu.memory_space<vmem>>
        tpu.wait_dma2 semaphore(%arg21 : memref<!tpu.dma_semaphore, #tpu.memory_space<semaphore_mem>>) src(%dma_wait3A_836 : memref<200x128xf32, #tpu.memory_space<vmem>>) dst(%dma_wait3A_832 : memref<200x128xf32, #tpu.memory_space<hbm>>)
        %dma_wait3A_837 = arith.constant 1 : i32
        %dma_wait3A_838 = arith.constant 0 : i32
        %dma_wait3A_839 = arith.constant 0 : i32
        %dma_wait3A_840 = tpu.memref_slice %arg14[%dma_wait3A_837, %dma_wait3A_838, %dma_wait3A_839] : memref<2x200x88xf32, #tpu.memory_space<vmem>> -> memref<1x200x88xf32, #tpu.memory_space<vmem>>
        %dma_wait3A_841 = tpu.memref_squeeze %dma_wait3A_840 : memref<1x200x88xf32, #tpu.memory_space<vmem>> -> memref<200x88xf32, #tpu.memory_space<vmem>>
        %dma_wait3A_842 = arith.constant 0 : i32
        %dma_wait3A_843 = arith.constant 0 : i32
        %dma_wait3A_844 = tpu.memref_slice %arg8[%dma_wait3A_842, %dma_wait3A_843] : memref<819200x216xf32, #tpu.memory_space<hbm>> -> memref<200x216xf32, #tpu.memory_space<hbm>>
        %dma_wait3A_845 = arith.constant 0 : i32
        %dma_wait3A_846 = arith.constant 128 : i32
        %dma_wait3A_847 = tpu.memref_slice %dma_wait3A_844[%dma_wait3A_845, %dma_wait3A_846] : memref<200x216xf32, #tpu.memory_space<hbm>> -> memref<200x88xf32, #tpu.memory_space<hbm>>
        %dma_wait3A_848 = arith.constant 0 : i32
        %dma_wait3A_849 = arith.constant 0 : i32
        %dma_wait3A_850 = tpu.memref_slice %arg8[%dma_wait3A_848, %dma_wait3A_849] : memref<819200x216xf32, #tpu.memory_space<hbm>> -> memref<200x216xf32, #tpu.memory_space<hbm>>
        %dma_wait3A_851 = arith.constant 0 : i32
        %dma_wait3A_852 = arith.constant 128 : i32
        %dma_wait3A_853 = tpu.memref_slice %dma_wait3A_850[%dma_wait3A_851, %dma_wait3A_852] : memref<200x216xf32, #tpu.memory_space<hbm>> -> memref<200x88xf32, #tpu.memory_space<hbm>>
        %dma_wait3A_854 = arith.constant 0 : i32
        %dma_wait3A_855 = arith.constant 0 : i32
        %dma_wait3A_856 = tpu.memref_slice %arg14[%dma_wait3A_837, %dma_wait3A_854, %dma_wait3A_855] : memref<2x200x88xf32, #tpu.memory_space<vmem>> -> memref<1x200x88xf32, #tpu.memory_space<vmem>>
        %dma_wait3A_857 = tpu.memref_squeeze %dma_wait3A_856 : memref<1x200x88xf32, #tpu.memory_space<vmem>> -> memref<200x88xf32, #tpu.memory_space<vmem>>
        tpu.wait_dma2 semaphore(%arg21 : memref<!tpu.dma_semaphore, #tpu.memory_space<semaphore_mem>>) src(%dma_wait3A_857 : memref<200x88xf32, #tpu.memory_space<vmem>>) dst(%dma_wait3A_853 : memref<200x88xf32, #tpu.memory_space<hbm>>)
      } else {
      }
      %scan3A_770 = arith.constant 0 : i32
      %scan3A_771 = arith.constant 200 : i32
      %scan3A_772 = arith.addi %scan3A_770, %scan3A_771 : i32
      %scan3A_773 = arith.constant 8 : i32
      scf.for %scan3A_816 = %scan3A_770 to %scan3A_772 step %scan3A_773  : i32 {
        %mul3A_817 = arith.constant 1 : i32
        %mul3A_818 = arith.muli %scan3A_816, %mul3A_817 : i32
        %add3A_819 = arith.constant 0 : i32
        %add3A_820 = arith.addi %add3A_819, %mul3A_818 : i32
        %get3A_821 = arith.constant 1 : i32
        %get3A_822 = arith.index_cast %get3A_821 : i32 to index
        %get3A_823 = arith.index_cast %add3A_820 : i32 to index
        %get3A_824 = arith.constant 0 : index
        %get3A_825 = tpu.vector_load %arg13[%get3A_822, %get3A_823, %get3A_824] {strides = array<i32>} : memref<2x200x24xf32, #tpu.memory_space<vmem>>, vector<1x1x16xf32>,
        %get3A_826 = vector.shape_cast %get3A_825 : vector<1x1x16xf32> to vector<16xf32>
        %swap3A_827 = arith.constant 1 : i32
        %swap3A_828 = arith.index_cast %swap3A_827 : i32 to index
        %swap3A_829 = arith.index_cast %add3A_820 : i32 to index
        %swap3A_830 = arith.constant 0 : index
        %swap3A_831 = tpu.vector_load %arg14[%swap3A_828, %swap3A_829, %swap3A_830] {strides = array<i32>} : memref<2x200x88xf32, #tpu.memory_space<vmem>>, vector<1x1x16xf32>,
        %swap3A_832 = vector.shape_cast %swap3A_831 : vector<1x1x16xf32> to vector<16xf32>
        %swap3A_833 = vector.shape_cast %get3A_826 : vector<16xf32> to vector<1x1x16xf32>
        tpu.vector_store %arg14[%swap3A_828, %swap3A_829, %swap3A_830], %swap3A_833 {strides = array<i32>} : memref<2x200x88xf32, #tpu.memory_space<vmem>>, vector<1x1x16xf32>,
        %get3A_834 = arith.constant 1 : i32
        %get3A_835 = arith.index_cast %get3A_834 : i32 to index
        %get3A_836 = arith.index_cast %add3A_820 : i32 to index
        %get3A_837 = arith.constant 8 : index
        %get3A_838 = tpu.vector_load %arg13[%get3A_835, %get3A_836, %get3A_837] {strides = array<i32>} : memref<2x200x24xf32, #tpu.memory_space<vmem>>, vector<1x1x16xf32>,
        %get3A_839 = vector.shape_cast %get3A_838 : vector<1x1x16xf32> to vector<16xf32>
        %swap3A_840 = arith.constant 1 : i32
        %swap3A_841 = arith.index_cast %swap3A_840 : i32 to index
        %swap3A_842 = arith.index_cast %add3A_820 : i32 to index
        %swap3A_843 = arith.constant 8 : index
        %swap3A_844 = tpu.vector_load %arg14[%swap3A_841, %swap3A_842, %swap3A_843] {strides = array<i32>} : memref<2x200x88xf32, #tpu.memory_space<vmem>>, vector<1x1x16xf32>,
        %swap3A_845 = vector.shape_cast %swap3A_844 : vector<1x1x16xf32> to vector<16xf32>
        %swap3A_846 = vector.shape_cast %get3A_839 : vector<16xf32> to vector<1x1x16xf32>
        tpu.vector_store %arg14[%swap3A_841, %swap3A_842, %swap3A_843], %swap3A_846 {strides = array<i32>} : memref<2x200x88xf32, #tpu.memory_space<vmem>>, vector<1x1x16xf32>,
        %scan3A_847 = arith.constant 1 : i32
        %scan3A_848 = arith.addi %scan3A_816, %scan3A_847 : i32
        %mul3A_849 = arith.constant 1 : i32
        %mul3A_850 = arith.muli %scan3A_848, %mul3A_849 : i32
        %add3A_851 = arith.constant 0 : i32
        %add3A_852 = arith.addi %add3A_851, %mul3A_850 : i32
        %get3A_853 = arith.constant 1 : i32
        %get3A_854 = arith.index_cast %get3A_853 : i32 to index
        %get3A_855 = arith.index_cast %add3A_852 : i32 to index
        %get3A_856 = arith.constant 0 : index
        %get3A_857 = tpu.vector_load %arg13[%get3A_854, %get3A_855, %get3A_856] {strides = array<i32>} : memref<2x200x24xf32, #tpu.memory_space<vmem>>, vector<1x1x16xf32>,
        %get3A_858 = vector.shape_cast %get3A_857 : vector<1x1x16xf32> to vector<16xf32>
        %swap3A_859 = arith.constant 1 : i32
        %swap3A_860 = arith.index_cast %swap3A_859 : i32 to index
        %swap3A_861 = arith.index_cast %add3A_852 : i32 to index
        %swap3A_862 = arith.constant 0 : index
        %swap3A_863 = tpu.vector_load %arg14[%swap3A_860, %swap3A_861, %swap3A_862] {strides = array<i32>} : memref<2x200x88xf32, #tpu.memory_space<vmem>>, vector<1x1x16xf32>,
        %swap3A_864 = vector.shape_cast %swap3A_863 : vector<1x1x16xf32> to vector<16xf32>
        %swap3A_865 = vector.shape_cast %get3A_858 : vector<16xf32> to vector<1x1x16xf32>
        tpu.vector_store %arg14[%swap3A_860, %swap3A_861, %swap3A_862], %swap3A_865 {strides = array<i32>} : memref<2x200x88xf32, #tpu.memory_space<vmem>>, vector<1x1x16xf32>,
        %get3A_866 = arith.constant 1 : i32
        %get3A_867 = arith.index_cast %get3A_866 : i32 to index
        %get3A_868 = arith.index_cast %add3A_852 : i32 to index
        %get3A_869 = arith.constant 8 : index
        %get3A_870 = tpu.vector_load %arg13[%get3A_867, %get3A_868, %get3A_869] {strides = array<i32>} : memref<2x200x24xf32, #tpu.memory_space<vmem>>, vector<1x1x16xf32>,
        %get3A_871 = vector.shape_cast %get3A_870 : vector<1x1x16xf32> to vector<16xf32>
        %swap3A_872 = arith.constant 1 : i32
        %swap3A_873 = arith.index_cast %swap3A_872 : i32 to index
        %swap3A_874 = arith.index_cast %add3A_852 : i32 to index
        %swap3A_875 = arith.constant 8 : index
        %swap3A_876 = tpu.vector_load %arg14[%swap3A_873, %swap3A_874, %swap3A_875] {strides = array<i32>} : memref<2x200x88xf32, #tpu.memory_space<vmem>>, vector<1x1x16xf32>,
        %swap3A_877 = vector.shape_cast %swap3A_876 : vector<1x1x16xf32> to vector<16xf32>
        %swap3A_878 = vector.shape_cast %get3A_871 : vector<16xf32> to vector<1x1x16xf32>
        tpu.vector_store %arg14[%swap3A_873, %swap3A_874, %swap3A_875], %swap3A_878 {strides = array<i32>} : memref<2x200x88xf32, #tpu.memory_space<vmem>>, vector<1x1x16xf32>,
        %scan3A_879 = arith.constant 2 : i32
        %scan3A_880 = arith.addi %scan3A_816, %scan3A_879 : i32
        %mul3A_881 = arith.constant 1 : i32
        %mul3A_882 = arith.muli %scan3A_880, %mul3A_881 : i32
        %add3A_883 = arith.constant 0 : i32
        %add3A_884 = arith.addi %add3A_883, %mul3A_882 : i32
        %get3A_885 = arith.constant 1 : i32
        %get3A_886 = arith.index_cast %get3A_885 : i32 to index
        %get3A_887 = arith.index_cast %add3A_884 : i32 to index
        %get3A_888 = arith.constant 0 : index
        %get3A_889 = tpu.vector_load %arg13[%get3A_886, %get3A_887, %get3A_888] {strides = array<i32>} : memref<2x200x24xf32, #tpu.memory_space<vmem>>, vector<1x1x16xf32>,
        %get3A_890 = vector.shape_cast %get3A_889 : vector<1x1x16xf32> to vector<16xf32>
        %swap3A_891 = arith.constant 1 : i32
        %swap3A_892 = arith.index_cast %swap3A_891 : i32 to index
        %swap3A_893 = arith.index_cast %add3A_884 : i32 to index
        %swap3A_894 = arith.constant 0 : index
        %swap3A_895 = tpu.vector_load %arg14[%swap3A_892, %swap3A_893, %swap3A_894] {strides = array<i32>} : memref<2x200x88xf32, #tpu.memory_space<vmem>>, vector<1x1x16xf32>,
        %swap3A_896 = vector.shape_cast %swap3A_895 : vector<1x1x16xf32> to vector<16xf32>
        %swap3A_897 = vector.shape_cast %get3A_890 : vector<16xf32> to vector<1x1x16xf32>
        tpu.vector_store %arg14[%swap3A_892, %swap3A_893, %swap3A_894], %swap3A_897 {strides = array<i32>} : memref<2x200x88xf32, #tpu.memory_space<vmem>>, vector<1x1x16xf32>,
        %get3A_898 = arith.constant 1 : i32
        %get3A_899 = arith.index_cast %get3A_898 : i32 to index
        %get3A_900 = arith.index_cast %add3A_884 : i32 to index
        %get3A_901 = arith.constant 8 : index
        %get3A_902 = tpu.vector_load %arg13[%get3A_899, %get3A_900, %get3A_901] {strides = array<i32>} : memref<2x200x24xf32, #tpu.memory_space<vmem>>, vector<1x1x16xf32>,
        %get3A_903 = vector.shape_cast %get3A_902 : vector<1x1x16xf32> to vector<16xf32>
        %swap3A_904 = arith.constant 1 : i32
        %swap3A_905 = arith.index_cast %swap3A_904 : i32 to index
        %swap3A_906 = arith.index_cast %add3A_884 : i32 to index
        %swap3A_907 = arith.constant 8 : index
        %swap3A_908 = tpu.vector_load %arg14[%swap3A_905, %swap3A_906, %swap3A_907] {strides = array<i32>} : memref<2x200x88xf32, #tpu.memory_space<vmem>>, vector<1x1x16xf32>,
        %swap3A_909 = vector.shape_cast %swap3A_908 : vector<1x1x16xf32> to vector<16xf32>
        %swap3A_910 = vector.shape_cast %get3A_903 : vector<16xf32> to vector<1x1x16xf32>
        tpu.vector_store %arg14[%swap3A_905, %swap3A_906, %swap3A_907], %swap3A_910 {strides = array<i32>} : memref<2x200x88xf32, #tpu.memory_space<vmem>>, vector<1x1x16xf32>,
        %scan3A_911 = arith.constant 3 : i32
        %scan3A_912 = arith.addi %scan3A_816, %scan3A_911 : i32
        %mul3A_913 = arith.constant 1 : i32
        %mul3A_914 = arith.muli %scan3A_912, %mul3A_913 : i32
        %add3A_915 = arith.constant 0 : i32
        %add3A_916 = arith.addi %add3A_915, %mul3A_914 : i32
        %get3A_917 = arith.constant 1 : i32
        %get3A_918 = arith.index_cast %get3A_917 : i32 to index
        %get3A_919 = arith.index_cast %add3A_916 : i32 to index
        %get3A_920 = arith.constant 0 : index
        %get3A_921 = tpu.vector_load %arg13[%get3A_918, %get3A_919, %get3A_920] {strides = array<i32>} : memref<2x200x24xf32, #tpu.memory_space<vmem>>, vector<1x1x16xf32>,
        %get3A_922 = vector.shape_cast %get3A_921 : vector<1x1x16xf32> to vector<16xf32>
        %swap3A_923 = arith.constant 1 : i32
        %swap3A_924 = arith.index_cast %swap3A_923 : i32 to index
        %swap3A_925 = arith.index_cast %add3A_916 : i32 to index
        %swap3A_926 = arith.constant 0 : index
        %swap3A_927 = tpu.vector_load %arg14[%swap3A_924, %swap3A_925, %swap3A_926] {strides = array<i32>} : memref<2x200x88xf32, #tpu.memory_space<vmem>>, vector<1x1x16xf32>,
        %swap3A_928 = vector.shape_cast %swap3A_927 : vector<1x1x16xf32> to vector<16xf32>
        %swap3A_929 = vector.shape_cast %get3A_922 : vector<16xf32> to vector<1x1x16xf32>
        tpu.vector_store %arg14[%swap3A_924, %swap3A_925, %swap3A_926], %swap3A_929 {strides = array<i32>} : memref<2x200x88xf32, #tpu.memory_space<vmem>>, vector<1x1x16xf32>,
        %get3A_930 = arith.constant 1 : i32
        %get3A_931 = arith.index_cast %get3A_930 : i32 to index
        %get3A_932 = arith.index_cast %add3A_916 : i32 to index
        %get3A_933 = arith.constant 8 : index
        %get3A_934 = tpu.vector_load %arg13[%get3A_931, %get3A_932, %get3A_933] {strides = array<i32>} : memref<2x200x24xf32, #tpu.memory_space<vmem>>, vector<1x1x16xf32>,
        %get3A_935 = vector.shape_cast %get3A_934 : vector<1x1x16xf32> to vector<16xf32>
        %swap3A_936 = arith.constant 1 : i32
        %swap3A_937 = arith.index_cast %swap3A_936 : i32 to index
        %swap3A_938 = arith.index_cast %add3A_916 : i32 to index
        %swap3A_939 = arith.constant 8 : index
        %swap3A_940 = tpu.vector_load %arg14[%swap3A_937, %swap3A_938, %swap3A_939] {strides = array<i32>} : memref<2x200x88xf32, #tpu.memory_space<vmem>>, vector<1x1x16xf32>,
        %swap3A_941 = vector.shape_cast %swap3A_940 : vector<1x1x16xf32> to vector<16xf32>
        %swap3A_942 = vector.shape_cast %get3A_935 : vector<16xf32> to vector<1x1x16xf32>
        tpu.vector_store %arg14[%swap3A_937, %swap3A_938, %swap3A_939], %swap3A_942 {strides = array<i32>} : memref<2x200x88xf32, #tpu.memory_space<vmem>>, vector<1x1x16xf32>,
        %scan3A_943 = arith.constant 4 : i32
        %scan3A_944 = arith.addi %scan3A_816, %scan3A_943 : i32
        %mul3A_945 = arith.constant 1 : i32
        %mul3A_946 = arith.muli %scan3A_944, %mul3A_945 : i32
        %add3A_947 = arith.constant 0 : i32
        %add3A_948 = arith.addi %add3A_947, %mul3A_946 : i32
        %get3A_949 = arith.constant 1 : i32
        %get3A_950 = arith.index_cast %get3A_949 : i32 to index
        %get3A_951 = arith.index_cast %add3A_948 : i32 to index
        %get3A_952 = arith.constant 0 : index
        %get3A_953 = tpu.vector_load %arg13[%get3A_950, %get3A_951, %get3A_952] {strides = array<i32>} : memref<2x200x24xf32, #tpu.memory_space<vmem>>, vector<1x1x16xf32>,
        %get3A_954 = vector.shape_cast %get3A_953 : vector<1x1x16xf32> to vector<16xf32>
        %swap3A_955 = arith.constant 1 : i32
        %swap3A_956 = arith.index_cast %swap3A_955 : i32 to index
        %swap3A_957 = arith.index_cast %add3A_948 : i32 to index
        %swap3A_958 = arith.constant 0 : index
        %swap3A_959 = tpu.vector_load %arg14[%swap3A_956, %swap3A_957, %swap3A_958] {strides = array<i32>} : memref<2x200x88xf32, #tpu.memory_space<vmem>>, vector<1x1x16xf32>,
        %swap3A_960 = vector.shape_cast %swap3A_959 : vector<1x1x16xf32> to vector<16xf32>
        %swap3A_961 = vector.shape_cast %get3A_954 : vector<16xf32> to vector<1x1x16xf32>
        tpu.vector_store %arg14[%swap3A_956, %swap3A_957, %swap3A_958], %swap3A_961 {strides = array<i32>} : memref<2x200x88xf32, #tpu.memory_space<vmem>>, vector<1x1x16xf32>,
        %get3A_962 = arith.constant 1 : i32
        %get3A_963 = arith.index_cast %get3A_962 : i32 to index
        %get3A_964 = arith.index_cast %add3A_948 : i32 to index
        %get3A_965 = arith.constant 8 : index
        %get3A_966 = tpu.vector_load %arg13[%get3A_963, %get3A_964, %get3A_965] {strides = array<i32>} : memref<2x200x24xf32, #tpu.memory_space<vmem>>, vector<1x1x16xf32>,
        %get3A_967 = vector.shape_cast %get3A_966 : vector<1x1x16xf32> to vector<16xf32>
        %swap3A_968 = arith.constant 1 : i32
        %swap3A_969 = arith.index_cast %swap3A_968 : i32 to index
        %swap3A_970 = arith.index_cast %add3A_948 : i32 to index
        %swap3A_971 = arith.constant 8 : index
        %swap3A_972 = tpu.vector_load %arg14[%swap3A_969, %swap3A_970, %swap3A_971] {strides = array<i32>} : memref<2x200x88xf32, #tpu.memory_space<vmem>>, vector<1x1x16xf32>,
        %swap3A_973 = vector.shape_cast %swap3A_972 : vector<1x1x16xf32> to vector<16xf32>
        %swap3A_974 = vector.shape_cast %get3A_967 : vector<16xf32> to vector<1x1x16xf32>
        tpu.vector_store %arg14[%swap3A_969, %swap3A_970, %swap3A_971], %swap3A_974 {strides = array<i32>} : memref<2x200x88xf32, #tpu.memory_space<vmem>>, vector<1x1x16xf32>,
        %scan3A_975 = arith.constant 5 : i32
        %scan3A_976 = arith.addi %scan3A_816, %scan3A_975 : i32
        %mul3A_977 = arith.constant 1 : i32
        %mul3A_978 = arith.muli %scan3A_976, %mul3A_977 : i32
        %add3A_979 = arith.constant 0 : i32
        %add3A_980 = arith.addi %add3A_979, %mul3A_978 : i32
        %get3A_981 = arith.constant 1 : i32
        %get3A_982 = arith.index_cast %get3A_981 : i32 to index
        %get3A_983 = arith.index_cast %add3A_980 : i32 to index
        %get3A_984 = arith.constant 0 : index
        %get3A_985 = tpu.vector_load %arg13[%get3A_982, %get3A_983, %get3A_984] {strides = array<i32>} : memref<2x200x24xf32, #tpu.memory_space<vmem>>, vector<1x1x16xf32>,
        %get3A_986 = vector.shape_cast %get3A_985 : vector<1x1x16xf32> to vector<16xf32>
        %swap3A_987 = arith.constant 1 : i32
        %swap3A_988 = arith.index_cast %swap3A_987 : i32 to index
        %swap3A_989 = arith.index_cast %add3A_980 : i32 to index
        %swap3A_990 = arith.constant 0 : index
        %swap3A_991 = tpu.vector_load %arg14[%swap3A_988, %swap3A_989, %swap3A_990] {strides = array<i32>} : memref<2x200x88xf32, #tpu.memory_space<vmem>>, vector<1x1x16xf32>,
        %swap3A_992 = vector.shape_cast %swap3A_991 : vector<1x1x16xf32> to vector<16xf32>
        %swap3A_993 = vector.shape_cast %get3A_986 : vector<16xf32> to vector<1x1x16xf32>
        tpu.vector_store %arg14[%swap3A_988, %swap3A_989, %swap3A_990], %swap3A_993 {strides = array<i32>} : memref<2x200x88xf32, #tpu.memory_space<vmem>>, vector<1x1x16xf32>,
        %get3A_994 = arith.constant 1 : i32
        %get3A_995 = arith.index_cast %get3A_994 : i32 to index
        %get3A_996 = arith.index_cast %add3A_980 : i32 to index
        %get3A_997 = arith.constant 8 : index
        %get3A_998 = tpu.vector_load %arg13[%get3A_995, %get3A_996, %get3A_997] {strides = array<i32>} : memref<2x200x24xf32, #tpu.memory_space<vmem>>, vector<1x1x16xf32>,
        %get3A_999 = vector.shape_cast %get3A_998 : vector<1x1x16xf32> to vector<16xf32>
        %swap3A_1000 = arith.constant 1 : i32
        %swap3A_1001 = arith.index_cast %swap3A_1000 : i32 to index
        %swap3A_1002 = arith.index_cast %add3A_980 : i32 to index
        %swap3A_1003 = arith.constant 8 : index
        %swap3A_1004 = tpu.vector_load %arg14[%swap3A_1001, %swap3A_1002, %swap3A_1003] {strides = array<i32>} : memref<2x200x88xf32, #tpu.memory_space<vmem>>, vector<1x1x16xf32>,
        %swap3A_1005 = vector.shape_cast %swap3A_1004 : vector<1x1x16xf32> to vector<16xf32>
        %swap3A_1006 = vector.shape_cast %get3A_999 : vector<16xf32> to vector<1x1x16xf32>
        tpu.vector_store %arg14[%swap3A_1001, %swap3A_1002, %swap3A_1003], %swap3A_1006 {strides = array<i32>} : memref<2x200x88xf32, #tpu.memory_space<vmem>>, vector<1x1x16xf32>,
        %scan3A_1007 = arith.constant 6 : i32
        %scan3A_1008 = arith.addi %scan3A_816, %scan3A_1007 : i32
        %mul3A_1009 = arith.constant 1 : i32
        %mul3A_1010 = arith.muli %scan3A_1008, %mul3A_1009 : i32
        %add3A_1011 = arith.constant 0 : i32
        %add3A_1012 = arith.addi %add3A_1011, %mul3A_1010 : i32
        %get3A_1013 = arith.constant 1 : i32
        %get3A_1014 = arith.index_cast %get3A_1013 : i32 to index
        %get3A_1015 = arith.index_cast %add3A_1012 : i32 to index
        %get3A_1016 = arith.constant 0 : index
        %get3A_1017 = tpu.vector_load %arg13[%get3A_1014, %get3A_1015, %get3A_1016] {strides = array<i32>} : memref<2x200x24xf32, #tpu.memory_space<vmem>>, vector<1x1x16xf32>,
        %get3A_1018 = vector.shape_cast %get3A_1017 : vector<1x1x16xf32> to vector<16xf32>
        %swap3A_1019 = arith.constant 1 : i32
        %swap3A_1020 = arith.index_cast %swap3A_1019 : i32 to index
        %swap3A_1021 = arith.index_cast %add3A_1012 : i32 to index
        %swap3A_1022 = arith.constant 0 : index
        %swap3A_1023 = tpu.vector_load %arg14[%swap3A_1020, %swap3A_1021, %swap3A_1022] {strides = array<i32>} : memref<2x200x88xf32, #tpu.memory_space<vmem>>, vector<1x1x16xf32>,
        %swap3A_1024 = vector.shape_cast %swap3A_1023 : vector<1x1x16xf32> to vector<16xf32>
        %swap3A_1025 = vector.shape_cast %get3A_1018 : vector<16xf32> to vector<1x1x16xf32>
        tpu.vector_store %arg14[%swap3A_1020, %swap3A_1021, %swap3A_1022], %swap3A_1025 {strides = array<i32>} : memref<2x200x88xf32, #tpu.memory_space<vmem>>, vector<1x1x16xf32>,
        %get3A_1026 = arith.constant 1 : i32
        %get3A_1027 = arith.index_cast %get3A_1026 : i32 to index
        %get3A_1028 = arith.index_cast %add3A_1012 : i32 to index
        %get3A_1029 = arith.constant 8 : index
        %get3A_1030 = tpu.vector_load %arg13[%get3A_1027, %get3A_1028, %get3A_1029] {strides = array<i32>} : memref<2x200x24xf32, #tpu.memory_space<vmem>>, vector<1x1x16xf32>,
        %get3A_1031 = vector.shape_cast %get3A_1030 : vector<1x1x16xf32> to vector<16xf32>
        %swap3A_1032 = arith.constant 1 : i32
        %swap3A_1033 = arith.index_cast %swap3A_1032 : i32 to index
        %swap3A_1034 = arith.index_cast %add3A_1012 : i32 to index
        %swap3A_1035 = arith.constant 8 : index
        %swap3A_1036 = tpu.vector_load %arg14[%swap3A_1033, %swap3A_1034, %swap3A_1035] {strides = array<i32>} : memref<2x200x88xf32, #tpu.memory_space<vmem>>, vector<1x1x16xf32>,
        %swap3A_1037 = vector.shape_cast %swap3A_1036 : vector<1x1x16xf32> to vector<16xf32>
        %swap3A_1038 = vector.shape_cast %get3A_1031 : vector<16xf32> to vector<1x1x16xf32>
        tpu.vector_store %arg14[%swap3A_1033, %swap3A_1034, %swap3A_1035], %swap3A_1038 {strides = array<i32>} : memref<2x200x88xf32, #tpu.memory_space<vmem>>, vector<1x1x16xf32>,
        %scan3A_1039 = arith.constant 7 : i32
        %scan3A_1040 = arith.addi %scan3A_816, %scan3A_1039 : i32
        %mul3A_1041 = arith.constant 1 : i32
        %mul3A_1042 = arith.muli %scan3A_1040, %mul3A_1041 : i32
        %add3A_1043 = arith.constant 0 : i32
        %add3A_1044 = arith.addi %add3A_1043, %mul3A_1042 : i32
        %get3A_1045 = arith.constant 1 : i32
        %get3A_1046 = arith.index_cast %get3A_1045 : i32 to index
        %get3A_1047 = arith.index_cast %add3A_1044 : i32 to index
        %get3A_1048 = arith.constant 0 : index
        %get3A_1049 = tpu.vector_load %arg13[%get3A_1046, %get3A_1047, %get3A_1048] {strides = array<i32>} : memref<2x200x24xf32, #tpu.memory_space<vmem>>, vector<1x1x16xf32>,
        %get3A_1050 = vector.shape_cast %get3A_1049 : vector<1x1x16xf32> to vector<16xf32>
        %swap3A_1051 = arith.constant 1 : i32
        %swap3A_1052 = arith.index_cast %swap3A_1051 : i32 to index
        %swap3A_1053 = arith.index_cast %add3A_1044 : i32 to index
        %swap3A_1054 = arith.constant 0 : index
        %swap3A_1055 = tpu.vector_load %arg14[%swap3A_1052, %swap3A_1053, %swap3A_1054] {strides = array<i32>} : memref<2x200x88xf32, #tpu.memory_space<vmem>>, vector<1x1x16xf32>,
        %swap3A_1056 = vector.shape_cast %swap3A_1055 : vector<1x1x16xf32> to vector<16xf32>
        %swap3A_1057 = vector.shape_cast %get3A_1050 : vector<16xf32> to vector<1x1x16xf32>
        tpu.vector_store %arg14[%swap3A_1052, %swap3A_1053, %swap3A_1054], %swap3A_1057 {strides = array<i32>} : memref<2x200x88xf32, #tpu.memory_space<vmem>>, vector<1x1x16xf32>,
        %get3A_1058 = arith.constant 1 : i32
        %get3A_1059 = arith.index_cast %get3A_1058 : i32 to index
        %get3A_1060 = arith.index_cast %add3A_1044 : i32 to index
        %get3A_1061 = arith.constant 8 : index
        %get3A_1062 = tpu.vector_load %arg13[%get3A_1059, %get3A_1060, %get3A_1061] {strides = array<i32>} : memref<2x200x24xf32, #tpu.memory_space<vmem>>, vector<1x1x16xf32>,
        %get3A_1063 = vector.shape_cast %get3A_1062 : vector<1x1x16xf32> to vector<16xf32>
        %swap3A_1064 = arith.constant 1 : i32
        %swap3A_1065 = arith.index_cast %swap3A_1064 : i32 to index
        %swap3A_1066 = arith.index_cast %add3A_1044 : i32 to index
        %swap3A_1067 = arith.constant 8 : index
        %swap3A_1068 = tpu.vector_load %arg14[%swap3A_1065, %swap3A_1066, %swap3A_1067] {strides = array<i32>} : memref<2x200x88xf32, #tpu.memory_space<vmem>>, vector<1x1x16xf32>,
        %swap3A_1069 = vector.shape_cast %swap3A_1068 : vector<1x1x16xf32> to vector<16xf32>
        %swap3A_1070 = vector.shape_cast %get3A_1063 : vector<16xf32> to vector<1x1x16xf32>
        tpu.vector_store %arg14[%swap3A_1065, %swap3A_1066, %swap3A_1067], %swap3A_1070 {strides = array<i32>} : memref<2x200x88xf32, #tpu.memory_space<vmem>>, vector<1x1x16xf32>,
      }
      %scan3A_774 = arith.constant 200 : i32
      %add3A_775 = arith.addi %mul3A_2, %add3A_665 : i32
      %mul3A_776 = arith.constant 200 : i32
      %mul3A_777 = arith.muli %add3A_775, %mul3A_776 : i32
      %dma_start3A_778 = arith.constant 1 : i32
      %dma_start3A_779 = arith.constant 0 : i32
      %dma_start3A_780 = arith.constant 0 : i32
      %dma_start3A_781 = tpu.memref_slice %arg15[%dma_start3A_778, %dma_start3A_779, %dma_start3A_780] : memref<2x200x128xf32, #tpu.memory_space<vmem>> -> memref<1x200x128xf32, #tpu.memory_space<vmem>>
      %dma_start3A_782 = tpu.memref_squeeze %dma_start3A_781 : memref<1x200x128xf32, #tpu.memory_space<vmem>> -> memref<200x128xf32, #tpu.memory_space<vmem>>
      %dma_start3A_783 = arith.constant 0 : i32
      %dma_start3A_784 = tpu.memref_slice %arg8[%mul3A_777, %dma_start3A_783] : memref<819200x216xf32, #tpu.memory_space<hbm>> -> memref<200x216xf32, #tpu.memory_space<hbm>>
      %dma_start3A_785 = arith.constant 0 : i32
      %dma_start3A_786 = arith.constant 0 : i32
      %dma_start3A_787 = tpu.memref_slice %dma_start3A_784[%dma_start3A_785, %dma_start3A_786] : memref<200x216xf32, #tpu.memory_space<hbm>> -> memref<200x128xf32, #tpu.memory_space<hbm>>
      %dma_start3A_788 = arith.constant 0 : i32
      %dma_start3A_789 = tpu.memref_slice %arg8[%mul3A_777, %dma_start3A_788] : memref<819200x216xf32, #tpu.memory_space<hbm>> -> memref<200x216xf32, #tpu.memory_space<hbm>>
      %dma_start3A_790 = arith.constant 0 : i32
      %dma_start3A_791 = arith.constant 0 : i32
      %dma_start3A_792 = tpu.memref_slice %dma_start3A_789[%dma_start3A_790, %dma_start3A_791] : memref<200x216xf32, #tpu.memory_space<hbm>> -> memref<200x128xf32, #tpu.memory_space<hbm>>
      %dma_start3A_793 = arith.constant 0 : i32
      %dma_start3A_794 = arith.constant 0 : i32
      %dma_start3A_795 = tpu.memref_slice %arg15[%dma_start3A_778, %dma_start3A_793, %dma_start3A_794] : memref<2x200x128xf32, #tpu.memory_space<vmem>> -> memref<1x200x128xf32, #tpu.memory_space<vmem>>
      %dma_start3A_796 = tpu.memref_squeeze %dma_start3A_795 : memref<1x200x128xf32, #tpu.memory_space<vmem>> -> memref<200x128xf32, #tpu.memory_space<vmem>>
      tpu.enqueue_dma source(%dma_start3A_796 : memref<200x128xf32, #tpu.memory_space<vmem>>) target(%dma_start3A_792 : memref<200x128xf32, #tpu.memory_space<hbm>>) target_semaphore(%arg21 : memref<!tpu.dma_semaphore, #tpu.memory_space<semaphore_mem>>)
      %dma_start3A_797 = arith.constant 1 : i32
      %dma_start3A_798 = arith.constant 0 : i32
      %dma_start3A_799 = arith.constant 0 : i32
      %dma_start3A_800 = tpu.memref_slice %arg14[%dma_start3A_797, %dma_start3A_798, %dma_start3A_799] : memref<2x200x88xf32, #tpu.memory_space<vmem>> -> memref<1x200x88xf32, #tpu.memory_space<vmem>>
      %dma_start3A_801 = tpu.memref_squeeze %dma_start3A_800 : memref<1x200x88xf32, #tpu.memory_space<vmem>> -> memref<200x88xf32, #tpu.memory_space<vmem>>
      %dma_start3A_802 = arith.constant 0 : i32
      %dma_start3A_803 = tpu.memref_slice %arg8[%mul3A_777, %dma_start3A_802] : memref<819200x216xf32, #tpu.memory_space<hbm>> -> memref<200x216xf32, #tpu.memory_space<hbm>>
      %dma_start3A_804 = arith.constant 0 : i32
      %dma_start3A_805 = arith.constant 128 : i32
      %dma_start3A_806 = tpu.memref_slice %dma_start3A_803[%dma_start3A_804, %dma_start3A_805] : memref<200x216xf32, #tpu.memory_space<hbm>> -> memref<200x88xf32, #tpu.memory_space<hbm>>
      %dma_start3A_807 = arith.constant 0 : i32
      %dma_start3A_808 = tpu.memref_slice %arg8[%mul3A_777, %dma_start3A_807] : memref<819200x216xf32, #tpu.memory_space<hbm>> -> memref<200x216xf32, #tpu.memory_space<hbm>>
      %dma_start3A_809 = arith.constant 0 : i32
      %dma_start3A_810 = arith.constant 128 : i32
      %dma_start3A_811 = tpu.memref_slice %dma_start3A_808[%dma_start3A_809, %dma_start3A_810] : memref<200x216xf32, #tpu.memory_space<hbm>> -> memref<200x88xf32, #tpu.memory_space<hbm>>
      %dma_start3A_812 = arith.constant 0 : i32
      %dma_start3A_813 = arith.constant 0 : i32
      %dma_start3A_814 = tpu.memref_slice %arg14[%dma_start3A_797, %dma_start3A_812, %dma_start3A_813] : memref<2x200x88xf32, #tpu.memory_space<vmem>> -> memref<1x200x88xf32, #tpu.memory_space<vmem>>
      %dma_start3A_815 = tpu.memref_squeeze %dma_start3A_814 : memref<1x200x88xf32, #tpu.memory_space<vmem>> -> memref<200x88xf32, #tpu.memory_space<vmem>>
      tpu.enqueue_dma source(%dma_start3A_815 : memref<200x88xf32, #tpu.memory_space<vmem>>) target(%dma_start3A_811 : memref<200x88xf32, #tpu.memory_space<hbm>>) target_semaphore(%arg21 : memref<!tpu.dma_semaphore, #tpu.memory_space<semaphore_mem>>)
    }
    %scan3A_424 = arith.constant 64 : i32
    %dma_wait3A_425 = arith.constant 0 : i32
    %dma_wait3A_426 = arith.constant 0 : i32
    %dma_wait3A_427 = arith.constant 0 : i32
    %dma_wait3A_428 = tpu.memref_slice %arg15[%dma_wait3A_425, %dma_wait3A_426, %dma_wait3A_427] : memref<2x200x128xf32, #tpu.memory_space<vmem>> -> memref<1x200x128xf32, #tpu.memory_space<vmem>>
    %dma_wait3A_429 = tpu.memref_squeeze %dma_wait3A_428 : memref<1x200x128xf32, #tpu.memory_space<vmem>> -> memref<200x128xf32, #tpu.memory_space<vmem>>
    %dma_wait3A_430 = arith.constant 0 : i32
    %dma_wait3A_431 = arith.constant 0 : i32
    %dma_wait3A_432 = tpu.memref_slice %arg8[%dma_wait3A_430, %dma_wait3A_431] : memref<819200x216xf32, #tpu.memory_space<hbm>> -> memref<200x216xf32, #tpu.memory_space<hbm>>
    %dma_wait3A_433 = arith.constant 0 : i32
    %dma_wait3A_434 = arith.constant 0 : i32
    %dma_wait3A_435 = tpu.memref_slice %dma_wait3A_432[%dma_wait3A_433, %dma_wait3A_434] : memref<200x216xf32, #tpu.memory_space<hbm>> -> memref<200x128xf32, #tpu.memory_space<hbm>>
    %dma_wait3A_436 = arith.constant 0 : i32
    %dma_wait3A_437 = arith.constant 0 : i32
    %dma_wait3A_438 = tpu.memref_slice %arg8[%dma_wait3A_436, %dma_wait3A_437] : memref<819200x216xf32, #tpu.memory_space<hbm>> -> memref<200x216xf32, #tpu.memory_space<hbm>>
    %dma_wait3A_439 = arith.constant 0 : i32
    %dma_wait3A_440 = arith.constant 0 : i32
    %dma_wait3A_441 = tpu.memref_slice %dma_wait3A_438[%dma_wait3A_439, %dma_wait3A_440] : memref<200x216xf32, #tpu.memory_space<hbm>> -> memref<200x128xf32, #tpu.memory_space<hbm>>
    %dma_wait3A_442 = arith.constant 0 : i32
    %dma_wait3A_443 = arith.constant 0 : i32
    %dma_wait3A_444 = tpu.memref_slice %arg15[%dma_wait3A_425, %dma_wait3A_442, %dma_wait3A_443] : memref<2x200x128xf32, #tpu.memory_space<vmem>> -> memref<1x200x128xf32, #tpu.memory_space<vmem>>
    %dma_wait3A_445 = tpu.memref_squeeze %dma_wait3A_444 : memref<1x200x128xf32, #tpu.memory_space<vmem>> -> memref<200x128xf32, #tpu.memory_space<vmem>>
    tpu.wait_dma2 semaphore(%arg20 : memref<!tpu.dma_semaphore, #tpu.memory_space<semaphore_mem>>) src(%dma_wait3A_445 : memref<200x128xf32, #tpu.memory_space<vmem>>) dst(%dma_wait3A_441 : memref<200x128xf32, #tpu.memory_space<hbm>>)
    %dma_wait3A_446 = arith.constant 0 : i32
    %dma_wait3A_447 = arith.constant 0 : i32
    %dma_wait3A_448 = arith.constant 0 : i32
    %dma_wait3A_449 = tpu.memref_slice %arg14[%dma_wait3A_446, %dma_wait3A_447, %dma_wait3A_448] : memref<2x200x88xf32, #tpu.memory_space<vmem>> -> memref<1x200x88xf32, #tpu.memory_space<vmem>>
    %dma_wait3A_450 = tpu.memref_squeeze %dma_wait3A_449 : memref<1x200x88xf32, #tpu.memory_space<vmem>> -> memref<200x88xf32, #tpu.memory_space<vmem>>
    %dma_wait3A_451 = arith.constant 0 : i32
    %dma_wait3A_452 = arith.constant 0 : i32
    %dma_wait3A_453 = tpu.memref_slice %arg8[%dma_wait3A_451, %dma_wait3A_452] : memref<819200x216xf32, #tpu.memory_space<hbm>> -> memref<200x216xf32, #tpu.memory_space<hbm>>
    %dma_wait3A_454 = arith.constant 0 : i32
    %dma_wait3A_455 = arith.constant 128 : i32
    %dma_wait3A_456 = tpu.memref_slice %dma_wait3A_453[%dma_wait3A_454, %dma_wait3A_455] : memref<200x216xf32, #tpu.memory_space<hbm>> -> memref<200x88xf32, #tpu.memory_space<hbm>>
    %dma_wait3A_457 = arith.constant 0 : i32
    %dma_wait3A_458 = arith.constant 0 : i32
    %dma_wait3A_459 = tpu.memref_slice %arg8[%dma_wait3A_457, %dma_wait3A_458] : memref<819200x216xf32, #tpu.memory_space<hbm>> -> memref<200x216xf32, #tpu.memory_space<hbm>>
    %dma_wait3A_460 = arith.constant 0 : i32
    %dma_wait3A_461 = arith.constant 128 : i32
    %dma_wait3A_462 = tpu.memref_slice %dma_wait3A_459[%dma_wait3A_460, %dma_wait3A_461] : memref<200x216xf32, #tpu.memory_space<hbm>> -> memref<200x88xf32, #tpu.memory_space<hbm>>
    %dma_wait3A_463 = arith.constant 0 : i32
    %dma_wait3A_464 = arith.constant 0 : i32
    %dma_wait3A_465 = tpu.memref_slice %arg14[%dma_wait3A_446, %dma_wait3A_463, %dma_wait3A_464] : memref<2x200x88xf32, #tpu.memory_space<vmem>> -> memref<1x200x88xf32, #tpu.memory_space<vmem>>
    %dma_wait3A_466 = tpu.memref_squeeze %dma_wait3A_465 : memref<1x200x88xf32, #tpu.memory_space<vmem>> -> memref<200x88xf32, #tpu.memory_space<vmem>>
    tpu.wait_dma2 semaphore(%arg20 : memref<!tpu.dma_semaphore, #tpu.memory_space<semaphore_mem>>) src(%dma_wait3A_466 : memref<200x88xf32, #tpu.memory_space<vmem>>) dst(%dma_wait3A_462 : memref<200x88xf32, #tpu.memory_space<hbm>>)
    %dma_wait3A_467 = arith.constant 1 : i32
    %dma_wait3A_468 = arith.constant 0 : i32
    %dma_wait3A_469 = arith.constant 0 : i32
    %dma_wait3A_470 = tpu.memref_slice %arg15[%dma_wait3A_467, %dma_wait3A_468, %dma_wait3A_469] : memref<2x200x128xf32, #tpu.memory_space<vmem>> -> memref<1x200x128xf32, #tpu.memory_space<vmem>>
    %dma_wait3A_471 = tpu.memref_squeeze %dma_wait3A_470 : memref<1x200x128xf32, #tpu.memory_space<vmem>> -> memref<200x128xf32, #tpu.memory_space<vmem>>
    %dma_wait3A_472 = arith.constant 0 : i32
    %dma_wait3A_473 = arith.constant 0 : i32
    %dma_wait3A_474 = tpu.memref_slice %arg8[%dma_wait3A_472, %dma_wait3A_473] : memref<819200x216xf32, #tpu.memory_space<hbm>> -> memref<200x216xf32, #tpu.memory_space<hbm>>
    %dma_wait3A_475 = arith.constant 0 : i32
    %dma_wait3A_476 = arith.constant 0 : i32
    %dma_wait3A_477 = tpu.memref_slice %dma_wait3A_474[%dma_wait3A_475, %dma_wait3A_476] : memref<200x216xf32, #tpu.memory_space<hbm>> -> memref<200x128xf32, #tpu.memory_space<hbm>>
    %dma_wait3A_478 = arith.constant 0 : i32
    %dma_wait3A_479 = arith.constant 0 : i32
    %dma_wait3A_480 = tpu.memref_slice %arg8[%dma_wait3A_478, %dma_wait3A_479] : memref<819200x216xf32, #tpu.memory_space<hbm>> -> memref<200x216xf32, #tpu.memory_space<hbm>>
    %dma_wait3A_481 = arith.constant 0 : i32
    %dma_wait3A_482 = arith.constant 0 : i32
    %dma_wait3A_483 = tpu.memref_slice %dma_wait3A_480[%dma_wait3A_481, %dma_wait3A_482] : memref<200x216xf32, #tpu.memory_space<hbm>> -> memref<200x128xf32, #tpu.memory_space<hbm>>
    %dma_wait3A_484 = arith.constant 0 : i32
    %dma_wait3A_485 = arith.constant 0 : i32
    %dma_wait3A_486 = tpu.memref_slice %arg15[%dma_wait3A_467, %dma_wait3A_484, %dma_wait3A_485] : memref<2x200x128xf32, #tpu.memory_space<vmem>> -> memref<1x200x128xf32, #tpu.memory_space<vmem>>
    %dma_wait3A_487 = tpu.memref_squeeze %dma_wait3A_486 : memref<1x200x128xf32, #tpu.memory_space<vmem>> -> memref<200x128xf32, #tpu.memory_space<vmem>>
    tpu.wait_dma2 semaphore(%arg21 : memref<!tpu.dma_semaphore, #tpu.memory_space<semaphore_mem>>) src(%dma_wait3A_487 : memref<200x128xf32, #tpu.memory_space<vmem>>) dst(%dma_wait3A_483 : memref<200x128xf32, #tpu.memory_space<hbm>>)
    %dma_wait3A_488 = arith.constant 1 : i32
    %dma_wait3A_489 = arith.constant 0 : i32
    %dma_wait3A_490 = arith.constant 0 : i32
    %dma_wait3A_491 = tpu.memref_slice %arg14[%dma_wait3A_488, %dma_wait3A_489, %dma_wait3A_490] : memref<2x200x88xf32, #tpu.memory_space<vmem>> -> memref<1x200x88xf32, #tpu.memory_space<vmem>>
    %dma_wait3A_492 = tpu.memref_squeeze %dma_wait3A_491 : memref<1x200x88xf32, #tpu.memory_space<vmem>> -> memref<200x88xf32, #tpu.memory_space<vmem>>
    %dma_wait3A_493 = arith.constant 0 : i32
    %dma_wait3A_494 = arith.constant 0 : i32
    %dma_wait3A_495 = tpu.memref_slice %arg8[%dma_wait3A_493, %dma_wait3A_494] : memref<819200x216xf32, #tpu.memory_space<hbm>> -> memref<200x216xf32, #tpu.memory_space<hbm>>
    %dma_wait3A_496 = arith.constant 0 : i32
    %dma_wait3A_497 = arith.constant 128 : i32
    %dma_wait3A_498 = tpu.memref_slice %dma_wait3A_495[%dma_wait3A_496, %dma_wait3A_497] : memref<200x216xf32, #tpu.memory_space<hbm>> -> memref<200x88xf32, #tpu.memory_space<hbm>>
    %dma_wait3A_499 = arith.constant 0 : i32
    %dma_wait3A_500 = arith.constant 0 : i32
    %dma_wait3A_501 = tpu.memref_slice %arg8[%dma_wait3A_499, %dma_wait3A_500] : memref<819200x216xf32, #tpu.memory_space<hbm>> -> memref<200x216xf32, #tpu.memory_space<hbm>>
    %dma_wait3A_502 = arith.constant 0 : i32
    %dma_wait3A_503 = arith.constant 128 : i32
    %dma_wait3A_504 = tpu.memref_slice %dma_wait3A_501[%dma_wait3A_502, %dma_wait3A_503] : memref<200x216xf32, #tpu.memory_space<hbm>> -> memref<200x88xf32, #tpu.memory_space<hbm>>
    %dma_wait3A_505 = arith.constant 0 : i32
    %dma_wait3A_506 = arith.constant 0 : i32
    %dma_wait3A_507 = tpu.memref_slice %arg14[%dma_wait3A_488, %dma_wait3A_505, %dma_wait3A_506] : memref<2x200x88xf32, #tpu.memory_space<vmem>> -> memref<1x200x88xf32, #tpu.memory_space<vmem>>
    %dma_wait3A_508 = tpu.memref_squeeze %dma_wait3A_507 : memref<1x200x88xf32, #tpu.memory_space<vmem>> -> memref<200x88xf32, #tpu.memory_space<vmem>>
    tpu.wait_dma2 semaphore(%arg21 : memref<!tpu.dma_semaphore, #tpu.memory_space<semaphore_mem>>) src(%dma_wait3A_508 : memref<200x88xf32, #tpu.memory_space<vmem>>) dst(%dma_wait3A_504 : memref<200x88xf32, #tpu.memory_space<hbm>>)
    return
  }
}

</mosaic_0001>

<sc_bundles>
// kernel: kernel.3.cloned.1.call-start
scs
__scs_entry_jumppad:
0x0: {  	(pc) =	sbr.rel $0x88, $3  }
0x1: {  	(tag) =	ssettag $0x0;
	lr =	simm.s32 $0x1  }
0x2: {  	[smem:$0x3F9A] =	sst lr;
	_ =	strace $0xD0000000  }
0x3: {  	_ = 	snop  }
0x4: {  	_ = 	snop  }
0x5: {  	_ = 	snop  }
0x6: {  	_ = 	snop  }
0x7: {  	_ = 	snop  }
__scs_overlays_trampoline_lowered:
0x8: {  	[smem:$0x3FA9] =	sst s0  }
0x9: {  	[smem:$0x3FAA] =	sst s1  }
0xa: {  	[smem:$0x3FAB] =	sst s2  }
0xb: {  	[smem:$0x3FAC] =	sst s3  }
0xc: {  	[smem:$0x3FAD] =	sst s4  }
0xd: {  	[smem:$0x3FAE] =	sst s5  }
0xe: {  	[smem:$0x3FAF] =	sst s6  }
0xf: {  	[smem:$0x3FB0] =	sst s7  }
0x10: {  	[smem:$0x3FB1] =	sst s8  }
0x11: {  	[smem:$0x3FB2] =	sst s9;
	s0 =	simm.s32 @!p0 $0x0  }
0x12: {  	s1 =	sld [smem:$0x3F98];
	s0 =	simm.s32 @p0 $0x1  }
0x13: {  	[smem:$0x3FB3] =	sst s0;
	s0 =	simm.s32 @!p1 $0x0  }
0x14: {  	s2 =	sld [smem:$0x3F97];
	s0 =	simm.s32 @p1 $0x1  }
0x15: {  	[smem:$0x3FB4] =	sst s0;
	s0 =	simm.s32 @!p2 $0x0  }
0x16: {  	s3 =	sld [smem:$0x3FDB];
	s0 =	simm.s32 @p2 $0x1  }
0x17: {  	s4 =	simm.s32 $0x1BF5;
	[smem:$0x3FB6] =	sst s0  }
0x18: {  	s0 =	sld [smem:$0x3F99];
	_ =	swait.ge [sflag:s4], $0x0  }
0x19: {  	s7 =	sld [smem:$0x3F9A]  }
0x1a: {  	s8 =	sadd.s32 $0xFFFFE003, lr  }
0x1b: {  	s9 =	sadd.s32 $0xFFFFFEF7, lr;
	s5 =	simm.s32 $0xFFFFFFFF;
	p2 =	slt.u32 s8, $0xFFFFF086  }
0x1c: {  	p1 =	slt.u32 s9, $0xF7A;
	s5 =	simm.s32 @!p2 $0x0  }
0x1d: {  	s5 =	simm.s32 @p1 $0x1;
	p0 =	seq.s32 s7, s2  }
0x1e: {  	s7 =	smul.u32 @!p0 $0xF7A, s2;
	p2 =	seq.s32 @!p0 s5, $0x0  }
0x1f: {  	s9 =	smul.u32 $0xF7A, s1;
	s8 =	simm.s32 @!p0 $0x1BF5;
	p2 =	por !p2, p0  }
0x20: {  	[sflag:s8] =	ssyncset.s32 @!p0 $0xFFFFF086;
	s6 =	sadd.s32 @!p0 s3, s7;
	s7 =	simm.s32 @!p0 $0x108  }
0x21: {  	s3 =	sadd.s32 s3, s9;
	s6 =	sadd.s32 @!p0 $0x88, s6;
	s7 =	simm.s32 @p2 $0x1082  }
0x22: {  	[simem:s7], [sflag:s8] =	dma.local @!p0 [hbm:s6], $0xF7A  }
0x23: {  	s9 =	sor.u32 $0xD0000000, s2;
	s6 =	simm.s32 $0x108;
	_ =	swait.ge @!p0 [sflag:s8], $0x0  }
0x24: {  	s3 =	sadd.s32 $0x88, s3;
	s6 =	simm.s32 @!p1 $0x1082;
	[sflag:s4] =	ssyncset.s32 $0xFFFFF086  }
0x25: {  	[simem:s6], [sflag:s4] =	dma.local [hbm:s3], $0xF7A  }
0x26: {  	[smem:$0x3F9A] =	sst s1;
	(tag) =	ssettag s2;
	_ =	strace s9  }
0x27: {  	s1 =	sld [smem:$0x3FAA]  }
0x28: {  	s2 =	sld [smem:$0x3FAB]  }
0x29: {  	s4 =	sld [smem:$0x3FAD]  }
0x2a: {  	p0 =	seq.s32 s5, $0x0;
	s5 =	sld [smem:$0x3FAE]  }
0x2b: {  	s6 =	sld [smem:$0x3FAF]  }
0x2c: {  	s7 =	sld [smem:$0x3FB0]  }
0x2d: {  	s3 =	simm.s32 $0x108;
	s8 =	sld [smem:$0x3FB1]  }
0x2e: {  	s3 =	simm.s32 @!p0 $0x1082;
	s9 =	sld [smem:$0x3FB2]  }
0x2f: {  	lr =	sadd.s32 s0, s3;
	s0 =	sld [smem:$0x3FA9]  }
0x30: {  	s3 =	sld [smem:$0x3FAC]  }
0x31: {  	[smem:$0x3FB5] =	sst s10  }
0x32: {  	s10 =	sld [smem:$0x3FB3];
	_ =	sdelay $0x3  }
0x33: {  	p0 =	seq.s32 s10, $0x1;
	s10 =	sld [smem:$0x3FB5];
	_ =	sdelay $0x3  }
0x34: {  	[smem:$0x3FB5] =	sst s10  }
0x35: {  	s10 =	sld [smem:$0x3FB4];
	_ =	sdelay $0x3  }
0x36: {  	p1 =	seq.s32 s10, $0x1;
	s10 =	sld [smem:$0x3FB5];
	_ =	sdelay $0x3  }
0x37: {  	[smem:$0x3FB5] =	sst s10  }
0x38: {  	s10 =	sld [smem:$0x3FB6]  }
0x39: {  	_ = 	snop;
	(pc) =	sbr.ind lr, $3  }
0x3a: {  	_ = 	snop  }
0x3b: {  	_ = 	snop  }
0x3c: {  	p2 =	seq.s32 s10, $0x1;
	s10 =	sld [smem:$0x3FB5]  }
0x3d: {  	_ =	shalt  }
0x3e: {  	_ =	shalt  }
0x3f: {  	_ =	shalt  }
0x40: {  	_ =	shalt  }
0x41: {  	_ =	shalt  }
0x42: {  	_ =	shalt  }
0x43: {  	_ =	shalt  }
0x44: {  	_ =	shalt  }
0x45: {  	_ =	shalt  }
0x46: {  	_ =	shalt  }
0x47: {  	_ =	shalt  }
0x48: {  	_ =	shalt  }
0x49: {  	_ =	shalt  }
0x4a: {  	_ =	shalt  }
0x4b: {  	_ =	shalt  }
0x4c: {  	_ =	shalt  }
0x4d: {  	_ =	shalt  }
0x4e: {  	_ =	shalt  }
0x4f: {  	_ =	shalt  }
0x50: {  	_ =	shalt  }
0x51: {  	_ =	shalt  }
0x52: {  	_ =	shalt  }
0x53: {  	_ =	shalt  }
0x54: {  	_ =	shalt  }
0x55: {  	_ =	shalt  }
0x56: {  	_ =	shalt  }
0x57: {  	_ =	shalt  }
0x58: {  	_ =	shalt  }
0x59: {  	_ =	shalt  }
0x5a: {  	_ =	shalt  }
0x5b: {  	_ =	shalt  }
0x5c: {  	_ =	shalt  }
0x5d: {  	_ =	shalt  }
0x5e: {  	_ =	shalt  }
0x5f: {  	_ =	shalt  }
0x60: {  	_ =	shalt  }
0x61: {  	_ =	shalt  }
0x62: {  	_ =	shalt  }
0x63: {  	_ =	shalt  }
0x64: {  	_ =	shalt  }
0x65: {  	_ =	shalt  }
0x66: {  	_ =	shalt  }
0x67: {  	_ =	shalt  }
0x68: {  	_ =	shalt  }
0x69: {  	_ =	shalt  }
0x6a: {  	_ =	shalt  }
0x6b: {  	_ =	shalt  }
0x6c: {  	_ =	shalt  }
0x6d: {  	_ =	shalt  }
0x6e: {  	_ =	shalt  }
0x6f: {  	_ =	shalt  }
0x70: {  	_ =	shalt  }
0x71: {  	_ =	shalt  }
0x72: {  	_ =	shalt  }
0x73: {  	_ =	shalt  }
0x74: {  	_ =	shalt  }
0x75: {  	_ =	shalt  }
0x76: {  	_ =	shalt  }
0x77: {  	_ =	shalt  }
0x78: {  	_ =	shalt  }
0x79: {  	_ =	shalt  }
0x7a: {  	_ =	shalt  }
0x7b: {  	_ =	shalt  }
0x7c: {  	_ =	shalt  }
0x7d: {  	_ =	shalt  }
0x7e: {  	_ =	shalt  }
0x7f: {  	_ =	shalt  }
0x80: {  	_ =	shalt  }
0x81: {  	_ =	shalt  }
0x82: {  	_ =	shalt  }
0x83: {  	_ =	shalt  }
0x84: {  	_ =	shalt  }
0x85: {  	_ =	shalt  }
0x86: {  	_ =	shalt  }
0x87: {  	_ =	shalt  }
.Lfunc_end0:
.L_simem_size_0:
called_computation.1_lowered:
.L_overlay_start_0:
0x88: {  	s2 =	sld [smem:$0x3FD9]  }
0x89: {  	s3 =	sld [smem:$0x3FFE];
	_ =	sdelay $0x1  }
0x8a: {  	s1 =	srdreg.scid  }
0x8b: {  	s0 =	sand.u32 $0x1, s1  }
0x8c: {  	s17 =	sshll.u32 s0, $0xA;
	s2 =	sadd.s32 s3, s2  }
0x8d: {  	s2 =	sadd.s32 s2, s17  }
0x8e: {  	[smem:$0x3FC1] =	sst s2  }
0x8f: {  	_ = 	snop  }
0x90: {  	s2 =	sld [smem:$0x3FC9]  }
0x91: {  	s18 =	sld [smem:$0x3FD0];
	(tm) =	ssettm $0x1  }
0x92: {  	s4 =	sld [smem:$0x3FFB];
	_ =	sdelay $0x3  }
0x93: {  	_ =	strace s4  }
0x94: {  	s4 =	sld [smem:$0x3FFC];
	_ =	sdelay $0x3  }
0x95: {  	_ =	strace s4  }
0x96: {  	s4 =	sld [smem:$0x3FFD];
	_ =	sdelay $0x3  }
0x97: {  	_ =	strace s4  }
0x98: {  	_ =	strace $0x8FFFFFFF  }
0x99: {  	s19 =	sld [smem:$0x3FDB];
	_ =	sdelay $0x1  }
0x9a: {  	s5 =	simm.s32 $_scs_section_size  }
0x9b: {  	s6 =	simm.s32 $_size__tile_overlayer_lowered;
	s7 =	simm.s32 $_tile_overlayer_lowered  }
0x9c: {  	s22 =	simm.s32 $0x1BFF;
	s21 =	sshll.u32 s7, $0x1;
	s4 =	sadd.s32 s5, s19  }
0x9d: {  	s8 =	simm.s32 $0x0;
	s20 =	sshll.u32 s6, $0x1;
	s6 =	sadd.s32 s21, s4  }
0x9e: {  	[timem:s8], [sflag:s22] =	dma.local [hbm:s6], s20  }
0x9f: {  	_ =	swait.ge [sflag:s22], s20  }
0xa0: {  	s5 =	ssub.s32 $0x0, s20;
	[sflag:s22] =	ssyncset.done $0x0  }
0xa1: {  	[sflag:s22] =	ssyncadd.s32 s5;
	_ =	sdelay $0x1  }
0xa2: {  	s23 =	simm.s32 $0x1B8B  }
0xa3: {  	_ =	swait.ge [sflag:s23], $0x1  }
0xa4: {  	[sflag:s23] =	ssyncset.done $0x0  }
0xa5: {  	s25 =	simm.s32 $0x1B8E;
	s24 =	sld [smem:$0x3FFE];
	[sflag:s23] =	ssyncadd.s32 $0xFFFFFFFF  }
0xa6: {  	s26 =	simm.s32 $execute0_lowered;
	[smem:$0x3FD2] =	sst s25  }
0xa7: {  	s6 =	sshll.u32 s26, $0x1;
	_ =	strace $0x80000046;
	[dreg:$0x1] =	wrdreg $0xFFFFFFFF  }
0xa8: {  	s28 =	simm.s32 $_size_execute0_lowered;
	s4 =	sadd.s32 s4, s6;
	[dreg:$0x0] =	wrdreg $0x0  }
0xa9: {  	s6 =	sshll.u32 s28, $0x1;
	[dreg:$0x2] =	wrdreg s4  }
0xaa: {  	[dreg:$0x3] =	wrdreg s6  }
0xab: {  	[dreg:$0x4] =	wrdreg $0xC0  }
0xac: {  	_ =	task [dreg:s8], $0x5FFFF  }
0xad: {  	[dreg:$0x1] =	wrdreg $0xFFFFFFFF  }
0xae: {  	[dreg:$0x0] =	wrdreg $0x60  }
0xaf: {  	[dreg:$0x2] =	wrdreg s2  }
0xb0: {  	[dreg:$0x3] =	wrdreg s24  }
0xb1: {  	[dreg:$0x4] =	wrdreg s18  }
0xb2: {  	[dreg:$0x5] =	wrdreg $0x9  }
0xb3: {  	_ =	task.clear_ibuf [dreg:s8], $0x6FFFF;
	_ =	strace $0x90000046  }
0xb4: {  	s29 =	simm.s32 $0x9;
	_ =	strace $0x80000048  }
0xb5: {  	_ =	swait.ge [sflag:s29], $0x1  }
0xb6: {  	[sflag:s29] =	ssyncadd.s32 $0xFFFFFFFF  }
0xb7: {  	_ =	strace $0x90000048  }
0xb8: {  	_ =	sfence  }
0xb9: {  	s30 =	sld [smem:$0x0];
	_ =	sdelay $0x2  }
0xba: {  	s31 =	sshll.u32 s1, $0xD;
	s1 =	sshrl.u32 s1, $0x2  }
0xbb: {  	s3 =	sand.u32 $0x4000, s31;
	s1 =	sadd.s32 s1, s30  }
0xbc: {  	s0 =	sor.u32 s3, s0;
	s1 =	sshll.u32 s1, $0x11  }
0xbd: {  	s0 =	sor.u32 s1, s0  }
0xbe: {  	s0 =	sadd.s32 $0x8F2B, s0  }
0xbf: {  	[sflag:s0] =	ssyncadd.remote.s32 $0x1  }
0xc0: {  	_ =	sfence.sel $0xFFFF  }
0xc1: {  	[dreg:$0x0] =	wrdreg $0xFFFFFFFF;
	(pc) =	sbr.abs _section_cstart, $3  }
0xc2: {  	[dreg:$0x1] =	wrdreg $0xFFFFFFFF  }
0xc3: {  	_ =	task.clear_ibuf [dreg:s8], $0x2FFFF;
	_ =	strace $0x9FFFFFFF  }
0xc4: {  	(tm) =	ssettm $0x7FFFFFFF  }
0xc5: {  	_ =	shalt  }
tec
execute0_lowered:
.L_overlay_start_1:
0x0: {  	(tag) =	ssettag $0x1  }
0x1: {  	s1 =	rddreg [dreg:$0x0]  }
0x2: {  	s0 =	rddreg [dreg:$0x1]  }
0x3: {  	s2 =	rddreg [dreg:$0x2]  }
0x4: {  	s4 =	simm.s32 $0x0;
	s3 =	srdreg.scid;
	s6 =	stileid.u32  }
0x5: {  	s29 =	simm.s32 $0x48;
	s31 =	simm.s32 $0x2;
	s14 =	simm.s32 $0x11940  }
0x6: {  	s15 =	simm.s32 $0xD8;
	s16 =	simm.s32 $0x58;
	s17 =	simm.s32 $0x4  }
0x7: {  	s19 =	simm.s32 $0x5;
	[smem:$0x7FF] =	sst s4;
	s5 =	sadd.s32 $0xE00, s0  }
0x8: {  	s3 =	sand.u32 $0x1, s3;
	s7 =	sshll.u32 s6, $0x1;
	s6 =	sadd.s32 $0x19E00, s0  }
0x9: {  	s8 =	sadd.s32 $0xC00, s0;
	s10 =	ssub.s32 $0x2, s3;
	s3 =	sor.u32 s3, s7  }
0xa: {  	s9 =	sadd.s32 $0x1D2A00, s0;
	s11 =	sshrl.u32 s10, $0x1;
	s12 =	smul.u32 $0xC80, s3  }
0xb: {  	_ =	strace $0x80000047;
	s7 =	sadd.s32 $0x32E00, s0;
	s21 =	ssub.s32 s10, s11  }
0xc: {  	s10 =	sshll.u32 s3, $0x7;
	s3 =	smul.u32 $0x64000, s3;
	s22 =	sadd.s32 s5, s12  }
0xd: {  	s23 =	sadd.s32 s6, s12;
	s24 =	sadd.s32 s7, s12;
	[dreg:$0x4] =	wrdreg s22  }
0xe: {  	s25 =	sor.u32 $0x19, s12;
	s18 =	sor.u32 $0x3, s10;
	[dreg:$0x5] =	wrdreg s23  }
0xf: {  	s0 =	smax.u32 s21, $0x1;
	s20 =	sor.u32 $0x1, s10;
	[dreg:$0x6] =	wrdreg s24  }
0x10: {  	s12 =	simm.s32 $0x0;
	s3 =	sadd.s32 s1, s3;
	[dreg:$0xb] =	wrdreg s0  }
0x11: {  	s26 =	sadd.s32 s5, s25;
	s28 =	sadd.s32 s6, s25;
	[dreg:$0x7] =	wrdreg s3  }
0x12: {  	s30 =	sadd.s32 s7, s25;
	s23 =	simm.s32 $0x1;
	[dreg:$0x8] =	wrdreg s26  }
0x13: {  	s24 =	simm.s32 $0x80;
	s0 =	simm.s32 $0x3;
	[dreg:$0x9] =	wrdreg s28  }
0x14: {  	[dreg:$0xa] =	wrdreg s30;
	s3 =	simm.s32 $0x7080;
	s26 =	simm.s32 $0x6  }
.LBB2_1:
0x15: {  	[dreg:$0xc] =	wrdreg s12  }
0x16: {  	s11 =	rddreg [dreg:$0x4]  }
0x17: {  	[tilespmem:s4], [sflag:$0x1] =	stream.linear.gather [hbm4b:s11+s4], $0xC8, $0x38;
	[tilespmem:$0x17D40] =	vst v63  }
0x18: {  	s25 =	rddreg [dreg:$0x5];
	s30 =	simm.s32 $0x190  }
0x19: {  	[tilespmem:s30], [sflag:$0x1] =	stream.linear.gather [hbm4b:s25+s4], $0xC8, $0x38;
	[tilespmem:$0x17D40] =	vst v63  }
0x1a: {  	s13 =	rddreg [dreg:$0x6];
	s21 =	simm.s32 $0x320  }
0x1b: {  	[tilespmem:s21], [sflag:$0x1] =	stream.linear.gather [hbm4b:s13+s4], $0xC8, $0x38;
	[tilespmem:$0x17D40] =	vst v63  }
0x1c: {  	_ =	swait.ge [sflag:s23], $0xC8  }
0x1d: {  	[sflag:s23] =	ssyncset.done $0x0  }
0x1e: {  	[sflag:s23] =	ssyncadd.s32 $0xFFFFFF38  }
0x1f: {  	_ =	swait.ge [sflag:s23], $0xC8  }
0x20: {  	[sflag:s23] =	ssyncset.done $0x0  }
0x21: {  	[sflag:s23] =	ssyncadd.s32 $0xFFFFFF38  }
0x22: {  	_ =	swait.ge [sflag:s23], $0xC8  }
0x23: {  	[sflag:s23] =	ssyncset.done $0x0  }
0x24: {  	[sflag:s23] =	ssyncadd.s32 $0xFFFFFF38  }
0x25: {  	v0 =	vld [tilespmem:$0x0]  }
0x26: {  	v1 =	vld [tilespmem:$0x190]  }
0x27: {  	v2 =	vld [tilespmem:$0x10]  }
0x28: {  	v3 =	vld [tilespmem:$0x1A0]  }
0x29: {  	v4 =	vld [tilespmem:$0x20]  }
0x2a: {  	v5 =	vld [tilespmem:$0x1B0]  }
0x2b: {  	v6 =	vld [tilespmem:$0x30]  }
0x2c: {  	v7 =	vld [tilespmem:$0x1C0]  }
0x2d: {  	v8 =	vld [tilespmem:$0x40]  }
0x2e: {  	v9 =	vld [tilespmem:$0x1D0]  }
0x2f: {  	v10 =	vld [tilespmem:$0x50]  }
0x30: {  	v11 =	vld [tilespmem:$0x1E0]  }
0x31: {  	v12 =	vld [tilespmem:$0x60]  }
0x32: {  	v13 =	vld [tilespmem:$0x1F0]  }
0x33: {  	v14 =	vld [tilespmem:$0x70]  }
0x34: {  	v15 =	vld [tilespmem:$0x200]  }
0x35: {  	v16 =	vld [tilespmem:$0x80];
	v0 =	vmul.u32 $0x3, v0  }
0x36: {  	v17 =	vld [tilespmem:$0x210];
	v2 =	vmul.u32 $0x3, v2  }
0x37: {  	v34 =	vld [tilespmem:$0x90];
	v33 =	vmul.u32 $0x3, v4;
	v0 =	vadd.s32 v1, v0  }
0x38: {  	v37 =	vld [tilespmem:$0x220];
	v36 =	vmul.u32 $0x3, v6;
	v35 =	vadd.s32 v3, v2;
	[tilespmem:$0x4B0] =	vst v0  }
0x39: {  	v40 =	vld [tilespmem:$0xA0];
	v39 =	vmul.u32 $0x3, v8;
	v38 =	vadd.s32 v5, v33;
	[tilespmem:$0x4C0] =	vst v35  }
0x3a: {  	v43 =	vld [tilespmem:$0x230];
	v42 =	vmul.u32 $0x3, v10;
	v41 =	vadd.s32 v7, v36;
	[tilespmem:$0x4D0] =	vst v38  }
0x3b: {  	v46 =	vld [tilespmem:$0xB0];
	v45 =	vmul.u32 $0x3, v12;
	v44 =	vadd.s32 v9, v39;
	[tilespmem:$0x4E0] =	vst v41  }
0x3c: {  	v49 =	vld [tilespmem:$0xB8];
	v48 =	vmul.u32 $0x3, v14;
	v47 =	vadd.s32 v11, v42;
	[tilespmem:$0x4F0] =	vst v44  }
0x3d: {  	v52 =	vld [tilespmem:$0x240];
	v51 =	vmul.u32 $0x3, v16;
	v50 =	vadd.s32 v13, v45;
	[tilespmem:$0x500] =	vst v47  }
0x3e: {  	v55 =	vld [tilespmem:$0x248];
	v54 =	vmul.u32 $0x3, v34;
	v53 =	vadd.s32 v15, v48;
	[tilespmem:$0x510] =	vst v50  }
0x3f: {  	v57 =	vmul.u32 $0x3, v40;
	v56 =	vadd.s32 v17, v51;
	[tilespmem:$0x520] =	vst v53  }
0x40: {  	v59 =	vmul.u32 $0x3, v46;
	v58 =	vadd.s32 v37, v54;
	[tilespmem:$0x530] =	vst v56  }
0x41: {  	v61 =	vmul.u32 $0x3, v49;
	v60 =	vadd.s32 v43, v57;
	[tilespmem:$0x540] =	vst v58  }
0x42: {  	v62 =	vadd.s32 v52, v59;
	[tilespmem:$0x550] =	vst v60  }
0x43: {  	v63 =	vadd.s32 v55, v61;
	[tilespmem:$0x560] =	vst v62  }
0x44: {  	s22 =	simm.s32 $0x2BC0;
	[tilespmem:$0x568] =	vst v63  }
0x45: {  	[tilespmem:s22], [sflag:$0x3] =	stream.indirect.gather [hbm4b:s9+s24], $0x58, s21, s24, $0xb8;
	[tilespmem:$0x17D40] =	vst v63  }
0x46: {  	s25 =	simm.s32 $0x4B0;
	s30 =	simm.s32 $0x640  }
0x47: {  	[tilespmem:s30], [sflag:$0x3] =	stream.indirect.gather [hbm4b:s8+s24], $0x18, s25, s24, $0xb8;
	[tilespmem:$0x17D40] =	vst v63  }
0x48: {  	s12 =	simm.s32 $0x3A0;
	s13 =	simm.s32 $0x57C0  }
0x49: {  	[tilespmem:s13], [sflag:$0x3] =	stream.indirect.gather [hbm4b:s9+s29], $0x58, s12, s29, $0xb8;
	[tilespmem:$0x17D40] =	vst v63  }
0x4a: {  	s21 =	simm.s32 $0x530;
	s22 =	simm.s32 $0x1240  }
0x4b: {  	[tilespmem:s22], [sflag:$0x3] =	stream.indirect.gather [hbm4b:s8+s29], $0x18, s21, s29, $0xb8;
	[tilespmem:$0x17D40] =	vst v63  }
0x4c: {  	s25 =	rddreg [dreg:$0x7];
	s30 =	simm.s32 $0xB540  }
0x4d: {  	[tilespmem:s30], [sflag:$0x3] =	stream.linear.gather [hbm4b:s25+s4], $0x6400, $0x38;
	[tilespmem:$0x17D40] =	vst v63  }
0x4e: {  	s12 =	rddreg [dreg:$0x8];
	s13 =	simm.s32 $0xC8  }
0x4f: {  	[tilespmem:s13], [sflag:$0x2] =	stream.linear.gather [hbm4b:s12+s4], $0xC8, $0x38;
	[tilespmem:$0x17D40] =	vst v63  }
0x50: {  	s21 =	rddreg [dreg:$0x9];
	s22 =	simm.s32 $0x258  }
0x51: {  	[tilespmem:s22], [sflag:$0x2] =	stream.linear.gather [hbm4b:s21+s4], $0xC8, $0x38;
	[tilespmem:$0x17D40] =	vst v63  }
0x52: {  	s28 =	simm.s32 $0x0;
	s25 =	rddreg [dreg:$0xa];
	s30 =	simm.s32 $0x3E8  }
0x53: {  	[tilespmem:s30], [sflag:$0x2] =	stream.linear.gather [hbm4b:s25+s4], $0xC8, $0x38;
	[tilespmem:$0x17D40] =	vst v63  }
.LBB2_2:
0x54: {  	_ =	swait.ge [sflag:s31], $0xC8  }
0x55: {  	[sflag:s31] =	ssyncset.done $0x0  }
0x56: {  	[sflag:s31] =	ssyncadd.s32 $0xFFFFFF38  }
0x57: {  	_ =	swait.ge [sflag:s31], $0xC8  }
0x58: {  	[sflag:s31] =	ssyncset.done $0x0  }
0x59: {  	[sflag:s31] =	ssyncadd.s32 $0xFFFFFF38  }
0x5a: {  	_ =	swait.ge [sflag:s31], $0xC8  }
0x5b: {  	[sflag:s31] =	ssyncset.done $0x0  }
0x5c: {  	[sflag:s31] =	ssyncadd.s32 $0xFFFFFF38  }
0x5d: {  	v0 =	vld [tilespmem:$0xC8]  }
0x5e: {  	v1 =	vld [tilespmem:$0x258]  }
0x5f: {  	v2 =	vld [tilespmem:$0xD8]  }
0x60: {  	v3 =	vld [tilespmem:$0x268]  }
0x61: {  	v4 =	vld [tilespmem:$0xE8]  }
0x62: {  	v5 =	vld [tilespmem:$0x278]  }
0x63: {  	v6 =	vld [tilespmem:$0xF8]  }
0x64: {  	v7 =	vld [tilespmem:$0x288]  }
0x65: {  	v8 =	vld [tilespmem:$0x108]  }
0x66: {  	v9 =	vld [tilespmem:$0x298]  }
0x67: {  	v10 =	vld [tilespmem:$0x118]  }
0x68: {  	v11 =	vld [tilespmem:$0x2A8]  }
0x69: {  	v12 =	vld [tilespmem:$0x128]  }
0x6a: {  	v13 =	vld [tilespmem:$0x2B8]  }
0x6b: {  	v14 =	vld [tilespmem:$0x138]  }
0x6c: {  	v15 =	vld [tilespmem:$0x2C8]  }
0x6d: {  	v16 =	vld [tilespmem:$0x148];
	v0 =	vmul.u32 $0x3, v0  }
0x6e: {  	v17 =	vld [tilespmem:$0x2D8];
	v2 =	vmul.u32 $0x3, v2  }
0x6f: {  	v34 =	vld [tilespmem:$0x158];
	v33 =	vmul.u32 $0x3, v4;
	v0 =	vadd.s32 v1, v0  }
0x70: {  	v37 =	vld [tilespmem:$0x2E8];
	v36 =	vmul.u32 $0x3, v6;
	v35 =	vadd.s32 v3, v2;
	[tilespmem:$0x578] =	vst v0  }
0x71: {  	v40 =	vld [tilespmem:$0x168];
	v39 =	vmul.u32 $0x3, v8;
	v38 =	vadd.s32 v5, v33;
	[tilespmem:$0x588] =	vst v35  }
0x72: {  	v43 =	vld [tilespmem:$0x2F8];
	v42 =	vmul.u32 $0x3, v10;
	v41 =	vadd.s32 v7, v36;
	[tilespmem:$0x598] =	vst v38  }
0x73: {  	v46 =	vld [tilespmem:$0x178];
	v45 =	vmul.u32 $0x3, v12;
	v44 =	vadd.s32 v9, v39;
	[tilespmem:$0x5A8] =	vst v41  }
0x74: {  	v49 =	vld [tilespmem:$0x180];
	v48 =	vmul.u32 $0x3, v14;
	v47 =	vadd.s32 v11, v42;
	[tilespmem:$0x5B8] =	vst v44  }
0x75: {  	v52 =	vld [tilespmem:$0x308];
	v51 =	vmul.u32 $0x3, v16;
	v50 =	vadd.s32 v13, v45;
	[tilespmem:$0x5C8] =	vst v47  }
0x76: {  	v55 =	vld [tilespmem:$0x310];
	v54 =	vmul.u32 $0x3, v34;
	v53 =	vadd.s32 v15, v48;
	[tilespmem:$0x5D8] =	vst v50  }
0x77: {  	v57 =	vmul.u32 $0x3, v40;
	v56 =	vadd.s32 v17, v51;
	[tilespmem:$0x5E8] =	vst v53  }
0x78: {  	v59 =	vmul.u32 $0x3, v46;
	v58 =	vadd.s32 v37, v54;
	[tilespmem:$0x5F8] =	vst v56  }
0x79: {  	v61 =	vmul.u32 $0x3, v49;
	v60 =	vadd.s32 v43, v57;
	[tilespmem:$0x608] =	vst v58  }
0x7a: {  	v62 =	vadd.s32 v52, v59;
	[tilespmem:$0x618] =	vst v60  }
0x7b: {  	v63 =	vadd.s32 v55, v61;
	[tilespmem:$0x628] =	vst v62  }
0x7c: {  	[tilespmem:$0x630] =	vst v63  }
0x7d: {  	_ =	swait.ge [sflag:s0], $0x2C00  }
0x7e: {  	[sflag:s0] =	ssyncset.done $0x0  }
0x7f: {  	[sflag:s0] =	ssyncadd.s32 $0xFFFFD400  }
0x80: {  	_ =	swait.ge [sflag:s0], $0xC00  }
0x81: {  	[sflag:s0] =	ssyncset.done $0x0  }
0x82: {  	[sflag:s0] =	ssyncadd.s32 $0xFFFFF400  }
0x83: {  	_ =	swait.ge [sflag:s0], $0x18C0  }
0x84: {  	[sflag:s0] =	ssyncset.done $0x0  }
0x85: {  	[sflag:s0] =	ssyncadd.s32 $0xFFFFE740  }
0x86: {  	_ =	swait.ge [sflag:s0], $0x6C0  }
0x87: {  	[sflag:s0] =	ssyncset.done $0x0  }
0x88: {  	[sflag:s0] =	ssyncadd.s32 $0xFFFFF940  }
0x89: {  	_ =	swait.ge [sflag:s0], $0x6400  }
0x8a: {  	[sflag:s0] =	ssyncset.done $0x0  }
0x8b: {  	s11 =	simm.s32 $0x3E8;
	[sflag:s0] =	ssyncadd.s32 $0xFFFF9C00  }
0x8c: {  	[tilespmem:s3], [sflag:$0x4] =	stream.indirect.gather [hbm4b:s9+s24], $0x58, s11, s24, $0xb8;
	[tilespmem:$0x17D40] =	vst v63  }
0x8d: {  	s13 =	simm.s32 $0x578;
	s12 =	simm.s32 $0x1900  }
0x8e: {  	[tilespmem:s12], [sflag:$0x4] =	stream.indirect.gather [hbm4b:s8+s24], $0x18, s13, s24, $0xb8;
	[tilespmem:$0x17D40] =	vst v63  }
0x8f: {  	s21 =	simm.s32 $0x468;
	s22 =	simm.s32 $0x9C80  }
0x90: {  	[tilespmem:s22], [sflag:$0x4] =	stream.indirect.gather [hbm4b:s9+s29], $0x58, s21, s29, $0xb8;
	[tilespmem:$0x17D40] =	vst v63  }
0x91: {  	s22 =	sshll.u32 s28, $0x1  }
0x92: {  	s25 =	simm.s32 $0x5F8;
	s30 =	simm.s32 $0x2500;
	s11 =	sor.u32 s20, s22  }
0x93: {  	[tilespmem:s30], [sflag:$0x4] =	stream.indirect.gather [hbm4b:s8+s29], $0x18, s25, s29, $0xb8;
	[tilespmem:$0x17D40] =	vst v63  }
0x94: {  	p0 =	seq.s32 s28, $0x3F;
	s12 =	sadd.s32 $0x2, s22;
	s13 =	smul.u32 $0xC80, s11  }
0x95: {  	s12 =	sadd.s32 @!p0 s10, s12  }
0x96: {  	p1 =	seq.s32 @!p0 s28, $0x0;
	s21 =	smul.u32 @!p0 $0x19, s12;
	s13 =	sadd.s32 s1, s13  }
0x97: {  	[tilespmem:s14], [sflag:$0x4] =	stream.linear.gather [hbm4b:s13+s4], $0x6400, $0x38;
	[tilespmem:$0x17D40] =	vst v63  }
0x98: {  	p1 =	por p0, !p1;
	s25 =	simm.s32 @!p0 $0x0;
	s13 =	sadd.s32 @!p0 s5, s21  }
0x99: {  	[tilespmem:s25], [sflag:$0x1] =	stream.linear.gather @!p0 [hbm4b:s13+s25], $0xC8, $0x38;
	[tilespmem:$0x17D40] =	vst v63  }
.Ltmp0:
0x9a: {  	_ = 	snop;
	(pc) =	sbr.rel @!p1 .LBB2_3-.Ltmp0, $4  }
0x9b: {  	s30 =	simm.s32 @!p0 $0x190;
	s13 =	sadd.s32 @!p0 s6, s21  }
0x9c: {  	[tilespmem:s30], [sflag:$0x1] =	stream.linear.gather @!p0 [hbm4b:s13+s25], $0xC8, $0x38;
	[tilespmem:$0x17D40] =	vst v63  }
0x9d: {  	s13 =	sadd.s32 @!p0 s7, s21;
	s21 =	simm.s32 @!p0 $0x320  }
0x9e: {  	[tilespmem:s21], [sflag:$0x1] =	stream.linear.gather @!p0 [hbm4b:s13+s25], $0xC8, $0x38;
	[tilespmem:$0x17D40] =	vst v63  }
0x9f: {  	_ =	swait.ge [sflag:s19], $0x6400  }
.Ltmp1:
0xa0: {  	[sflag:s19] =	ssyncset.done $0x0;
	(pc) =	sbr.rel .LBB2_5-.Ltmp1, $4  }
0xa1: {  	[sflag:s19] =	ssyncadd.s32 $0xFFFF9C00  }
0xa2: {  	_ =	swait.ge [sflag:s19], $0x44C0  }
0xa3: {  	[sflag:s19] =	ssyncset.done $0x0  }
0xa4: {  	p1 =	por $0x0, $0x0;
	[sflag:s19] =	ssyncadd.s32 $0xFFFFBB40  }
.LBB2_3:
0xa5: {  	p1 =	por @!p0 $0x1, $0x1  }
.LBB2_5:
0xa6: {  	s21 =	simm.s32 $0x6A0  }
0xa7: {  	v0 =	vld [tilespmem:s21+$0xFFFFFFA0];
	_ =	sdelay $0x3  }
0xa8: {  	s13 =	simm.s32 $0x2D20  }
0xa9: {  	[tilespmem:s13+$0xFFFFFEA0] =	vst v0  }
0xaa: {  	v0 =	vld [tilespmem:s21+$0xFFFFFFA8];
	_ =	sdelay $0x4  }
0xab: {  	[tilespmem:s13+$0xFFFFFEA8] =	vst v0  }
0xac: {  	v0 =	vld [tilespmem:s21+$0xFFFFFFB8];
	_ =	sdelay $0x4  }
0xad: {  	[tilespmem:s13+$0xFFFFFEF8] =	vst v0  }
0xae: {  	v0 =	vld [tilespmem:s21+$0xFFFFFFC0];
	_ =	sdelay $0x4  }
0xaf: {  	[tilespmem:s13+$0xFFFFFF00] =	vst v0  }
0xb0: {  	v0 =	vld [tilespmem:s21+$0xFFFFFFD0];
	_ =	sdelay $0x4  }
0xb1: {  	[tilespmem:s13+$0xFFFFFF50] =	vst v0  }
0xb2: {  	v0 =	vld [tilespmem:s21+$0xFFFFFFD8];
	_ =	sdelay $0x4  }
0xb3: {  	[tilespmem:s13+$0xFFFFFF58] =	vst v0  }
0xb4: {  	v0 =	vld [tilespmem:s21+$0xFFFFFFE8];
	_ =	sdelay $0x4  }
0xb5: {  	[tilespmem:s13+$0xFFFFFFA8] =	vst v0  }
0xb6: {  	v0 =	vld [tilespmem:s21+$0xFFFFFFF0];
	_ =	sdelay $0x4  }
0xb7: {  	[tilespmem:s13+$0xFFFFFFB0] =	vst v0  }
0xb8: {  	v0 =	vld [tilespmem:s21+$0x0];
	_ =	sdelay $0x4  }
0xb9: {  	[tilespmem:s13+$0x0] =	vst v0  }
0xba: {  	v0 =	vld [tilespmem:s21+$0x8];
	_ =	sdelay $0x4  }
0xbb: {  	[tilespmem:s13+$0x8] =	vst v0  }
0xbc: {  	v0 =	vld [tilespmem:s21+$0x18];
	_ =	sdelay $0x4  }
0xbd: {  	[tilespmem:s13+$0x58] =	vst v0  }
0xbe: {  	v0 =	vld [tilespmem:s21+$0x20];
	_ =	sdelay $0x4  }
0xbf: {  	[tilespmem:s13+$0x60] =	vst v0  }
0xc0: {  	v0 =	vld [tilespmem:s21+$0x30];
	_ =	sdelay $0x4  }
0xc1: {  	[tilespmem:s13+$0xB0] =	vst v0  }
0xc2: {  	v0 =	vld [tilespmem:s21+$0x38];
	_ =	sdelay $0x4  }
0xc3: {  	[tilespmem:s13+$0xB8] =	vst v0  }
0xc4: {  	v0 =	vld [tilespmem:s21+$0x48];
	_ =	sdelay $0x4  }
0xc5: {  	[tilespmem:s13+$0x108] =	vst v0  }
0xc6: {  	v0 =	vld [tilespmem:s21+$0x50];
	_ =	sdelay $0x4  }
0xc7: {  	s25 =	simm.s32 $0x0;
	s21 =	simm.s32 $0x760;
	[tilespmem:s13+$0x110] =	vst v0  }
.LBB2_6:
0xc8: {  	v0 =	vld [tilespmem:s21+$0xFFFFFFA0];
	s25 =	sadd.s32 $0x8, s25  }
0xc9: {  	p2 =	slt.u32 s25, $0xC0;
	_ =	sdelay $0x2  }
0xca: {  	s13 =	sadd.s32 $0x2C0, s13  }
0xcb: {  	[tilespmem:s13+$0xFFFFFEA0] =	vst v0  }
0xcc: {  	v0 =	vld [tilespmem:s21+$0xFFFFFFA8];
	_ =	sdelay $0x4  }
0xcd: {  	[tilespmem:s13+$0xFFFFFEA8] =	vst v0  }
0xce: {  	v0 =	vld [tilespmem:s21+$0xFFFFFFB8];
	_ =	sdelay $0x4  }
0xcf: {  	[tilespmem:s13+$0xFFFFFEF8] =	vst v0  }
0xd0: {  	v0 =	vld [tilespmem:s21+$0xFFFFFFC0];
	_ =	sdelay $0x4  }
0xd1: {  	[tilespmem:s13+$0xFFFFFF00] =	vst v0  }
0xd2: {  	v0 =	vld [tilespmem:s21+$0xFFFFFFD0];
	_ =	sdelay $0x4  }
0xd3: {  	[tilespmem:s13+$0xFFFFFF50] =	vst v0  }
0xd4: {  	v0 =	vld [tilespmem:s21+$0xFFFFFFD8];
	_ =	sdelay $0x4  }
0xd5: {  	[tilespmem:s13+$0xFFFFFF58] =	vst v0  }
0xd6: {  	v0 =	vld [tilespmem:s21+$0xFFFFFFE8];
	_ =	sdelay $0x4  }
0xd7: {  	[tilespmem:s13+$0xFFFFFFA8] =	vst v0  }
0xd8: {  	v0 =	vld [tilespmem:s21+$0xFFFFFFF0];
	_ =	sdelay $0x4  }
0xd9: {  	[tilespmem:s13+$0xFFFFFFB0] =	vst v0  }
0xda: {  	v0 =	vld [tilespmem:s21+$0x0];
	_ =	sdelay $0x4  }
0xdb: {  	[tilespmem:s13+$0x0] =	vst v0  }
0xdc: {  	v0 =	vld [tilespmem:s21+$0x8];
	_ =	sdelay $0x4  }
0xdd: {  	[tilespmem:s13+$0x8] =	vst v0  }
0xde: {  	v0 =	vld [tilespmem:s21+$0x18];
	_ =	sdelay $0x4  }
0xdf: {  	[tilespmem:s13+$0x58] =	vst v0  }
0xe0: {  	v0 =	vld [tilespmem:s21+$0x20];
	_ =	sdelay $0x4  }
0xe1: {  	[tilespmem:s13+$0x60] =	vst v0  }
0xe2: {  	v0 =	vld [tilespmem:s21+$0x30];
	_ =	sdelay $0x4  }
0xe3: {  	[tilespmem:s13+$0xB0] =	vst v0  }
0xe4: {  	v0 =	vld [tilespmem:s21+$0x38];
	_ =	sdelay $0x4  }
0xe5: {  	[tilespmem:s13+$0xB8] =	vst v0  }
0xe6: {  	v0 =	vld [tilespmem:s21+$0x48];
	_ =	sdelay $0x4  }
0xe7: {  	[tilespmem:s13+$0x108] =	vst v0  }
0xe8: {  	v0 =	vld [tilespmem:s21+$0x50]  }
.Ltmp2:
0xe9: {  	(pc) =	sbr.rel @p2 .LBB2_6-.Ltmp2, $2  }
0xea: {  	_ =	sdelay $0x2  }
0xeb: {  	s21 =	sadd.s32 $0xC0, s21;
	[tilespmem:s13+$0x110] =	vst v0  }
0xec: {  	s13 =	sadd.s32 s10, s22  }
0xed: {  	s13 =	smul.u32 $0x1518, s13  }
.Ltmp3:
0xee: {  	_ = 	snop;
	(pc) =	sbr.rel @p0 .LBB2_9-.Ltmp3, $4  }
0xef: {  	s21 =	simm.s32 $0xB540;
	s13 =	sadd.s32 s2, s13  }
0xf0: {  	[hbm4b:s13+s24] =	stream.strided.scatter [tilespmem:s21], [sflag:$0x5], $0x6400, s15, s24, $0x38;
	[tilespmem:$0x17D40] =	vst v63  }
0xf1: {  	s30 =	simm.s32 $0x2BC0;
	s13 =	sadd.s32 $0x10, s13  }
0xf2: {  	[hbm4b:s13+s16] =	stream.strided.scatter [tilespmem:s30], [sflag:$0x5], $0x44C0, s15, s16, $0x38;
	[tilespmem:$0x17D40] =	vst v63  }
0xf3: {  	_ =	swait.ge [sflag:s23], $0xC8  }
0xf4: {  	[sflag:s23] =	ssyncset.done $0x0  }
0xf5: {  	[sflag:s23] =	ssyncadd.s32 $0xFFFFFF38  }
0xf6: {  	_ =	swait.ge [sflag:s23], $0xC8  }
0xf7: {  	[sflag:s23] =	ssyncset.done $0x0  }
0xf8: {  	[sflag:s23] =	ssyncadd.s32 $0xFFFFFF38  }
0xf9: {  	_ =	swait.ge [sflag:s23], $0xC8  }
0xfa: {  	[sflag:s23] =	ssyncset.done $0x0  }
0xfb: {  	[sflag:s23] =	ssyncadd.s32 $0xFFFFFF38  }
0xfc: {  	v0 =	vld [tilespmem:$0x0]  }
0xfd: {  	v1 =	vld [tilespmem:$0x190]  }
0xfe: {  	v2 =	vld [tilespmem:$0x10]  }
0xff: {  	v3 =	vld [tilespmem:$0x1A0]  }
0x100: {  	v4 =	vld [tilespmem:$0x20]  }
0x101: {  	v5 =	vld [tilespmem:$0x1B0]  }
0x102: {  	v6 =	vld [tilespmem:$0x30]  }
0x103: {  	v7 =	vld [tilespmem:$0x1C0]  }
0x104: {  	v8 =	vld [tilespmem:$0x40]  }
0x105: {  	v9 =	vld [tilespmem:$0x1D0]  }
0x106: {  	v10 =	vld [tilespmem:$0x50]  }
0x107: {  	v11 =	vld [tilespmem:$0x1E0]  }
0x108: {  	v12 =	vld [tilespmem:$0x60]  }
0x109: {  	v13 =	vld [tilespmem:$0x1F0]  }
0x10a: {  	v14 =	vld [tilespmem:$0x70]  }
0x10b: {  	v15 =	vld [tilespmem:$0x200]  }
0x10c: {  	v16 =	vld [tilespmem:$0x80];
	v0 =	vmul.u32 $0x3, v0  }
0x10d: {  	v17 =	vld [tilespmem:$0x210];
	v2 =	vmul.u32 $0x3, v2  }
0x10e: {  	v34 =	vld [tilespmem:$0x90];
	v33 =	vmul.u32 $0x3, v4;
	v0 =	vadd.s32 v1, v0  }
0x10f: {  	v37 =	vld [tilespmem:$0x220];
	v36 =	vmul.u32 $0x3, v6;
	v35 =	vadd.s32 v3, v2;
	[tilespmem:$0x4B0] =	vst v0  }
0x110: {  	v40 =	vld [tilespmem:$0xA0];
	v39 =	vmul.u32 $0x3, v8;
	v38 =	vadd.s32 v5, v33;
	[tilespmem:$0x4C0] =	vst v35  }
0x111: {  	v43 =	vld [tilespmem:$0x230];
	v42 =	vmul.u32 $0x3, v10;
	v41 =	vadd.s32 v7, v36;
	[tilespmem:$0x4D0] =	vst v38  }
0x112: {  	v46 =	vld [tilespmem:$0xB0];
	v45 =	vmul.u32 $0x3, v12;
	v44 =	vadd.s32 v9, v39;
	[tilespmem:$0x4E0] =	vst v41  }
0x113: {  	v49 =	vld [tilespmem:$0xB8];
	v48 =	vmul.u32 $0x3, v14;
	v47 =	vadd.s32 v11, v42;
	[tilespmem:$0x4F0] =	vst v44  }
0x114: {  	v52 =	vld [tilespmem:$0x240];
	v51 =	vmul.u32 $0x3, v16;
	v50 =	vadd.s32 v13, v45;
	[tilespmem:$0x500] =	vst v47  }
0x115: {  	v55 =	vld [tilespmem:$0x248];
	v54 =	vmul.u32 $0x3, v34;
	v53 =	vadd.s32 v15, v48;
	[tilespmem:$0x510] =	vst v50  }
0x116: {  	v57 =	vmul.u32 $0x3, v40;
	v56 =	vadd.s32 v17, v51;
	[tilespmem:$0x520] =	vst v53  }
0x117: {  	v59 =	vmul.u32 $0x3, v46;
	v58 =	vadd.s32 v37, v54;
	[tilespmem:$0x530] =	vst v56  }
0x118: {  	v61 =	vmul.u32 $0x3, v49;
	v60 =	vadd.s32 v43, v57;
	[tilespmem:$0x540] =	vst v58  }
0x119: {  	v62 =	vadd.s32 v52, v59;
	[tilespmem:$0x550] =	vst v60  }
0x11a: {  	v63 =	vadd.s32 v55, v61;
	[tilespmem:$0x560] =	vst v62  }
0x11b: {  	[tilespmem:$0x568] =	vst v63  }
.LBB2_9:
0x11c: {  	_ =	swait.ge [sflag:s17], $0x2C00  }
0x11d: {  	[sflag:s17] =	ssyncset.done $0x0  }
0x11e: {  	[sflag:s17] =	ssyncadd.s32 $0xFFFFD400  }
0x11f: {  	_ =	swait.ge [sflag:s17], $0xC00  }
0x120: {  	[sflag:s17] =	ssyncset.done $0x0  }
0x121: {  	[sflag:s17] =	ssyncadd.s32 $0xFFFFF400  }
0x122: {  	_ =	swait.ge [sflag:s17], $0x18C0  }
0x123: {  	[sflag:s17] =	ssyncset.done $0x0  }
0x124: {  	[sflag:s17] =	ssyncadd.s32 $0xFFFFE740  }
0x125: {  	_ =	swait.ge [sflag:s17], $0x6C0  }
0x126: {  	[sflag:s17] =	ssyncset.done $0x0  }
0x127: {  	[sflag:s17] =	ssyncadd.s32 $0xFFFFF940  }
0x128: {  	_ =	swait.ge [sflag:s17], $0x6400  }
0x129: {  	s13 =	simm.s32 @!p0 $0x80;
	[sflag:s17] =	ssyncset.done $0x0  }
0x12a: {  	s21 =	simm.s32 @!p0 $0x320;
	s25 =	simm.s32 @!p0 $0x2BC0;
	[sflag:s17] =	ssyncadd.s32 $0xFFFF9C00  }
0x12b: {  	[tilespmem:s25], [sflag:$0x3] =	stream.indirect.gather @!p0 [hbm4b:s9+s13], $0x58, s21, s13, $0xb8;
	[tilespmem:$0x17D40] =	vst v63  }
0x12c: {  	s21 =	simm.s32 @!p0 $0x4B0;
	s25 =	simm.s32 @!p0 $0x640  }
0x12d: {  	[tilespmem:s25], [sflag:$0x3] =	stream.indirect.gather @!p0 [hbm4b:s8+s13], $0x18, s21, s13, $0xb8;
	[tilespmem:$0x17D40] =	vst v63  }
0x12e: {  	s13 =	simm.s32 @!p0 $0x48;
	s21 =	simm.s32 @!p0 $0x3A0;
	s25 =	simm.s32 @!p0 $0x57C0  }
0x12f: {  	[tilespmem:s25], [sflag:$0x3] =	stream.indirect.gather @!p0 [hbm4b:s9+s13], $0x58, s21, s13, $0xb8;
	[tilespmem:$0x17D40] =	vst v63  }
0x130: {  	s12 =	smul.u32 @!p0 $0xC80, s12;
	s21 =	simm.s32 @!p0 $0x530;
	s25 =	simm.s32 @!p0 $0x1240  }
0x131: {  	[tilespmem:s25], [sflag:$0x3] =	stream.indirect.gather @!p0 [hbm4b:s8+s13], $0x18, s21, s13, $0xb8;
	[tilespmem:$0x17D40] =	vst v63  }
0x132: {  	s12 =	sadd.s32 @!p0 s1, s12;
	s13 =	sadd.s32 @!p0 s22, s18  }
0x133: {  	s21 =	simm.s32 @!p0 $0x0;
	s22 =	simm.s32 @!p0 $0xB540;
	s13 =	smul.u32 @!p0 $0x19, s13  }
0x134: {  	[tilespmem:s22], [sflag:$0x3] =	stream.linear.gather @!p0 [hbm4b:s12+s21], $0x6400, $0x38;
	[tilespmem:$0x17D40] =	vst v63  }
0x135: {  	s22 =	simm.s32 @!p0 $0xC8;
	s12 =	sadd.s32 @!p0 s5, s13  }
0x136: {  	[tilespmem:s22], [sflag:$0x2] =	stream.linear.gather @!p0 [hbm4b:s12+s21], $0xC8, $0x38;
	[tilespmem:$0x17D40] =	vst v63  }
0x137: {  	s12 =	sadd.s32 @!p0 s6, s13;
	s22 =	simm.s32 @!p0 $0x258  }
0x138: {  	[tilespmem:s22], [sflag:$0x2] =	stream.linear.gather @!p0 [hbm4b:s12+s21], $0xC8, $0x38;
	[tilespmem:$0x17D40] =	vst v63  }
0x139: {  	s12 =	sadd.s32 @!p0 s7, s13;
	s13 =	simm.s32 @!p0 $0x3E8  }
0x13a: {  	[tilespmem:s13], [sflag:$0x2] =	stream.linear.gather @!p0 [hbm4b:s12+s21], $0xC8, $0x38;
	[tilespmem:$0x17D40] =	vst v63  }
0x13b: {  	p0 =	por p0, !p1  }
0x13c: {  	_ =	swait.ge @p0 [sflag:s26], $0x6400  }
0x13d: {  	[sflag:s26] =	ssyncset.done @p0 $0x0  }
0x13e: {  	[sflag:s26] =	ssyncadd.s32 @p0 $0xFFFF9C00  }
0x13f: {  	_ =	swait.ge @p0 [sflag:s26], $0x44C0  }
0x140: {  	[sflag:s26] =	ssyncset.done @p0 $0x0  }
0x141: {  	s30 =	simm.s32 $0x19B0;
	[sflag:s26] =	ssyncadd.s32 @p0 $0xFFFFBB40  }
0x142: {  	v0 =	vld [tilespmem:s30+$0xFFFFFF50];
	_ =	sdelay $0x3  }
0x143: {  	s12 =	simm.s32 $0x72F0  }
0x144: {  	[tilespmem:s12+$0xFFFFFD90] =	vst v0  }
0x145: {  	v0 =	vld [tilespmem:s30+$0xFFFFFF58];
	_ =	sdelay $0x4  }
0x146: {  	[tilespmem:s12+$0xFFFFFD98] =	vst v0  }
0x147: {  	v0 =	vld [tilespmem:s30+$0xFFFFFF68];
	_ =	sdelay $0x4  }
0x148: {  	[tilespmem:s12+$0xFFFFFDE8] =	vst v0  }
0x149: {  	v0 =	vld [tilespmem:s30+$0xFFFFFF70];
	_ =	sdelay $0x4  }
0x14a: {  	[tilespmem:s12+$0xFFFFFDF0] =	vst v0  }
0x14b: {  	v0 =	vld [tilespmem:s30+$0xFFFFFF80];
	_ =	sdelay $0x4  }
0x14c: {  	[tilespmem:s12+$0xFFFFFE40] =	vst v0  }
0x14d: {  	v0 =	vld [tilespmem:s30+$0xFFFFFF88];
	_ =	sdelay $0x4  }
0x14e: {  	[tilespmem:s12+$0xFFFFFE48] =	vst v0  }
0x14f: {  	v0 =	vld [tilespmem:s30+$0xFFFFFF98];
	_ =	sdelay $0x4  }
0x150: {  	[tilespmem:s12+$0xFFFFFE98] =	vst v0  }
0x151: {  	v0 =	vld [tilespmem:s30+$0xFFFFFFA0];
	_ =	sdelay $0x4  }
0x152: {  	[tilespmem:s12+$0xFFFFFEA0] =	vst v0  }
0x153: {  	v0 =	vld [tilespmem:s30+$0xFFFFFFB0];
	_ =	sdelay $0x4  }
0x154: {  	[tilespmem:s12+$0xFFFFFEF0] =	vst v0  }
0x155: {  	v0 =	vld [tilespmem:s30+$0xFFFFFFB8];
	_ =	sdelay $0x4  }
0x156: {  	[tilespmem:s12+$0xFFFFFEF8] =	vst v0  }
0x157: {  	v0 =	vld [tilespmem:s30+$0xFFFFFFC8];
	_ =	sdelay $0x4  }
0x158: {  	[tilespmem:s12+$0xFFFFFF48] =	vst v0  }
0x159: {  	v0 =	vld [tilespmem:s30+$0xFFFFFFD0];
	_ =	sdelay $0x4  }
0x15a: {  	[tilespmem:s12+$0xFFFFFF50] =	vst v0  }
0x15b: {  	v0 =	vld [tilespmem:s30+$0xFFFFFFE0];
	_ =	sdelay $0x4  }
0x15c: {  	[tilespmem:s12+$0xFFFFFFA0] =	vst v0  }
0x15d: {  	v0 =	vld [tilespmem:s30+$0xFFFFFFE8];
	_ =	sdelay $0x4  }
0x15e: {  	[tilespmem:s12+$0xFFFFFFA8] =	vst v0  }
0x15f: {  	v0 =	vld [tilespmem:s30+$0xFFFFFFF8];
	_ =	sdelay $0x4  }
0x160: {  	[tilespmem:s12+$0xFFFFFFF8] =	vst v0  }
0x161: {  	v0 =	vld [tilespmem:s30+$0x0];
	_ =	sdelay $0x4  }
0x162: {  	s13 =	simm.s32 $0x0;
	s21 =	simm.s32 $0x1A70;
	[tilespmem:s12+$0x0] =	vst v0  }
.LBB2_10:
0x163: {  	v0 =	vld [tilespmem:s21+$0xFFFFFF50];
	s13 =	sadd.s32 $0x8, s13  }
0x164: {  	p0 =	slt.u32 s13, $0xC0;
	_ =	sdelay $0x2  }
0x165: {  	s12 =	sadd.s32 $0x2C0, s12  }
0x166: {  	[tilespmem:s12+$0xFFFFFD90] =	vst v0  }
0x167: {  	v0 =	vld [tilespmem:s21+$0xFFFFFF58];
	_ =	sdelay $0x4  }
0x168: {  	[tilespmem:s12+$0xFFFFFD98] =	vst v0  }
0x169: {  	v0 =	vld [tilespmem:s21+$0xFFFFFF68];
	_ =	sdelay $0x4  }
0x16a: {  	[tilespmem:s12+$0xFFFFFDE8] =	vst v0  }
0x16b: {  	v0 =	vld [tilespmem:s21+$0xFFFFFF70];
	_ =	sdelay $0x4  }
0x16c: {  	[tilespmem:s12+$0xFFFFFDF0] =	vst v0  }
0x16d: {  	v0 =	vld [tilespmem:s21+$0xFFFFFF80];
	_ =	sdelay $0x4  }
0x16e: {  	[tilespmem:s12+$0xFFFFFE40] =	vst v0  }
0x16f: {  	v0 =	vld [tilespmem:s21+$0xFFFFFF88];
	_ =	sdelay $0x4  }
0x170: {  	[tilespmem:s12+$0xFFFFFE48] =	vst v0  }
0x171: {  	v0 =	vld [tilespmem:s21+$0xFFFFFF98];
	_ =	sdelay $0x4  }
0x172: {  	[tilespmem:s12+$0xFFFFFE98] =	vst v0  }
0x173: {  	v0 =	vld [tilespmem:s21+$0xFFFFFFA0];
	_ =	sdelay $0x4  }
0x174: {  	[tilespmem:s12+$0xFFFFFEA0] =	vst v0  }
0x175: {  	v0 =	vld [tilespmem:s21+$0xFFFFFFB0];
	_ =	sdelay $0x4  }
0x176: {  	[tilespmem:s12+$0xFFFFFEF0] =	vst v0  }
0x177: {  	v0 =	vld [tilespmem:s21+$0xFFFFFFB8];
	_ =	sdelay $0x4  }
0x178: {  	[tilespmem:s12+$0xFFFFFEF8] =	vst v0  }
0x179: {  	v0 =	vld [tilespmem:s21+$0xFFFFFFC8];
	_ =	sdelay $0x4  }
0x17a: {  	[tilespmem:s12+$0xFFFFFF48] =	vst v0  }
0x17b: {  	v0 =	vld [tilespmem:s21+$0xFFFFFFD0];
	_ =	sdelay $0x4  }
0x17c: {  	[tilespmem:s12+$0xFFFFFF50] =	vst v0  }
0x17d: {  	v0 =	vld [tilespmem:s21+$0xFFFFFFE0];
	_ =	sdelay $0x4  }
0x17e: {  	[tilespmem:s12+$0xFFFFFFA0] =	vst v0  }
0x17f: {  	v0 =	vld [tilespmem:s21+$0xFFFFFFE8];
	_ =	sdelay $0x4  }
0x180: {  	[tilespmem:s12+$0xFFFFFFA8] =	vst v0  }
0x181: {  	v0 =	vld [tilespmem:s21+$0xFFFFFFF8];
	_ =	sdelay $0x4  }
0x182: {  	[tilespmem:s12+$0xFFFFFFF8] =	vst v0  }
0x183: {  	v0 =	vld [tilespmem:s21+$0x0]  }
.Ltmp4:
0x184: {  	(pc) =	sbr.rel @p0 .LBB2_10-.Ltmp4, $2  }
0x185: {  	_ =	sdelay $0x2  }
0x186: {  	s21 =	sadd.s32 $0xC0, s21;
	[tilespmem:s12+$0x0] =	vst v0  }
0x187: {  	s28 =	sadd.s32 $0x1, s28  }
0x188: {  	s11 =	smul.u32 $0x1518, s11;
	p0 =	sne.s32 s28, $0x40  }
.Ltmp5:
0x189: {  	_ = 	snop;
	(pc) =	sbr.rel @p0 .LBB2_2-.Ltmp5, $4  }
0x18a: {  	s11 =	sadd.s32 s2, s11  }
0x18b: {  	[hbm4b:s11+s24] =	stream.strided.scatter [tilespmem:s14], [sflag:$0x6], $0x6400, s15, s24, $0x38;
	[tilespmem:$0x17D40] =	vst v63  }
0x18c: {  	s11 =	sadd.s32 $0x10, s11  }
0x18d: {  	[hbm4b:s11+s16] =	stream.strided.scatter [tilespmem:s3], [sflag:$0x6], $0x44C0, s15, s16, $0x38;
	[tilespmem:$0x17D40] =	vst v63  }
0x18e: {  	_ =	swait.ge [sflag:s19], $0x6400  }
0x18f: {  	[sflag:s19] =	ssyncset.done $0x0  }
0x190: {  	[sflag:s19] =	ssyncadd.s32 $0xFFFF9C00  }
0x191: {  	_ =	swait.ge [sflag:s19], $0x44C0  }
0x192: {  	[sflag:s19] =	ssyncset.done $0x0  }
0x193: {  	[sflag:s19] =	ssyncadd.s32 $0xFFFFBB40  }
0x194: {  	_ =	swait.ge [sflag:s26], $0x6400  }
0x195: {  	[sflag:s26] =	ssyncset.done $0x0  }
0x196: {  	[sflag:s26] =	ssyncadd.s32 $0xFFFF9C00  }
0x197: {  	_ =	swait.ge [sflag:s26], $0x44C0  }
0x198: {  	s12 =	rddreg [dreg:$0xc]  }
0x199: {  	s11 =	rddreg [dreg:$0xb];
	s12 =	sadd.s32 $0x1, s12  }
0x19a: {  	p0 =	sne.s32 s12, s11  }
.Ltmp6:
0x19b: {  	_ = 	snop;
	(pc) =	sbr.rel @p0 .LBB2_1-.Ltmp6, $3  }
0x19c: {  	_ =	sdelay $0x1  }
0x19d: {  	[sflag:s26] =	ssyncset.done $0x0  }
0x19e: {  	[sflag:s26] =	ssyncadd.s32 $0xFFFFBB40  }
0x19f: {  	_ =	sfence.sel $0x180000  }
0x1a0: {  	[bflag:$0x0] =	sbarrier.arrive $0xFFFF  }
0x1a1: {  	_ =	strace $0x90000047  }
0x1a2: {  	s0 =	stileid.u32;
	[bflag:$0x2] =	sbarrier.arrive $0xFFFF  }
0x1a3: {  	p0 =	sne.s32 s0, $0x0;
	s0 =	rddreg [dreg:$0x3]  }
0x1a4: {  	s0 =	sadd.s32 @!p0 $0x100000, s0  }
0x1a5: {  	[sflag:s0] =	ssyncadd.tile.s32 @!p0 $0x1;
	_ =	shalt  }
.Lfunc_end2:
_tile_overlayer_lowered:
.L_overlay_start_2:
0x1a6: {  	(tag) =	ssettag $0x2  }
0x1a7: {  	s0 =	rddreg [dreg:$0x0];
	s2 =	stileid.u32  }
0x1a8: {  	s1 =	rddreg [dreg:$0x1];
	p0 =	sne.s32 s2, $0x0  }
0x1a9: {  	s3 =	rddreg [dreg:$0x2];
	[bflag:$0x3] =	sbarrier.arrive $0xFFFF;
	s2 =	simm.s32 @!p0 $0x1C07  }
0x1aa: {  	[timem:s3], [sflag:s2] =	dma.local @!p0 [hbm:s0], s1  }
0x1ab: {  	s0 =	simm.s32 @!p0 $0x7  }
0x1ac: {  	_ =	swait.ge @!p0 [sflag:s0], s1  }
0x1ad: {  	s1 =	ssub.s32 @!p0 $0x0, s1;
	[sflag:s0] =	ssyncset.done @!p0 $0x0  }
0x1ae: {  	[sflag:s0] =	ssyncadd.s32 @!p0 s1  }
0x1af: {  	[bflag:$0x3] =	sbarrier.arrive $0xFFFF  }
0x1b0: {  	_ =	shalt  }

// kernel: sparse-core-data-format-call.cloned.1.call-start
scs
called_computation_lowered:
.L_overlay_start_0:
0x0: {  	s2 =	sld [smem:$0x3FD9]  }
0x1: {  	s3 =	sld [smem:$0x3FFE];
	_ =	sdelay $0x1  }
0x2: {  	s1 =	srdreg.scid  }
0x3: {  	s0 =	sand.u32 $0x1, s1  }
0x4: {  	s18 =	sshll.u32 s0, $0xA;
	s2 =	sadd.s32 s3, s2  }
0x5: {  	s2 =	sadd.s32 s2, s18  }
0x6: {  	[smem:$0x3FC1] =	sst s2  }
0x7: {  	_ = 	snop  }
0x8: {  	s2 =	sld [smem:$0x3FD0];
	(tm) =	ssettm $0x1  }
0x9: {  	s19 =	sld [smem:$0x3FFB];
	_ =	sdelay $0x3  }
0xa: {  	_ =	strace s19  }
0xb: {  	s3 =	sld [smem:$0x3FFC];
	_ =	sdelay $0x3  }
0xc: {  	_ =	strace s3  }
0xd: {  	s3 =	sld [smem:$0x3FFD];
	_ =	sdelay $0x3  }
0xe: {  	_ =	strace s3  }
0xf: {  	_ =	strace $0x8FFFFFFF  }
0x10: {  	s20 =	sld [smem:$0x3FDB];
	_ =	sdelay $0x1  }
0x11: {  	s4 =	simm.s32 $_scs_section_size  }
0x12: {  	s5 =	simm.s32 $_size__tile_overlayer_lowered;
	s6 =	simm.s32 $_tile_overlayer_lowered  }
0x13: {  	s23 =	simm.s32 $0x1BFF;
	s22 =	sshll.u32 s6, $0x1;
	s3 =	sadd.s32 s4, s20  }
0x14: {  	s7 =	simm.s32 $0x0;
	s21 =	sshll.u32 s5, $0x1;
	s5 =	sadd.s32 s22, s3  }
0x15: {  	[timem:s7], [sflag:s23] =	dma.local [hbm:s5], s21  }
0x16: {  	_ =	swait.ge [sflag:s23], s21  }
0x17: {  	s4 =	ssub.s32 $0x0, s21;
	[sflag:s23] =	ssyncset.done $0x0  }
0x18: {  	[sflag:s23] =	ssyncadd.s32 s4;
	_ =	sdelay $0x1  }
0x19: {  	s24 =	simm.s32 $0x1B8B  }
0x1a: {  	_ =	swait.ge [sflag:s24], $0x1  }
0x1b: {  	[sflag:s24] =	ssyncset.done $0x0  }
0x1c: {  	s26 =	simm.s32 $0x1B8E;
	s25 =	sld [smem:$0x3FFE];
	[sflag:s24] =	ssyncadd.s32 $0xFFFFFFFF  }
0x1d: {  	s27 =	simm.s32 $execute0_lowered;
	[smem:$0x3FD2] =	sst s26  }
0x1e: {  	s5 =	sshll.u32 s27, $0x1;
	_ =	strace $0x80000049;
	[dreg:$0x1] =	wrdreg $0xFFFFFFFF  }
0x1f: {  	s28 =	simm.s32 $_size_execute0_lowered;
	s3 =	sadd.s32 s3, s5;
	[dreg:$0x0] =	wrdreg $0x0  }
0x20: {  	s5 =	sshll.u32 s28, $0x1;
	[dreg:$0x2] =	wrdreg s3  }
0x21: {  	[dreg:$0x3] =	wrdreg s5  }
0x22: {  	[dreg:$0x4] =	wrdreg $0xC0  }
0x23: {  	_ =	task [dreg:s7], $0x5FFFF  }
0x24: {  	[dreg:$0x1] =	wrdreg $0xFFFFFFFF  }
0x25: {  	[dreg:$0x0] =	wrdreg $0x60  }
0x26: {  	[dreg:$0x2] =	wrdreg s25  }
0x27: {  	[dreg:$0x3] =	wrdreg s2  }
0x28: {  	[dreg:$0x4] =	wrdreg $0x9  }
0x29: {  	_ =	task.clear_ibuf [dreg:s7], $0x5FFFF;
	_ =	strace $0x90000049  }
0x2a: {  	s29 =	simm.s32 $0x9;
	_ =	strace $0x8000004B  }
0x2b: {  	_ =	swait.ge [sflag:s29], $0x1  }
0x2c: {  	[sflag:s29] =	ssyncadd.s32 $0xFFFFFFFF  }
0x2d: {  	_ =	strace $0x9000004B  }
0x2e: {  	_ =	sfence  }
0x2f: {  	s30 =	sld [smem:$0x0];
	_ =	sdelay $0x2  }
0x30: {  	s31 =	sshll.u32 s1, $0xD;
	s1 =	sshrl.u32 s1, $0x2  }
0x31: {  	s3 =	sand.u32 $0x4000, s31;
	s1 =	sadd.s32 s1, s30  }
0x32: {  	s0 =	sor.u32 s3, s0;
	s1 =	sshll.u32 s1, $0x11  }
0x33: {  	s0 =	sor.u32 s1, s0  }
0x34: {  	s0 =	sadd.s32 $0x8F2B, s0  }
0x35: {  	[sflag:s0] =	ssyncadd.remote.s32 $0x1  }
0x36: {  	_ =	sfence.sel $0xFFFF  }
0x37: {  	[dreg:$0x0] =	wrdreg $0xFFFFFFFF;
	(pc) =	sbr.abs _section_cstart, $3  }
0x38: {  	[dreg:$0x1] =	wrdreg $0xFFFFFFFF  }
0x39: {  	_ =	task.clear_ibuf [dreg:s7], $0x2FFFF;
	_ =	strace $0x9FFFFFFF  }
0x3a: {  	(tm) =	ssettm $0x7FFFFFFF  }
0x3b: {  	_ =	shalt  }
tec
execute0_lowered:
.L_overlay_start_1:
0x0: {  	(tag) =	ssettag $0x1  }
0x1: {  	s0 =	srdreg.scid;
	s6 =	rddreg [dreg:$0x0]  }
0x2: {  	s3 =	rddreg [dreg:$0x1];
	s1 =	sshll.u32 s0, $0x4  }
0x3: {  	s5 =	simm.s32 $0x1;
	s0 =	stileid.u32;
	s1 =	sand.u32 $0x10, s1  }
0x4: {  	s31 =	simm.s32 $0x2;
	s16 =	simm.s32 $0x0;
	s1 =	sor.u32 s0, s1  }
0x5: {  	s8 =	simm.s32 $0x8000;
	s18 =	simm.s32 $0x0;
	s2 =	sshll.u32 s1, $0x7  }
0x6: {  	s17 =	simm.s32 $0x0;
	s9 =	simm.s32 $0x0;
	s4 =	ssub.s32 $0x1000, s2  }
0x7: {  	s10 =	simm.s32 $0x0;
	s11 =	simm.s32 $0x0;
	s30 =	sand.u32 $0xF80, s4  }
0x8: {  	s12 =	simm.s32 $0x0;
	s13 =	simm.s32 $0x0;
	p0 =	sne.s32 s30, $0x0  }
.Ltmp0:
0x9: {  	s7 =	sshrl.u32 s4, $0xC;
	s5 =	simm.s32 @!p0 $0x0;
	(pc) =	sbr.rel .LBB1_1-.Ltmp0, $4  }
0xa: {  	s15 =	simm.s32 $0x0;
	s1 =	rddreg [dreg:$0x2];
	s5 =	sadd.s32 s5, s7  }
0xb: {  	_ =	strace $0x8000004A;
	s4 =	simm.s32 $0x1;
	s5 =	smul.u32 $0x190, s5  }
0xc: {  	s6 =	sadd.s32 $0xC00, s6;
	s14 =	smov.u32 s2;
	[sflag:s4] =	ssyncpa.u1 $0x0  }
0xd: {  	[sflag:s31] =	ssyncpa.u1 $0x0;
	p0 =	por $0x0, $0x0;
	s7 =	sor.u32 $0x1, s5  }
.LBB1_4:
0xe: {  	s23 =	sshra.s32 s23, $0x2;
	s30 =	sshll.u32 s9, $0xC  }
0xf: {  	p1 =	sgt.s32 s10, $0xC7;
	s24 =	smov.u32 s10;
	s25 =	sshra.s32 s10, $0x1F  }
0x10: {  	s26 =	sshll.u32 s11, $0x3;
	s28 =	smov.u32 s11;
	s29 =	sshra.s32 s11, $0x1F  }
0x11: {  	s22 =	sadd.s32 s23, s22;
	s24 =	simm.s32 @!p1 $0xC7;
	s25 =	sand.u32 s25, s10  }
0x12: {  	s23 =	sand.u32 $0xFFFF8000, s30;
	s27 =	sand.u32 $0xFFFFFC00, s26;
	p1 =	sgt.s32 s9, $0x58  }
0x13: {  	s31 =	sand.u32 s29, s11;
	s29 =	sshll.u32 s9, $0x7;
	s30 =	sshra.s32 s9, $0x1F  }
0x14: {  	[tilespmem:s21+$0x2040 ss:$0x81] =	vst.msk $0xffff, v4;
	s24 =	ssub.s32 s24, s25;
	s23 =	sadd.s32 s27, s23;
	s27 =	smov.u32 s9  }
0x15: {  	[tilespmem:s21+$0x2850 ss:$0x81] =	vst.msk $0xffff, v3;
	s29 =	sand.u32 $0x380, s29;
	s25 =	sadd.s32 $0xFFFFFF39, s24;
	s27 =	simm.s32 @!p1 $0x58  }
0x16: {  	v5 =	vld [tilespmem:s20+$0xFFFFFFD0];
	[tilespmem:s21+$0x3060 ss:$0x81] =	vst.msk $0xffff, v2;
	p1 =	sgt.s32 s11, $0xF80;
	s23 =	sshrl.u32 s23, $0xC;
	s24 =	ssub.s32 $0xC8, s24  }
0x17: {  	v58 =	vld [tilespmem:s20+$0xFFFFFFE0];
	[tilespmem:s21+$0x0 ss:$0x81] =	vst.msk $0xffff, v1;
	s28 =	simm.s32 @!p1 $0xF80;
	p1 =	sgt.s32 s25, $0x0;
	s21 =	smulhi.u32 $0x12F684C, s23  }
0x18: {  	v59 =	vld [tilespmem:s20+$0xFFFFFFF0];
	s25 =	ssub.s32 s28, s31;
	s28 =	sand.u32 s30, s9;
	s24 =	simm.s32 @p1 $0x0  }
0x19: {  	v60 =	vld [tilespmem:s20+$0x0];
	s27 =	ssub.s32 s27, s28;
	s31 =	sadd.s32 $0xFFFFF080, s25;
	s25 =	ssub.s32 $0x1000, s25  }
0x1a: {  	v61 =	vld [tilespmem:s20+$0x10];
	[tilespmem:s22+$0x3870 ss:$0x81] =	vst.msk $0xffff, v0;
	s21 =	smul.u32 $0xD8, s21;
	s28 =	sand.u32 $0x7, s11;
	p1 =	sgt.s32 s31, $0x7F  }
0x1b: {  	v62 =	vld [tilespmem:s20+$0x20];
	[tilespmem:s22+$0x810 ss:$0x81] =	vst.msk $0xffff, v5;
	s30 =	sadd.s32 $0xFFFFFFA8, s27;
	s31 =	sand.u32 $0x78, s11;
	s25 =	simm.s32 @p1 $0x0  }
0x1c: {  	v63 =	vld [tilespmem:s20+$0xFFFFFFC0];
	[tilespmem:s22+$0x1020 ss:$0x81] =	vst.msk $0xffff, v58;
	p1 =	sgt.s32 s30, $0x7F;
	s30 =	sand.u32 $0xC00, s26;
	s24 =	smul.u32 s25, s24  }
0x1d: {  	[tilespmem:s22+$0x1830 ss:$0x81] =	vst.msk $0xffff, v59;
	s26 =	ssub.s32 $0xD8, s27;
	s20 =	sor.u32 s31, s30;
	s31 =	smul.u32 $0x1B000, s10  }
0x1e: {  	[tilespmem:s22+$0x2040 ss:$0x81] =	vst.msk $0xffff, v60;
	s21 =	ssub.s32 s23, s21;
	s26 =	simm.s32 @p1 $0x0;
	s20 =	sor.u32 s29, s20  }
0x1f: {  	[tilespmem:s22+$0x2850 ss:$0x81] =	vst.msk $0xffff, v61;
	s26 =	smul.u32 s26, s24;
	s20 =	sshrl.u32 s20, $0x3;
	s27 =	sadd.s32 s3, s31  }
0x20: {  	[tilespmem:s22+$0x3060 ss:$0x81] =	vst.msk $0xffff, v62;
	s21 =	sshll.u32 s21, $0x9;
	s29 =	sshll.u32 s28, $0x12;
	s20 =	sadd.s32 s20, s27  }
0x21: {  	[tilespmem:s22+$0x0 ss:$0x81] =	vst.msk $0xffff, v63;
	s31 =	sor.u32 $0x400, s29;
	s30 =	sand.u32 $0x3FFFFFFF, s26;
	s20 =	sadd.s32 s21, s20  }
0x22: {  	[hbm4b:s20+s31] =	stream.strided.scatter [tilespmem:s19], [sflag:$0x2], s30, s8, s31, $0x20;
	[tilespmem:$0x10100] =	vst v63  }
.LBB1_5:
0x23: {  	p1 =	slt.u32 s15, $0x2  }
0x24: {  	p2 =	sgt.s32 @!p1 s18, $0xC7  }
0x25: {  	s19 =	smov.u32 s18;
	s20 =	sshra.s32 @!p1 s18, $0x1F;
	p2 =	por !p2, p1  }
0x26: {  	s18 =	sand.u32 @!p1 s20, s18;
	s19 =	simm.s32 @p2 $0xC7  }
0x27: {  	p3 =	sgt.s32 @!p1 s16, $0x58;
	s18 =	ssub.s32 @!p1 s19, s18  }
0x28: {  	p4 =	sgt.s32 @!p1 s17, $0xF80;
	s21 =	sshra.s32 @!p1 s17, $0x1F;
	s19 =	sadd.s32 @!p1 $0xFFFFFF39, s18  }
0x29: {  	s20 =	smov.u32 s16;
	p2 =	sgt.s32 @!p1 s19, $0x0;
	s19 =	sshra.s32 @!p1 s16, $0x1F  }
0x2a: {  	p4 =	por !p4, p1;
	s16 =	sand.u32 @!p1 s19, s16;
	s19 =	smov.u32 s17  }
0x2b: {  	p3 =	por !p3, p1;
	s17 =	sand.u32 @!p1 s21, s17;
	s19 =	simm.s32 @p4 $0xF80  }
0x2c: {  	s20 =	simm.s32 @p3 $0x58;
	s18 =	ssub.s32 @!p1 $0xC8, s18;
	s17 =	ssub.s32 @!p1 s19, s17  }
0x2d: {  	p2 =	por !p2, p1;
	s16 =	ssub.s32 @!p1 s20, s16;
	s20 =	sadd.s32 @!p1 $0xFFFFF080, s17  }
0x2e: {  	s18 =	simm.s32 @!p2 $0x0;
	p3 =	sgt.s32 @!p1 s20, $0x7F  }
0x2f: {  	s19 =	sadd.s32 @!p1 $0xFFFFFFA8, s16;
	s17 =	ssub.s32 @!p1 $0x1000, s17;
	p3 =	por !p3, p1  }
0x30: {  	p2 =	sgt.s32 @!p1 s19, $0x7F;
	s19 =	sadd.s32 $0x80, s12;
	s17 =	simm.s32 @!p3 $0x0  }
0x31: {  	p3 =	sgt.s32 s19, $0xD7;
	s17 =	smul.u32 @!p1 s17, s18;
	s18 =	simm.s32 $0x1  }
0x32: {  	s16 =	ssub.s32 @!p1 $0xD8, s16;
	p2 =	por !p2, p1;
	s18 =	simm.s32 @!p3 $0x0  }
0x33: {  	s21 =	smov.u32 s14;
	s16 =	simm.s32 @!p2 $0x0;
	s20 =	sadd.s32 s18, s13  }
0x34: {  	s16 =	smul.u32 @!p1 s16, s17;
	s17 =	sadd.s32 $0x1000, s14;
	p2 =	sgt.s32 s20, $0xC7  }
0x35: {  	p0 =	por !p0, !p0;
	s22 =	simm.s32 @!p1 $0x2;
	s21 =	smov.u32 @p2 s17  }
0x36: {  	s19 =	simm.s32 @p3 $0x0;
	s20 =	simm.s32 @p2 $0x0;
	p2 =	sgt.s32 s21, $0xFFF  }
0x37: {  	s18 =	smov.u32 s10;
	s21 =	smov.u32 @p2 s2;
	p2 =	sne.s32 s15, s7  }
.Ltmp1:
0x38: {  	s10 =	smov.u32 s13;
	s16 =	sand.u32 @!p1 $0x3FFFFFFF, s16;
	(pc) =	sbr.rel @!p2 .LBB1_6-.Ltmp1, $4  }
0x39: {  	s17 =	smov.u32 s11;
	s11 =	smov.u32 s14;
	_ =	swait.ge @!p1 [sflag:s22], s16  }
0x3a: {  	s23 =	ssub.s32 @!p1 $0x0, s16;
	s16 =	smov.u32 s9;
	s9 =	smov.u32 s12  }
0x3b: {  	s12 =	smov.u32 s19;
	s13 =	smov.u32 s20;
	[sflag:s22] =	ssyncset.done @!p1 $0x0  }
0x3c: {  	s15 =	sadd.s32 $0x1, s15;
	[sflag:s22] =	ssyncadd.s32 @!p1 s23;
	s14 =	smov.u32 s21  }
.LBB1_1:
0x3d: {  	p1 =	sge.u32 s15, s5  }
0x3e: {  	s19 =	sshll.u32 @!p1 s13, $0x8;
	s20 =	sshll.u32 @!p1 s12, $0x3  }
0x3f: {  	s21 =	sshll.u32 @!p1 s13, $0x7;
	s19 =	sand.u32 @!p1 $0xFFFFF800, s19;
	s20 =	sand.u32 @!p1 $0xFFFFFC00, s20  }
0x40: {  	s19 =	sadd.s32 @!p1 s19, s20;
	s20 =	sand.u32 @!p1 $0x300, s21  }
0x41: {  	s19 =	sor.u32 @!p1 s20, s19  }
0x42: {  	s19 =	sshrl.u32 @!p1 s19, $0x8  }
0x43: {  	s31 =	sadd.s32 $0xFFFFFFFF, s15;
	s20 =	smulhi.u32 @!p1 $0x147AE15, s19  }
0x44: {  	s22 =	sxor.u32 @!p1 $0xFFFFFFFF, s15;
	s23 =	sand.u32 @!p1 $0x78, s12;
	s24 =	smul.u32 @!p1 $0x1900, s14  }
0x45: {  	s22 =	sshll.u32 @!p1 s22, $0xE;
	s21 =	sand.u32 @!p1 $0x80, s21;
	s20 =	smul.u32 @!p1 $0xC8, s20  }
0x46: {  	s22 =	sand.u32 @!p1 $0x4000, s22;
	s21 =	sor.u32 @!p1 s23, s21;
	s23 =	sand.u32 @!p1 $0x7, s12  }
0x47: {  	s19 =	ssub.s32 @!p1 s19, s20;
	s20 =	sshrl.u32 @!p1 s21, $0x3;
	s21 =	sadd.s32 @!p1 s6, s24  }
0x48: {  	s19 =	sshll.u32 @!p1 s19, $0x5;
	s20 =	sadd.s32 @!p1 s20, s21;
	s21 =	sshll.u32 @!p1 s23, $0x12  }
0x49: {  	s19 =	sadd.s32 @!p1 s19, s20;
	s20 =	sor.u32 @!p1 $0x80, s21;
	s21 =	simm.s32 @!p1 $0xC800  }
0x4a: {  	[tilespmem:s22], [sflag:$0x1] =	stream.strided.gather @!p1 [hbm4b:s19+s20], $0x4000, s21, s20, $0x38;
	[tilespmem:$0x10100] =	vst v63  }
0x4b: {  	p1 =	sge.u32 s31, s5  }
.Ltmp2:
0x4c: {  	_ = 	snop;
	(pc) =	sbr.rel @p1 .LBB1_5-.Ltmp2, $1  }
0x4d: {  	_ =	sdelay $0x3  }
0x4e: {  	s19 =	simm.s32 $0x1  }
0x4f: {  	_ =	swait.ge [sflag:s4], $0x4000;
	s19 =	simm.s32 @!p0 $0x0  }
0x50: {  	[sflag:s4] =	ssyncset.done $0x0;
	s20 =	sshll.u32 s19, $0xE  }
0x51: {  	[sflag:s4] =	ssyncadd.s32 $0xFFFFC000;
	s20 =	sor.u32 $0x40, s20  }
0x52: {  	s19 =	smul.u32 $0x10200, s19;
	v0 =	vld [tilespmem:s20+$0x30]  }
0x53: {  	v1 =	vld [tilespmem:s20+$0xFFFFFFD0]  }
0x54: {  	s19 =	sshrl.u32 s19, $0x2;
	v5 =	vld [tilespmem:s20+$0xFFFFFFE0]  }
0x55: {  	v6 =	vld [tilespmem:s20+$0xFFFFFFF0];
	s22 =	sor.u32 $0x8000, s19  }
0x56: {  	s31 =	sand.u32 $0x1, s15;
	v4 =	vld [tilespmem:s20+$0x0];
	s21 =	sadd.s32 $0x0, s22  }
0x57: {  	v3 =	vld [tilespmem:s20+$0x10];
	s19 =	smul.u32 $0x10200, s31;
	[tilespmem:s21+$0x3870 ss:$0x81] =	vst.msk $0xffff, v0  }
0x58: {  	v2 =	vld [tilespmem:s20+$0x20];
	[tilespmem:s21+$0x810 ss:$0x81] =	vst.msk $0xffff, v1  }
0x59: {  	s19 =	sshrl.u32 s19, $0x2;
	v1 =	vld [tilespmem:s20+$0xFFFFFFC0];
	[tilespmem:s21+$0x1020 ss:$0x81] =	vst.msk $0xffff, v5;
	s20 =	sadd.s32 $0x80, s20  }
0x5a: {  	s23 =	simm.s32 $0x4;
	s24 =	simm.s32 $0x8;
	s19 =	sor.u32 $0x8000, s19;
	[tilespmem:s21+$0x1830 ss:$0x81] =	vst.msk $0xffff, v6;
	v0 =	vld [tilespmem:s20+$0x30]  }
.LBB1_3:
0x5b: {  	p1 =	sne.s32 s24, $0x1FC;
	v5 =	vld [tilespmem:s20+$0xFFFFFFD0];
	[tilespmem:s21+$0x2040 ss:$0x81] =	vst.msk $0xffff, v4  }
0x5c: {  	v6 =	vld [tilespmem:s20+$0xFFFFFFE0];
	[tilespmem:s21+$0x2850 ss:$0x81] =	vst.msk $0xffff, v3  }
0x5d: {  	s25 =	sshra.s32 s23, $0x2;
	s23 =	smov.u32 s24;
	v7 =	vld [tilespmem:s20+$0xFFFFFFF0];
	[tilespmem:s21+$0x3060 ss:$0x81] =	vst.msk $0xffff, v2  }
.Ltmp3:
0x5e: {  	v4 =	vld [tilespmem:s20+$0x0];
	[tilespmem:s21+$0x0 ss:$0x81] =	vst.msk $0xffff, v1;
	s21 =	sadd.s32 s25, s22;
	(pc) =	sbr.rel @p1 .LBB1_3-.Ltmp3, $4  }
0x5f: {  	v3 =	vld [tilespmem:s20+$0x10];
	[tilespmem:s21+$0x3870 ss:$0x81] =	vst.msk $0xffff, v0  }
0x60: {  	[tilespmem:s21+$0x810 ss:$0x81] =	vst.msk $0xffff, v5;
	v2 =	vld [tilespmem:s20+$0x20]  }
0x61: {  	v1 =	vld [tilespmem:s20+$0xFFFFFFC0];
	[tilespmem:s21+$0x1020 ss:$0x81] =	vst.msk $0xffff, v6;
	s20 =	sadd.s32 $0x80, s20  }
0x62: {  	s24 =	sadd.s32 $0x4, s24;
	v0 =	vld [tilespmem:s20+$0x30];
	[tilespmem:s21+$0x1830 ss:$0x81] =	vst.msk $0xffff, v7  }
.Ltmp4:
0x63: {  	_ = 	snop;
	(pc) =	sbr.rel .LBB1_4-.Ltmp4, $1  }
0x64: {  	_ =	sdelay $0x3  }
.LBB1_6:
0x65: {  	_ =	sfence.sel $0x180000  }
0x66: {  	s2 =	simm.s32 $0x1;
	[bflag:$0x0] =	sbarrier.arrive $0xFFFF  }
0x67: {  	s31 =	simm.s32 $0x2;
	[sflag:s2] =	ssyncpa.u1 $0x1  }
0x68: {  	[sflag:s31] =	ssyncpa.u1 $0x1  }
0x69: {  	p0 =	sne.s32 s0, $0x0;
	_ =	strace $0x9000004A  }
0x6a: {  	s0 =	sadd.s32 @!p0 $0x100000, s1;
	[bflag:$0x2] =	sbarrier.arrive $0xFFFF  }
0x6b: {  	[sflag:s0] =	ssyncadd.tile.s32 @!p0 $0x1;
	_ =	shalt  }
.Lfunc_end1:
_tile_overlayer_lowered:
.L_overlay_start_2:
0x6c: {  	(tag) =	ssettag $0x2  }
0x6d: {  	s0 =	rddreg [dreg:$0x0];
	s2 =	stileid.u32  }
0x6e: {  	s1 =	rddreg [dreg:$0x1];
	p0 =	sne.s32 s2, $0x0  }
0x6f: {  	s3 =	rddreg [dreg:$0x2];
	[bflag:$0x3] =	sbarrier.arrive $0xFFFF;
	s2 =	simm.s32 @!p0 $0x1C01  }
0x70: {  	[timem:s3], [sflag:s2] =	dma.local @!p0 [hbm:s0], s1  }
0x71: {  	s0 =	simm.s32 @!p0 $0x1  }
0x72: {  	_ =	swait.ge @!p0 [sflag:s0], s1  }
0x73: {  	s1 =	ssub.s32 @!p0 $0x0, s1;
	[sflag:s0] =	ssyncset.done @!p0 $0x0  }
0x74: {  	[sflag:s0] =	ssyncadd.s32 @!p0 s1  }
0x75: {  	[bflag:$0x3] =	sbarrier.arrive $0xFFFF  }
0x76: {  	_ =	shalt  }

</sc_bundles>
